<compile_context>
chip_gen: v7x
topology: tpu7x:2x2x1
jax: 0.10.2.dev20260603
libtpu: 0.0.44.dev20260713+nightly
codegen_flags: <defaults>
</compile_context>

<pallas_src>
import functools
import math

import jax
import jax.numpy as jnp
from jax import lax
from jax.experimental import pallas as pl
from jax.experimental.pallas import tpu as pltpu
from jax.experimental.pallas import tpu_sc as plsc


def _sc_attn(qkvT, idx, usm, *, units, width, heads, dm):
    info = plsc.get_sparse_core_info()
    nc, ns = info.num_cores, info.num_subcores
    nw = nc * ns
    upw = units // nw
    scale = -1.0 / math.sqrt(width)

    mesh = plsc.VectorSubcoreMesh(core_axis_name="c", subcore_axis_name="s")

    row = width * heads
    C = 16
    npairs = C // 2

    @functools.partial(
        pl.kernel,
        mesh=mesh,
        out_type=jax.ShapeDtypeStruct((units, row), jnp.float32),
        scratch_types=[
            pltpu.VMEM((upw, dm), jnp.int32),
            pltpu.VMEM((2, dm, row), jnp.float32),
            pltpu.VMEM((2, dm, row), jnp.float32),
            pltpu.VMEM((C, row), jnp.float32),
            pltpu.VMEM((C, row), jnp.float32),
            pltpu.VMEM((16,), jnp.int32),
            pltpu.SemaphoreType.DMA,
            pltpu.SemaphoreType.DMA,
            pltpu.SemaphoreType.DMA,
            pltpu.SemaphoreType.DMA,
        ],
    )
    def body(qT_h, kT_h, vT_h, idx_h, usm_h, out_h,
             idx_v, kbuf, vbuf, qslab, oslab, usm_v,
             semk0, semk1, semv0, semv1):
        wid = lax.axis_index("s") * nc + lax.axis_index("c")
        base = wid * upw
        semk = (semk0, semk1)
        semv = (semv0, semv1)
        pltpu.sync_copy(idx_h.at[pl.ds(base, upw)], idx_v)
        pltpu.sync_copy(usm_h, usm_v)
        use_soft = usm_v[...] != 0

        def issue(u, p):
            pltpu.async_copy(kT_h.at[idx_v.at[u]], kbuf.at[p], semk[p])
            pltpu.async_copy(vT_h.at[idx_v.at[u]], vbuf.at[p], semv[p])

        def drain_k(p):
            pltpu.make_async_copy(kT_h.at[pl.ds(0, dm)], kbuf.at[p],
                                  semk[p]).wait()

        def drain_v(p):
            pltpu.make_async_copy(vT_h.at[pl.ds(0, dm)], vbuf.at[p],
                                  semv[p]).wait()

        def drain(p):
            drain_k(p)
            drain_v(p)

        def compute(qi, p):
            drain_k(p)

            def wbody(w, ww):
                qv = qslab[qi, pl.ds(w * heads, 16)]
                return tuple(
                    ww[s] + jnp.abs(qv - kbuf[p, s, pl.ds(w * heads, 16)])
                    for s in range(dm))

            ww0 = tuple(jnp.zeros((16,), jnp.float32) for _ in range(dm))
            ww = lax.fori_loop(0, width, wbody, ww0, unroll=2)
            drain_v(p)

            logit = [x * scale for x in ww]
            m = functools.reduce(jnp.maximum, logit)
            e = [jnp.exp(x - m) for x in logit]
            tot = functools.reduce(lambda a, b: a + b, e)
            r = 1.0 / tot
            att = [jnp.where(use_soft, ei * r, li)
                   for ei, li in zip(e, logit)]

            def obody(w, carry2):
                acc = att[0] * vbuf[p, 0, pl.ds(w * heads, 16)]
                for s in range(1, dm):
                    acc = acc + att[s] * vbuf[p, s, pl.ds(w * heads, 16)]
                oslab[qi, pl.ds(w * heads, 16)] = acc
                return carry2

            lax.fori_loop(0, width, obody, 0, unroll=2)

        issue(0, 0)

        def chunk(c, carry):
            cbase = base + c * C
            pltpu.sync_copy(qT_h.at[pl.ds(cbase, C)], qslab)

            def pair(jj, carry2):
                u = c * C + jj * 2
                for b in range(2):
                    nxt = jnp.minimum(u + b + 1, upw - 1)
                    issue(nxt, 1 - b)
                    compute(jj * 2 + b, b)
                return carry2

            lax.fori_loop(0, npairs, pair, 0)
            pltpu.sync_copy(oslab, out_h.at[pl.ds(cbase, C)])
            return carry

        lax.fori_loop(0, upw // C, chunk, 0)
        drain(0)

    return body(qkvT[0], qkvT[1], qkvT[2], idx, usm)


def kernel(v, q, k, coo, dst_mxlen, use_softmax):
    bs, n_tok, n_heads, width = q.shape
    cl = coo.shape[0]
    dm = cl // n_tok
    qkvT = [x.transpose(0, 1, 3, 2).reshape(bs * n_tok, width * n_heads)
            for x in (q, k, v)]
    src = coo[:, 1].astype(jnp.int32).reshape(n_tok, dm)
    idx = jnp.concatenate([src + i * n_tok for i in range(bs)], axis=0)
    usm = jnp.full((16,), use_softmax, jnp.int32)
    outT = _sc_attn(qkvT, idx, usm,
                    units=bs * n_tok, width=width, heads=n_heads, dm=dm)
    return outT.reshape(bs, n_tok, width, n_heads).transpose(0, 1, 3, 2)


_ = pl.pallas_call

# --- scband reference (transcript-rebuilt; emitter-appended) ---
"""Pipeline reference for scband-l1-attn-sparse-38147899523350 (READ-ONLY COPY).

The authoritative reference and input builder live on the scoring server;
editing this copy changes nothing except your own understanding.
"""

import jax, jax.numpy as jnp
import numpy as np
import math

BS, N_TOK, N_HEADS, WIDTH = 2, 2048, 16, 64
DST_MXLEN = 16
CL = N_TOK * DST_MXLEN


def setup_inputs(seed: int = 0) -> dict:
    key = jax.random.key(seed)
    kq, kk, kv, ks = jax.random.split(key, 4)
    q = jax.random.normal(kq, (BS, N_TOK, N_HEADS, WIDTH), dtype=jnp.float32)
    k = jax.random.normal(kk, (BS, N_TOK, N_HEADS, WIDTH), dtype=jnp.float32)
    v = jax.random.normal(kv, (BS, N_TOK, N_HEADS, WIDTH), dtype=jnp.float32)
    # structured coo: each dst token attends to DST_MXLEN random src tokens,
    # columns are (dst, src, slot) with slot < dst_mxlen unique per dst
    dst = jnp.repeat(jnp.arange(N_TOK, dtype=jnp.int64), DST_MXLEN)
    slot = jnp.tile(jnp.arange(DST_MXLEN, dtype=jnp.int64), N_TOK)
    src = jax.random.randint(ks, (CL,), 0, N_TOK).astype(jnp.int64)
    coo = jnp.stack([dst, src, slot], axis=1)
    return {"v": v, "q": q, "k": k, "coo": coo, "dst_mxlen": DST_MXLEN, "use_softmax": 1}


def reference(v, q, k, coo, dst_mxlen, use_softmax):
    bs, n_tok, n_heads, width = q.shape
    cl = coo.shape[0]
    dm = cl // n_tok
    scale = -1.0 / math.sqrt(width)
    # gather q at dst and k at src for every coo entry
    qq = q[:, coo[:, 0], :, :]  # [bs, cl, h, w]
    kk = k[:, coo[:, 1], :, :]  # [bs, cl, h, w]
    ww = jnp.sum(jnp.abs(qq - kk), axis=-1) * scale  # [bs, cl, h]
    # scatter L1 attention logits into dense [bs, n_tok, dst_mxlen, h]
    zero_dep = (jnp.asarray(dst_mxlen) - jnp.asarray(dst_mxlen)).astype(q.dtype)
    attn_logits = jnp.full((bs, n_tok, dm, n_heads), -1e12, dtype=q.dtype) + zero_dep
    attn_logits = attn_logits.at[:, coo[:, 0], coo[:, 2], :].set(ww)
    attn_soft = jax.nn.softmax(attn_logits, axis=2)
    attn_raw = jnp.where(attn_logits <= -1e11, 0.0, attn_logits)
    attn = jnp.where(jnp.asarray(use_softmax) != 0, attn_soft, attn_raw)
    # scatter v at src into per-(dst, slot) buffer and reduce over slots
    vv = jnp.zeros((bs, n_tok, dm, n_heads, width), dtype=v.dtype)
    vv = vv.at[:, coo[:, 0], coo[:, 2], :, :].set(v[:, coo[:, 1], :, :])
    vo = jnp.sum(attn[..., None] * vv, axis=2)  # [bs, n_tok, h, w]
    return vo

if __name__ == "__main__":
    import jax
    _d = setup_inputs()
    print(jax.jit(kernel)(*tuple(_d.values())))

</pallas_src>

<mosaic_0001>
#map = affine_map<(d0, d1) -> (0, 0)>
#map1 = affine_map<(d0, d1) -> (0)>
module attributes {stable_mosaic.version = 14 : i64} {
  func.func @body(%arg0: i32, %arg1: i32, %arg2: memref<4096x1024xf32, #tpu.memory_space<hbm>>, %arg3: memref<4096x1024xf32, #tpu.memory_space<hbm>>, %arg4: memref<4096x1024xf32, #tpu.memory_space<hbm>>, %arg5: memref<4096x16xi32, #tpu.memory_space<hbm>>, %arg6: memref<16xi32, #tpu.memory_space<hbm>>, %arg7: memref<4096x1024xf32, #tpu.memory_space<hbm>>, %arg8: memref<128x16xi32, #tpu.memory_space<vmem>>, %arg9: memref<2x16x1024xf32, #tpu.memory_space<vmem>>, %arg10: memref<2x16x1024xf32, #tpu.memory_space<vmem>>, %arg11: memref<16x1024xf32, #tpu.memory_space<vmem>>, %arg12: memref<16x1024xf32, #tpu.memory_space<vmem>>, %arg13: memref<16xi32, #tpu.memory_space<vmem>>, %arg14: memref<!tpu.dma_semaphore, #tpu.memory_space<semaphore_mem>>, %arg15: memref<!tpu.dma_semaphore, #tpu.memory_space<semaphore_mem>>, %arg16: memref<!tpu.dma_semaphore, #tpu.memory_space<semaphore_mem>>, %arg17: memref<!tpu.dma_semaphore, #tpu.memory_space<semaphore_mem>>) attributes {dimension_semantics = [#tpu.dimension_semantics<core_parallel>, #tpu.dimension_semantics<subcore_parallel>], iteration_bounds = array<i64: 2, 16>, scalar_prefetch = 0 : i64, scratch_operands = 10 : i64, tpu.core_type = #tpu.core_type<sc_vector_subcore>, window_params = [{transform_indices = #map}, {transform_indices = #map}, {transform_indices = #map}, {transform_indices = #map}, {transform_indices = #map1}, {transform_indices = #map}]} {
    %mul3A = arith.constant 2 : i32
    %mul3A_0 = arith.muli %arg1, %mul3A : i32
    %add3A = arith.addi %mul3A_0, %arg0 : i32
    %mul3A_1 = arith.constant 128 : i32
    %mul3A_2 = arith.muli %add3A, %mul3A_1 : i32
    "tpu.region"() ({
      %run_scoped3A = tpu.sem_alloc : memref<!tpu.dma_semaphore, #tpu.memory_space<semaphore_mem>>
      %dma_start3A_64 = arith.constant 0 : i32
      %dma_start3A_65 = tpu.memref_slice %arg5[%mul3A_2, %dma_start3A_64] : memref<4096x16xi32, #tpu.memory_space<hbm>> -> memref<128x16xi32, #tpu.memory_space<hbm>>
      %dma_start3A_66 = arith.constant 0 : i32
      %dma_start3A_67 = tpu.memref_slice %arg5[%mul3A_2, %dma_start3A_66] : memref<4096x16xi32, #tpu.memory_space<hbm>> -> memref<128x16xi32, #tpu.memory_space<hbm>>
      tpu.enqueue_dma source(%dma_start3A_67 : memref<128x16xi32, #tpu.memory_space<hbm>>) target(%arg8 : memref<128x16xi32, #tpu.memory_space<vmem>>) target_semaphore(%run_scoped3A : memref<!tpu.dma_semaphore, #tpu.memory_space<semaphore_mem>>)
      %dma_wait3A_68 = arith.constant 0 : i32
      %dma_wait3A_69 = tpu.memref_slice %arg5[%mul3A_2, %dma_wait3A_68] : memref<4096x16xi32, #tpu.memory_space<hbm>> -> memref<128x16xi32, #tpu.memory_space<hbm>>
      %dma_wait3A_70 = arith.constant 0 : i32
      %dma_wait3A_71 = tpu.memref_slice %arg5[%mul3A_2, %dma_wait3A_70] : memref<4096x16xi32, #tpu.memory_space<hbm>> -> memref<128x16xi32, #tpu.memory_space<hbm>>
      tpu.wait_dma2 semaphore(%run_scoped3A : memref<!tpu.dma_semaphore, #tpu.memory_space<semaphore_mem>>) src(%dma_wait3A_71 : memref<128x16xi32, #tpu.memory_space<hbm>>) dst(%arg8 : memref<128x16xi32, #tpu.memory_space<vmem>>)
      tpu.yield
    }) : () -> ()
    "tpu.region"() ({
      %run_scoped3A = tpu.sem_alloc : memref<!tpu.dma_semaphore, #tpu.memory_space<semaphore_mem>>
      tpu.enqueue_dma source(%arg6 : memref<16xi32, #tpu.memory_space<hbm>>) target(%arg13 : memref<16xi32, #tpu.memory_space<vmem>>) target_semaphore(%run_scoped3A : memref<!tpu.dma_semaphore, #tpu.memory_space<semaphore_mem>>)
      tpu.wait_dma2 semaphore(%run_scoped3A : memref<!tpu.dma_semaphore, #tpu.memory_space<semaphore_mem>>) src(%arg6 : memref<16xi32, #tpu.memory_space<hbm>>) dst(%arg13 : memref<16xi32, #tpu.memory_space<vmem>>)
      tpu.yield
    }) : () -> ()
    %get3A = arith.constant 0 : index
    %get3A_3 = tpu.vector_load %arg13[%get3A] {strides = array<i32>} : memref<16xi32, #tpu.memory_space<vmem>>, vector<16xi32>,
    %get3A_4 = vector.shape_cast %get3A_3 : vector<16xi32> to vector<16xi32>
    %ne3A = arith.constant 0 : i32
    %ne3A_5 = vector.broadcast %ne3A : i32 to vector<16xi32>
    %ne3A_6 = arith.cmpi ne, %get3A_4, %ne3A_5 : vector<16xi32>
    %dma_start3A = arith.constant 0 : i32
    %dma_start3A_7 = arith.constant 0 : i32
    %dma_start3A_8 = arith.constant 0 : i32
    %dma_start3A_9 = arith.constant 0 : i32
    %dma_start3A_10 = tpu.memref_slice %arg9[%dma_start3A_7, %dma_start3A_8, %dma_start3A_9] : memref<2x16x1024xf32, #tpu.memory_space<vmem>> -> memref<1x16x1024xf32, #tpu.memory_space<vmem>>
    %dma_start3A_11 = tpu.memref_squeeze %dma_start3A_10 : memref<1x16x1024xf32, #tpu.memory_space<vmem>> -> memref<16x1024xf32, #tpu.memory_space<vmem>>
    %dma_start3A_12 = arith.constant 0 : i32
    %dma_start3A_13 = tpu.memref_slice %arg8[%dma_start3A, %dma_start3A_12] : memref<128x16xi32, #tpu.memory_space<vmem>> -> memref<1x16xi32, #tpu.memory_space<vmem>>
    %dma_start3A_14 = tpu.memref_squeeze %dma_start3A_13 : memref<1x16xi32, #tpu.memory_space<vmem>> -> memref<16xi32, #tpu.memory_space<vmem>>
    %dma_start3A_15 = arith.constant 0 : i32
    %dma_start3A_16 = arith.constant 0 : i32
    %dma_start3A_17 = tpu.memref_slice %arg3[%dma_start3A_15, %dma_start3A_16] : memref<4096x1024xf32, #tpu.memory_space<hbm>> -> memref<4096x1024xf32, #tpu.memory_space<hbm>>
    tpu.enqueue_indirect_dma source(%dma_start3A_17 : memref<4096x1024xf32, #tpu.memory_space<hbm>>) target(%dma_start3A_11 : memref<16x1024xf32, #tpu.memory_space<vmem>>) offsets(%dma_start3A_14 : memref<16xi32, #tpu.memory_space<vmem>>) semaphore(%arg14 : memref<!tpu.dma_semaphore, #tpu.memory_space<semaphore_mem>>)
    %dma_start3A_18 = arith.constant 0 : i32
    %dma_start3A_19 = arith.constant 0 : i32
    %dma_start3A_20 = arith.constant 0 : i32
    %dma_start3A_21 = arith.constant 0 : i32
    %dma_start3A_22 = tpu.memref_slice %arg10[%dma_start3A_19, %dma_start3A_20, %dma_start3A_21] : memref<2x16x1024xf32, #tpu.memory_space<vmem>> -> memref<1x16x1024xf32, #tpu.memory_space<vmem>>
    %dma_start3A_23 = tpu.memref_squeeze %dma_start3A_22 : memref<1x16x1024xf32, #tpu.memory_space<vmem>> -> memref<16x1024xf32, #tpu.memory_space<vmem>>
    %dma_start3A_24 = arith.constant 0 : i32
    %dma_start3A_25 = tpu.memref_slice %arg8[%dma_start3A_18, %dma_start3A_24] : memref<128x16xi32, #tpu.memory_space<vmem>> -> memref<1x16xi32, #tpu.memory_space<vmem>>
    %dma_start3A_26 = tpu.memref_squeeze %dma_start3A_25 : memref<1x16xi32, #tpu.memory_space<vmem>> -> memref<16xi32, #tpu.memory_space<vmem>>
    %dma_start3A_27 = arith.constant 0 : i32
    %dma_start3A_28 = arith.constant 0 : i32
    %dma_start3A_29 = tpu.memref_slice %arg4[%dma_start3A_27, %dma_start3A_28] : memref<4096x1024xf32, #tpu.memory_space<hbm>> -> memref<4096x1024xf32, #tpu.memory_space<hbm>>
    tpu.enqueue_indirect_dma source(%dma_start3A_29 : memref<4096x1024xf32, #tpu.memory_space<hbm>>) target(%dma_start3A_23 : memref<16x1024xf32, #tpu.memory_space<vmem>>) offsets(%dma_start3A_26 : memref<16xi32, #tpu.memory_space<vmem>>) semaphore(%arg16 : memref<!tpu.dma_semaphore, #tpu.memory_space<semaphore_mem>>)
    %scan3A = arith.constant 0 : i32
    %scan3A_30 = arith.constant 0 : i32
    %scan3A_31 = arith.constant 8 : i32
    %scan3A_32 = arith.addi %scan3A_30, %scan3A_31 : i32
    %scan3A_33 = arith.constant 1 : i32
    scf.for %scan3A_64 = %scan3A_30 to %scan3A_32 step %scan3A_33  : i32 {
      %mul3A_65 = arith.constant 16 : i32
      %mul3A_66 = arith.muli %scan3A_64, %mul3A_65 : i32
      %add3A_67 = arith.addi %mul3A_2, %mul3A_66 : i32
      "tpu.region"() ({
        %run_scoped3A = tpu.sem_alloc : memref<!tpu.dma_semaphore, #tpu.memory_space<semaphore_mem>>
        %dma_start3A_74 = arith.constant 0 : i32
        %dma_start3A_75 = tpu.memref_slice %arg2[%add3A_67, %dma_start3A_74] : memref<4096x1024xf32, #tpu.memory_space<hbm>> -> memref<16x1024xf32, #tpu.memory_space<hbm>>
        %dma_start3A_76 = arith.constant 0 : i32
        %dma_start3A_77 = tpu.memref_slice %arg2[%add3A_67, %dma_start3A_76] : memref<4096x1024xf32, #tpu.memory_space<hbm>> -> memref<16x1024xf32, #tpu.memory_space<hbm>>
        tpu.enqueue_dma source(%dma_start3A_77 : memref<16x1024xf32, #tpu.memory_space<hbm>>) target(%arg11 : memref<16x1024xf32, #tpu.memory_space<vmem>>) target_semaphore(%run_scoped3A : memref<!tpu.dma_semaphore, #tpu.memory_space<semaphore_mem>>)
        %dma_wait3A_78 = arith.constant 0 : i32
        %dma_wait3A_79 = tpu.memref_slice %arg2[%add3A_67, %dma_wait3A_78] : memref<4096x1024xf32, #tpu.memory_space<hbm>> -> memref<16x1024xf32, #tpu.memory_space<hbm>>
        %dma_wait3A_80 = arith.constant 0 : i32
        %dma_wait3A_81 = tpu.memref_slice %arg2[%add3A_67, %dma_wait3A_80] : memref<4096x1024xf32, #tpu.memory_space<hbm>> -> memref<16x1024xf32, #tpu.memory_space<hbm>>
        tpu.wait_dma2 semaphore(%run_scoped3A : memref<!tpu.dma_semaphore, #tpu.memory_space<semaphore_mem>>) src(%dma_wait3A_81 : memref<16x1024xf32, #tpu.memory_space<hbm>>) dst(%arg11 : memref<16x1024xf32, #tpu.memory_space<vmem>>)
        tpu.yield
      }) : () -> ()
      %scan3A_68 = arith.constant 0 : i32
      %scan3A_69 = arith.constant 0 : i32
      %scan3A_70 = arith.constant 8 : i32
      %scan3A_71 = arith.addi %scan3A_69, %scan3A_70 : i32
      %scan3A_72 = arith.constant 1 : i32
      scf.for %scan3A_74 = %scan3A_69 to %scan3A_71 step %scan3A_72  : i32 {
        %mul3A_75 = arith.constant 16 : i32
        %mul3A_76 = arith.muli %scan3A_64, %mul3A_75 : i32
        %mul3A_77 = arith.constant 2 : i32
        %mul3A_78 = arith.muli %scan3A_74, %mul3A_77 : i32
        %add3A_79 = arith.addi %mul3A_76, %mul3A_78 : i32
        %add3A_80 = arith.constant 0 : i32
        %add3A_81 = arith.addi %add3A_79, %add3A_80 : i32
        %add3A_82 = arith.constant 1 : i32
        %add3A_83 = arith.addi %add3A_81, %add3A_82 : i32
        %min3A = arith.constant 127 : i32
        %min3A_84 = arith.minsi %add3A_83, %min3A : i32
        %dma_start3A_85 = arith.constant 1 : i32
        %dma_start3A_86 = arith.constant 0 : i32
        %dma_start3A_87 = arith.constant 0 : i32
        %dma_start3A_88 = tpu.memref_slice %arg9[%dma_start3A_85, %dma_start3A_86, %dma_start3A_87] : memref<2x16x1024xf32, #tpu.memory_space<vmem>> -> memref<1x16x1024xf32, #tpu.memory_space<vmem>>
        %dma_start3A_89 = tpu.memref_squeeze %dma_start3A_88 : memref<1x16x1024xf32, #tpu.memory_space<vmem>> -> memref<16x1024xf32, #tpu.memory_space<vmem>>
        %dma_start3A_90 = arith.constant 0 : i32
        %dma_start3A_91 = tpu.memref_slice %arg8[%min3A_84, %dma_start3A_90] : memref<128x16xi32, #tpu.memory_space<vmem>> -> memref<1x16xi32, #tpu.memory_space<vmem>>
        %dma_start3A_92 = tpu.memref_squeeze %dma_start3A_91 : memref<1x16xi32, #tpu.memory_space<vmem>> -> memref<16xi32, #tpu.memory_space<vmem>>
        %dma_start3A_93 = arith.constant 0 : i32
        %dma_start3A_94 = arith.constant 0 : i32
        %dma_start3A_95 = tpu.memref_slice %arg3[%dma_start3A_93, %dma_start3A_94] : memref<4096x1024xf32, #tpu.memory_space<hbm>> -> memref<4096x1024xf32, #tpu.memory_space<hbm>>
        tpu.enqueue_indirect_dma source(%dma_start3A_95 : memref<4096x1024xf32, #tpu.memory_space<hbm>>) target(%dma_start3A_89 : memref<16x1024xf32, #tpu.memory_space<vmem>>) offsets(%dma_start3A_92 : memref<16xi32, #tpu.memory_space<vmem>>) semaphore(%arg15 : memref<!tpu.dma_semaphore, #tpu.memory_space<semaphore_mem>>)
        %dma_start3A_96 = arith.constant 1 : i32
        %dma_start3A_97 = arith.constant 0 : i32
        %dma_start3A_98 = arith.constant 0 : i32
        %dma_start3A_99 = tpu.memref_slice %arg10[%dma_start3A_96, %dma_start3A_97, %dma_start3A_98] : memref<2x16x1024xf32, #tpu.memory_space<vmem>> -> memref<1x16x1024xf32, #tpu.memory_space<vmem>>
        %dma_start3A_100 = tpu.memref_squeeze %dma_start3A_99 : memref<1x16x1024xf32, #tpu.memory_space<vmem>> -> memref<16x1024xf32, #tpu.memory_space<vmem>>
        %dma_start3A_101 = arith.constant 0 : i32
        %dma_start3A_102 = tpu.memref_slice %arg8[%min3A_84, %dma_start3A_101] : memref<128x16xi32, #tpu.memory_space<vmem>> -> memref<1x16xi32, #tpu.memory_space<vmem>>
        %dma_start3A_103 = tpu.memref_squeeze %dma_start3A_102 : memref<1x16xi32, #tpu.memory_space<vmem>> -> memref<16xi32, #tpu.memory_space<vmem>>
        %dma_start3A_104 = arith.constant 0 : i32
        %dma_start3A_105 = arith.constant 0 : i32
        %dma_start3A_106 = tpu.memref_slice %arg4[%dma_start3A_104, %dma_start3A_105] : memref<4096x1024xf32, #tpu.memory_space<hbm>> -> memref<4096x1024xf32, #tpu.memory_space<hbm>>
        tpu.enqueue_indirect_dma source(%dma_start3A_106 : memref<4096x1024xf32, #tpu.memory_space<hbm>>) target(%dma_start3A_100 : memref<16x1024xf32, #tpu.memory_space<vmem>>) offsets(%dma_start3A_103 : memref<16xi32, #tpu.memory_space<vmem>>) semaphore(%arg17 : memref<!tpu.dma_semaphore, #tpu.memory_space<semaphore_mem>>)
        %mul3A_107 = arith.constant 2 : i32
        %mul3A_108 = arith.muli %scan3A_74, %mul3A_107 : i32
        %add3A_109 = arith.constant 0 : i32
        %add3A_110 = arith.addi %mul3A_108, %add3A_109 : i32
        %dma_wait3A_111 = arith.constant 0 : i32
        %dma_wait3A_112 = arith.constant 0 : i32
        %dma_wait3A_113 = arith.constant 0 : i32
        %dma_wait3A_114 = tpu.memref_slice %arg9[%dma_wait3A_111, %dma_wait3A_112, %dma_wait3A_113] : memref<2x16x1024xf32, #tpu.memory_space<vmem>> -> memref<1x16x1024xf32, #tpu.memory_space<vmem>>
        %dma_wait3A_115 = tpu.memref_squeeze %dma_wait3A_114 : memref<1x16x1024xf32, #tpu.memory_space<vmem>> -> memref<16x1024xf32, #tpu.memory_space<vmem>>
        %dma_wait3A_116 = arith.constant 0 : i32
        %dma_wait3A_117 = arith.constant 0 : i32
        %dma_wait3A_118 = tpu.memref_slice %arg3[%dma_wait3A_116, %dma_wait3A_117] : memref<4096x1024xf32, #tpu.memory_space<hbm>> -> memref<16x1024xf32, #tpu.memory_space<hbm>>
        %dma_wait3A_119 = arith.constant 0 : i32
        %dma_wait3A_120 = arith.constant 0 : i32
        %dma_wait3A_121 = tpu.memref_slice %arg9[%dma_wait3A_111, %dma_wait3A_119, %dma_wait3A_120] : memref<2x16x1024xf32, #tpu.memory_space<vmem>> -> memref<1x16x1024xf32, #tpu.memory_space<vmem>>
        %dma_wait3A_122 = tpu.memref_squeeze %dma_wait3A_121 : memref<1x16x1024xf32, #tpu.memory_space<vmem>> -> memref<16x1024xf32, #tpu.memory_space<vmem>>
        %dma_wait3A_123 = arith.constant 0 : i32
        %dma_wait3A_124 = arith.constant 0 : i32
        %dma_wait3A_125 = tpu.memref_slice %arg3[%dma_wait3A_123, %dma_wait3A_124] : memref<4096x1024xf32, #tpu.memory_space<hbm>> -> memref<16x1024xf32, #tpu.memory_space<hbm>>
        tpu.wait_dma2 semaphore(%arg14 : memref<!tpu.dma_semaphore, #tpu.memory_space<semaphore_mem>>) src(%dma_wait3A_125 : memref<16x1024xf32, #tpu.memory_space<hbm>>) dst(%dma_wait3A_122 : memref<16x1024xf32, #tpu.memory_space<vmem>>)
        %broadcast_in_dim3A = arith.constant 0.000000e+00 : f32
        %broadcast_in_dim3A_126 = vector.broadcast %broadcast_in_dim3A : f32 to vector<16xf32>
        %broadcast_in_dim3A_127 = arith.constant 0.000000e+00 : f32
        %broadcast_in_dim3A_128 = vector.broadcast %broadcast_in_dim3A_127 : f32 to vector<16xf32>
        %broadcast_in_dim3A_129 = arith.constant 0.000000e+00 : f32
        %broadcast_in_dim3A_130 = vector.broadcast %broadcast_in_dim3A_129 : f32 to vector<16xf32>
        %broadcast_in_dim3A_131 = arith.constant 0.000000e+00 : f32
        %broadcast_in_dim3A_132 = vector.broadcast %broadcast_in_dim3A_131 : f32 to vector<16xf32>
        %broadcast_in_dim3A_133 = arith.constant 0.000000e+00 : f32
        %broadcast_in_dim3A_134 = vector.broadcast %broadcast_in_dim3A_133 : f32 to vector<16xf32>
        %broadcast_in_dim3A_135 = arith.constant 0.000000e+00 : f32
        %broadcast_in_dim3A_136 = vector.broadcast %broadcast_in_dim3A_135 : f32 to vector<16xf32>
        %broadcast_in_dim3A_137 = arith.constant 0.000000e+00 : f32
        %broadcast_in_dim3A_138 = vector.broadcast %broadcast_in_dim3A_137 : f32 to vector<16xf32>
        %broadcast_in_dim3A_139 = arith.constant 0.000000e+00 : f32
        %broadcast_in_dim3A_140 = vector.broadcast %broadcast_in_dim3A_139 : f32 to vector<16xf32>
        %broadcast_in_dim3A_141 = arith.constant 0.000000e+00 : f32
        %broadcast_in_dim3A_142 = vector.broadcast %broadcast_in_dim3A_141 : f32 to vector<16xf32>
        %broadcast_in_dim3A_143 = arith.constant 0.000000e+00 : f32
        %broadcast_in_dim3A_144 = vector.broadcast %broadcast_in_dim3A_143 : f32 to vector<16xf32>
        %broadcast_in_dim3A_145 = arith.constant 0.000000e+00 : f32
        %broadcast_in_dim3A_146 = vector.broadcast %broadcast_in_dim3A_145 : f32 to vector<16xf32>
        %broadcast_in_dim3A_147 = arith.constant 0.000000e+00 : f32
        %broadcast_in_dim3A_148 = vector.broadcast %broadcast_in_dim3A_147 : f32 to vector<16xf32>
        %broadcast_in_dim3A_149 = arith.constant 0.000000e+00 : f32
        %broadcast_in_dim3A_150 = vector.broadcast %broadcast_in_dim3A_149 : f32 to vector<16xf32>
        %broadcast_in_dim3A_151 = arith.constant 0.000000e+00 : f32
        %broadcast_in_dim3A_152 = vector.broadcast %broadcast_in_dim3A_151 : f32 to vector<16xf32>
        %broadcast_in_dim3A_153 = arith.constant 0.000000e+00 : f32
        %broadcast_in_dim3A_154 = vector.broadcast %broadcast_in_dim3A_153 : f32 to vector<16xf32>
        %broadcast_in_dim3A_155 = arith.constant 0.000000e+00 : f32
        %broadcast_in_dim3A_156 = vector.broadcast %broadcast_in_dim3A_155 : f32 to vector<16xf32>
        %scan3A_157 = arith.constant 0 : i32
        %scan3A_158 = arith.constant 64 : i32
        %scan3A_159 = arith.addi %scan3A_157, %scan3A_158 : i32
        %scan3A_160 = arith.constant 2 : i32
        %scan3A_161:16 = scf.for %scan3A_575 = %scan3A_157 to %scan3A_159 step %scan3A_160 iter_args(%scan3A_576 = %broadcast_in_dim3A_126, %scan3A_577 = %broadcast_in_dim3A_128, %scan3A_578 = %broadcast_in_dim3A_130, %scan3A_579 = %broadcast_in_dim3A_132, %scan3A_580 = %broadcast_in_dim3A_134, %scan3A_581 = %broadcast_in_dim3A_136, %scan3A_582 = %broadcast_in_dim3A_138, %scan3A_583 = %broadcast_in_dim3A_140, %scan3A_584 = %broadcast_in_dim3A_142, %scan3A_585 = %broadcast_in_dim3A_144, %scan3A_586 = %broadcast_in_dim3A_146, %scan3A_587 = %broadcast_in_dim3A_148, %scan3A_588 = %broadcast_in_dim3A_150, %scan3A_589 = %broadcast_in_dim3A_152, %scan3A_590 = %broadcast_in_dim3A_154, %scan3A_591 = %broadcast_in_dim3A_156) -> (vector<16xf32>, vector<16xf32>, vector<16xf32>, vector<16xf32>, vector<16xf32>, vector<16xf32>, vector<16xf32>, vector<16xf32>, vector<16xf32>, vector<16xf32>, vector<16xf32>, vector<16xf32>, vector<16xf32>, vector<16xf32>, vector<16xf32>, vector<16xf32>)  : i32 {
          %mul3A_592 = arith.constant 16 : i32
          %mul3A_593 = arith.muli %scan3A_575, %mul3A_592 : i32
          %get3A_594 = arith.index_cast %add3A_110 : i32 to index
          %get3A_595 = arith.index_cast %mul3A_593 : i32 to index
          %get3A_596 = tpu.vector_load %arg11[%get3A_594, %get3A_595] {strides = array<i32>} : memref<16x1024xf32, #tpu.memory_space<vmem>>, vector<1x16xf32>,
          %get3A_597 = vector.shape_cast %get3A_596 : vector<1x16xf32> to vector<16xf32>
          %mul3A_598 = arith.constant 16 : i32
          %mul3A_599 = arith.muli %scan3A_575, %mul3A_598 : i32
          %get3A_600 = arith.constant 0 : i32
          %get3A_601 = arith.constant 0 : i32
          %get3A_602 = arith.index_cast %get3A_600 : i32 to index
          %get3A_603 = arith.index_cast %get3A_601 : i32 to index
          %get3A_604 = arith.index_cast %mul3A_599 : i32 to index
          %get3A_605 = tpu.vector_load %arg9[%get3A_602, %get3A_603, %get3A_604] {strides = array<i32>} : memref<2x16x1024xf32, #tpu.memory_space<vmem>>, vector<1x1x16xf32>,
          %get3A_606 = vector.shape_cast %get3A_605 : vector<1x1x16xf32> to vector<16xf32>
          %sub3A_607 = arith.subf %get3A_597, %get3A_606 : vector<16xf32>
          %abs3A = math.absf %sub3A_607 : vector<16xf32>
          %add3A_608 = arith.addf %scan3A_576, %abs3A : vector<16xf32>
          %mul3A_609 = arith.constant 16 : i32
          %mul3A_610 = arith.muli %scan3A_575, %mul3A_609 : i32
          %get3A_611 = arith.constant 0 : i32
          %get3A_612 = arith.constant 1 : i32
          %get3A_613 = arith.index_cast %get3A_611 : i32 to index
          %get3A_614 = arith.index_cast %get3A_612 : i32 to index
          %get3A_615 = arith.index_cast %mul3A_610 : i32 to index
          %get3A_616 = tpu.vector_load %arg9[%get3A_613, %get3A_614, %get3A_615] {strides = array<i32>} : memref<2x16x1024xf32, #tpu.memory_space<vmem>>, vector<1x1x16xf32>,
          %get3A_617 = vector.shape_cast %get3A_616 : vector<1x1x16xf32> to vector<16xf32>
          %sub3A_618 = arith.subf %get3A_597, %get3A_617 : vector<16xf32>
          %abs3A_619 = math.absf %sub3A_618 : vector<16xf32>
          %add3A_620 = arith.addf %scan3A_577, %abs3A_619 : vector<16xf32>
          %mul3A_621 = arith.constant 16 : i32
          %mul3A_622 = arith.muli %scan3A_575, %mul3A_621 : i32
          %get3A_623 = arith.constant 0 : i32
          %get3A_624 = arith.constant 2 : i32
          %get3A_625 = arith.index_cast %get3A_623 : i32 to index
          %get3A_626 = arith.index_cast %get3A_624 : i32 to index
          %get3A_627 = arith.index_cast %mul3A_622 : i32 to index
          %get3A_628 = tpu.vector_load %arg9[%get3A_625, %get3A_626, %get3A_627] {strides = array<i32>} : memref<2x16x1024xf32, #tpu.memory_space<vmem>>, vector<1x1x16xf32>,
          %get3A_629 = vector.shape_cast %get3A_628 : vector<1x1x16xf32> to vector<16xf32>
          %sub3A_630 = arith.subf %get3A_597, %get3A_629 : vector<16xf32>
          %abs3A_631 = math.absf %sub3A_630 : vector<16xf32>
          %add3A_632 = arith.addf %scan3A_578, %abs3A_631 : vector<16xf32>
          %mul3A_633 = arith.constant 16 : i32
          %mul3A_634 = arith.muli %scan3A_575, %mul3A_633 : i32
          %get3A_635 = arith.constant 0 : i32
          %get3A_636 = arith.constant 3 : i32
          %get3A_637 = arith.index_cast %get3A_635 : i32 to index
          %get3A_638 = arith.index_cast %get3A_636 : i32 to index
          %get3A_639 = arith.index_cast %mul3A_634 : i32 to index
          %get3A_640 = tpu.vector_load %arg9[%get3A_637, %get3A_638, %get3A_639] {strides = array<i32>} : memref<2x16x1024xf32, #tpu.memory_space<vmem>>, vector<1x1x16xf32>,
          %get3A_641 = vector.shape_cast %get3A_640 : vector<1x1x16xf32> to vector<16xf32>
          %sub3A_642 = arith.subf %get3A_597, %get3A_641 : vector<16xf32>
          %abs3A_643 = math.absf %sub3A_642 : vector<16xf32>
          %add3A_644 = arith.addf %scan3A_579, %abs3A_643 : vector<16xf32>
          %mul3A_645 = arith.constant 16 : i32
          %mul3A_646 = arith.muli %scan3A_575, %mul3A_645 : i32
          %get3A_647 = arith.constant 0 : i32
          %get3A_648 = arith.constant 4 : i32
          %get3A_649 = arith.index_cast %get3A_647 : i32 to index
          %get3A_650 = arith.index_cast %get3A_648 : i32 to index
          %get3A_651 = arith.index_cast %mul3A_646 : i32 to index
          %get3A_652 = tpu.vector_load %arg9[%get3A_649, %get3A_650, %get3A_651] {strides = array<i32>} : memref<2x16x1024xf32, #tpu.memory_space<vmem>>, vector<1x1x16xf32>,
          %get3A_653 = vector.shape_cast %get3A_652 : vector<1x1x16xf32> to vector<16xf32>
          %sub3A_654 = arith.subf %get3A_597, %get3A_653 : vector<16xf32>
          %abs3A_655 = math.absf %sub3A_654 : vector<16xf32>
          %add3A_656 = arith.addf %scan3A_580, %abs3A_655 : vector<16xf32>
          %mul3A_657 = arith.constant 16 : i32
          %mul3A_658 = arith.muli %scan3A_575, %mul3A_657 : i32
          %get3A_659 = arith.constant 0 : i32
          %get3A_660 = arith.constant 5 : i32
          %get3A_661 = arith.index_cast %get3A_659 : i32 to index
          %get3A_662 = arith.index_cast %get3A_660 : i32 to index
          %get3A_663 = arith.index_cast %mul3A_658 : i32 to index
          %get3A_664 = tpu.vector_load %arg9[%get3A_661, %get3A_662, %get3A_663] {strides = array<i32>} : memref<2x16x1024xf32, #tpu.memory_space<vmem>>, vector<1x1x16xf32>,
          %get3A_665 = vector.shape_cast %get3A_664 : vector<1x1x16xf32> to vector<16xf32>
          %sub3A_666 = arith.subf %get3A_597, %get3A_665 : vector<16xf32>
          %abs3A_667 = math.absf %sub3A_666 : vector<16xf32>
          %add3A_668 = arith.addf %scan3A_581, %abs3A_667 : vector<16xf32>
          %mul3A_669 = arith.constant 16 : i32
          %mul3A_670 = arith.muli %scan3A_575, %mul3A_669 : i32
          %get3A_671 = arith.constant 0 : i32
          %get3A_672 = arith.constant 6 : i32
          %get3A_673 = arith.index_cast %get3A_671 : i32 to index
          %get3A_674 = arith.index_cast %get3A_672 : i32 to index
          %get3A_675 = arith.index_cast %mul3A_670 : i32 to index
          %get3A_676 = tpu.vector_load %arg9[%get3A_673, %get3A_674, %get3A_675] {strides = array<i32>} : memref<2x16x1024xf32, #tpu.memory_space<vmem>>, vector<1x1x16xf32>,
          %get3A_677 = vector.shape_cast %get3A_676 : vector<1x1x16xf32> to vector<16xf32>
          %sub3A_678 = arith.subf %get3A_597, %get3A_677 : vector<16xf32>
          %abs3A_679 = math.absf %sub3A_678 : vector<16xf32>
          %add3A_680 = arith.addf %scan3A_582, %abs3A_679 : vector<16xf32>
          %mul3A_681 = arith.constant 16 : i32
          %mul3A_682 = arith.muli %scan3A_575, %mul3A_681 : i32
          %get3A_683 = arith.constant 0 : i32
          %get3A_684 = arith.constant 7 : i32
          %get3A_685 = arith.index_cast %get3A_683 : i32 to index
          %get3A_686 = arith.index_cast %get3A_684 : i32 to index
          %get3A_687 = arith.index_cast %mul3A_682 : i32 to index
          %get3A_688 = tpu.vector_load %arg9[%get3A_685, %get3A_686, %get3A_687] {strides = array<i32>} : memref<2x16x1024xf32, #tpu.memory_space<vmem>>, vector<1x1x16xf32>,
          %get3A_689 = vector.shape_cast %get3A_688 : vector<1x1x16xf32> to vector<16xf32>
          %sub3A_690 = arith.subf %get3A_597, %get3A_689 : vector<16xf32>
          %abs3A_691 = math.absf %sub3A_690 : vector<16xf32>
          %add3A_692 = arith.addf %scan3A_583, %abs3A_691 : vector<16xf32>
          %mul3A_693 = arith.constant 16 : i32
          %mul3A_694 = arith.muli %scan3A_575, %mul3A_693 : i32
          %get3A_695 = arith.constant 0 : i32
          %get3A_696 = arith.constant 8 : i32
          %get3A_697 = arith.index_cast %get3A_695 : i32 to index
          %get3A_698 = arith.index_cast %get3A_696 : i32 to index
          %get3A_699 = arith.index_cast %mul3A_694 : i32 to index
          %get3A_700 = tpu.vector_load %arg9[%get3A_697, %get3A_698, %get3A_699] {strides = array<i32>} : memref<2x16x1024xf32, #tpu.memory_space<vmem>>, vector<1x1x16xf32>,
          %get3A_701 = vector.shape_cast %get3A_700 : vector<1x1x16xf32> to vector<16xf32>
          %sub3A_702 = arith.subf %get3A_597, %get3A_701 : vector<16xf32>
          %abs3A_703 = math.absf %sub3A_702 : vector<16xf32>
          %add3A_704 = arith.addf %scan3A_584, %abs3A_703 : vector<16xf32>
          %mul3A_705 = arith.constant 16 : i32
          %mul3A_706 = arith.muli %scan3A_575, %mul3A_705 : i32
          %get3A_707 = arith.constant 0 : i32
          %get3A_708 = arith.constant 9 : i32
          %get3A_709 = arith.index_cast %get3A_707 : i32 to index
          %get3A_710 = arith.index_cast %get3A_708 : i32 to index
          %get3A_711 = arith.index_cast %mul3A_706 : i32 to index
          %get3A_712 = tpu.vector_load %arg9[%get3A_709, %get3A_710, %get3A_711] {strides = array<i32>} : memref<2x16x1024xf32, #tpu.memory_space<vmem>>, vector<1x1x16xf32>,
          %get3A_713 = vector.shape_cast %get3A_712 : vector<1x1x16xf32> to vector<16xf32>
          %sub3A_714 = arith.subf %get3A_597, %get3A_713 : vector<16xf32>
          %abs3A_715 = math.absf %sub3A_714 : vector<16xf32>
          %add3A_716 = arith.addf %scan3A_585, %abs3A_715 : vector<16xf32>
          %mul3A_717 = arith.constant 16 : i32
          %mul3A_718 = arith.muli %scan3A_575, %mul3A_717 : i32
          %get3A_719 = arith.constant 0 : i32
          %get3A_720 = arith.constant 10 : i32
          %get3A_721 = arith.index_cast %get3A_719 : i32 to index
          %get3A_722 = arith.index_cast %get3A_720 : i32 to index
          %get3A_723 = arith.index_cast %mul3A_718 : i32 to index
          %get3A_724 = tpu.vector_load %arg9[%get3A_721, %get3A_722, %get3A_723] {strides = array<i32>} : memref<2x16x1024xf32, #tpu.memory_space<vmem>>, vector<1x1x16xf32>,
          %get3A_725 = vector.shape_cast %get3A_724 : vector<1x1x16xf32> to vector<16xf32>
          %sub3A_726 = arith.subf %get3A_597, %get3A_725 : vector<16xf32>
          %abs3A_727 = math.absf %sub3A_726 : vector<16xf32>
          %add3A_728 = arith.addf %scan3A_586, %abs3A_727 : vector<16xf32>
          %mul3A_729 = arith.constant 16 : i32
          %mul3A_730 = arith.muli %scan3A_575, %mul3A_729 : i32
          %get3A_731 = arith.constant 0 : i32
          %get3A_732 = arith.constant 11 : i32
          %get3A_733 = arith.index_cast %get3A_731 : i32 to index
          %get3A_734 = arith.index_cast %get3A_732 : i32 to index
          %get3A_735 = arith.index_cast %mul3A_730 : i32 to index
          %get3A_736 = tpu.vector_load %arg9[%get3A_733, %get3A_734, %get3A_735] {strides = array<i32>} : memref<2x16x1024xf32, #tpu.memory_space<vmem>>, vector<1x1x16xf32>,
          %get3A_737 = vector.shape_cast %get3A_736 : vector<1x1x16xf32> to vector<16xf32>
          %sub3A_738 = arith.subf %get3A_597, %get3A_737 : vector<16xf32>
          %abs3A_739 = math.absf %sub3A_738 : vector<16xf32>
          %add3A_740 = arith.addf %scan3A_587, %abs3A_739 : vector<16xf32>
          %mul3A_741 = arith.constant 16 : i32
          %mul3A_742 = arith.muli %scan3A_575, %mul3A_741 : i32
          %get3A_743 = arith.constant 0 : i32
          %get3A_744 = arith.constant 12 : i32
          %get3A_745 = arith.index_cast %get3A_743 : i32 to index
          %get3A_746 = arith.index_cast %get3A_744 : i32 to index
          %get3A_747 = arith.index_cast %mul3A_742 : i32 to index
          %get3A_748 = tpu.vector_load %arg9[%get3A_745, %get3A_746, %get3A_747] {strides = array<i32>} : memref<2x16x1024xf32, #tpu.memory_space<vmem>>, vector<1x1x16xf32>,
          %get3A_749 = vector.shape_cast %get3A_748 : vector<1x1x16xf32> to vector<16xf32>
          %sub3A_750 = arith.subf %get3A_597, %get3A_749 : vector<16xf32>
          %abs3A_751 = math.absf %sub3A_750 : vector<16xf32>
          %add3A_752 = arith.addf %scan3A_588, %abs3A_751 : vector<16xf32>
          %mul3A_753 = arith.constant 16 : i32
          %mul3A_754 = arith.muli %scan3A_575, %mul3A_753 : i32
          %get3A_755 = arith.constant 0 : i32
          %get3A_756 = arith.constant 13 : i32
          %get3A_757 = arith.index_cast %get3A_755 : i32 to index
          %get3A_758 = arith.index_cast %get3A_756 : i32 to index
          %get3A_759 = arith.index_cast %mul3A_754 : i32 to index
          %get3A_760 = tpu.vector_load %arg9[%get3A_757, %get3A_758, %get3A_759] {strides = array<i32>} : memref<2x16x1024xf32, #tpu.memory_space<vmem>>, vector<1x1x16xf32>,
          %get3A_761 = vector.shape_cast %get3A_760 : vector<1x1x16xf32> to vector<16xf32>
          %sub3A_762 = arith.subf %get3A_597, %get3A_761 : vector<16xf32>
          %abs3A_763 = math.absf %sub3A_762 : vector<16xf32>
          %add3A_764 = arith.addf %scan3A_589, %abs3A_763 : vector<16xf32>
          %mul3A_765 = arith.constant 16 : i32
          %mul3A_766 = arith.muli %scan3A_575, %mul3A_765 : i32
          %get3A_767 = arith.constant 0 : i32
          %get3A_768 = arith.constant 14 : i32
          %get3A_769 = arith.index_cast %get3A_767 : i32 to index
          %get3A_770 = arith.index_cast %get3A_768 : i32 to index
          %get3A_771 = arith.index_cast %mul3A_766 : i32 to index
          %get3A_772 = tpu.vector_load %arg9[%get3A_769, %get3A_770, %get3A_771] {strides = array<i32>} : memref<2x16x1024xf32, #tpu.memory_space<vmem>>, vector<1x1x16xf32>,
          %get3A_773 = vector.shape_cast %get3A_772 : vector<1x1x16xf32> to vector<16xf32>
          %sub3A_774 = arith.subf %get3A_597, %get3A_773 : vector<16xf32>
          %abs3A_775 = math.absf %sub3A_774 : vector<16xf32>
          %add3A_776 = arith.addf %scan3A_590, %abs3A_775 : vector<16xf32>
          %mul3A_777 = arith.constant 16 : i32
          %mul3A_778 = arith.muli %scan3A_575, %mul3A_777 : i32
          %get3A_779 = arith.constant 0 : i32
          %get3A_780 = arith.constant 15 : i32
          %get3A_781 = arith.index_cast %get3A_779 : i32 to index
          %get3A_782 = arith.index_cast %get3A_780 : i32 to index
          %get3A_783 = arith.index_cast %mul3A_778 : i32 to index
          %get3A_784 = tpu.vector_load %arg9[%get3A_781, %get3A_782, %get3A_783] {strides = array<i32>} : memref<2x16x1024xf32, #tpu.memory_space<vmem>>, vector<1x1x16xf32>,
          %get3A_785 = vector.shape_cast %get3A_784 : vector<1x1x16xf32> to vector<16xf32>
          %sub3A_786 = arith.subf %get3A_597, %get3A_785 : vector<16xf32>
          %abs3A_787 = math.absf %sub3A_786 : vector<16xf32>
          %add3A_788 = arith.addf %scan3A_591, %abs3A_787 : vector<16xf32>
          %scan3A_789 = arith.constant 1 : i32
          %scan3A_790 = arith.addi %scan3A_575, %scan3A_789 : i32
          %mul3A_791 = arith.constant 16 : i32
          %mul3A_792 = arith.muli %scan3A_790, %mul3A_791 : i32
          %get3A_793 = arith.index_cast %add3A_110 : i32 to index
          %get3A_794 = arith.index_cast %mul3A_792 : i32 to index
          %get3A_795 = tpu.vector_load %arg11[%get3A_793, %get3A_794] {strides = array<i32>} : memref<16x1024xf32, #tpu.memory_space<vmem>>, vector<1x16xf32>,
          %get3A_796 = vector.shape_cast %get3A_795 : vector<1x16xf32> to vector<16xf32>
          %mul3A_797 = arith.constant 16 : i32
          %mul3A_798 = arith.muli %scan3A_790, %mul3A_797 : i32
          %get3A_799 = arith.constant 0 : i32
          %get3A_800 = arith.constant 0 : i32
          %get3A_801 = arith.index_cast %get3A_799 : i32 to index
          %get3A_802 = arith.index_cast %get3A_800 : i32 to index
          %get3A_803 = arith.index_cast %mul3A_798 : i32 to index
          %get3A_804 = tpu.vector_load %arg9[%get3A_801, %get3A_802, %get3A_803] {strides = array<i32>} : memref<2x16x1024xf32, #tpu.memory_space<vmem>>, vector<1x1x16xf32>,
          %get3A_805 = vector.shape_cast %get3A_804 : vector<1x1x16xf32> to vector<16xf32>
          %sub3A_806 = arith.subf %get3A_796, %get3A_805 : vector<16xf32>
          %abs3A_807 = math.absf %sub3A_806 : vector<16xf32>
          %add3A_808 = arith.addf %add3A_608, %abs3A_807 : vector<16xf32>
          %mul3A_809 = arith.constant 16 : i32
          %mul3A_810 = arith.muli %scan3A_790, %mul3A_809 : i32
          %get3A_811 = arith.constant 0 : i32
          %get3A_812 = arith.constant 1 : i32
          %get3A_813 = arith.index_cast %get3A_811 : i32 to index
          %get3A_814 = arith.index_cast %get3A_812 : i32 to index
          %get3A_815 = arith.index_cast %mul3A_810 : i32 to index
          %get3A_816 = tpu.vector_load %arg9[%get3A_813, %get3A_814, %get3A_815] {strides = array<i32>} : memref<2x16x1024xf32, #tpu.memory_space<vmem>>, vector<1x1x16xf32>,
          %get3A_817 = vector.shape_cast %get3A_816 : vector<1x1x16xf32> to vector<16xf32>
          %sub3A_818 = arith.subf %get3A_796, %get3A_817 : vector<16xf32>
          %abs3A_819 = math.absf %sub3A_818 : vector<16xf32>
          %add3A_820 = arith.addf %add3A_620, %abs3A_819 : vector<16xf32>
          %mul3A_821 = arith.constant 16 : i32
          %mul3A_822 = arith.muli %scan3A_790, %mul3A_821 : i32
          %get3A_823 = arith.constant 0 : i32
          %get3A_824 = arith.constant 2 : i32
          %get3A_825 = arith.index_cast %get3A_823 : i32 to index
          %get3A_826 = arith.index_cast %get3A_824 : i32 to index
          %get3A_827 = arith.index_cast %mul3A_822 : i32 to index
          %get3A_828 = tpu.vector_load %arg9[%get3A_825, %get3A_826, %get3A_827] {strides = array<i32>} : memref<2x16x1024xf32, #tpu.memory_space<vmem>>, vector<1x1x16xf32>,
          %get3A_829 = vector.shape_cast %get3A_828 : vector<1x1x16xf32> to vector<16xf32>
          %sub3A_830 = arith.subf %get3A_796, %get3A_829 : vector<16xf32>
          %abs3A_831 = math.absf %sub3A_830 : vector<16xf32>
          %add3A_832 = arith.addf %add3A_632, %abs3A_831 : vector<16xf32>
          %mul3A_833 = arith.constant 16 : i32
          %mul3A_834 = arith.muli %scan3A_790, %mul3A_833 : i32
          %get3A_835 = arith.constant 0 : i32
          %get3A_836 = arith.constant 3 : i32
          %get3A_837 = arith.index_cast %get3A_835 : i32 to index
          %get3A_838 = arith.index_cast %get3A_836 : i32 to index
          %get3A_839 = arith.index_cast %mul3A_834 : i32 to index
          %get3A_840 = tpu.vector_load %arg9[%get3A_837, %get3A_838, %get3A_839] {strides = array<i32>} : memref<2x16x1024xf32, #tpu.memory_space<vmem>>, vector<1x1x16xf32>,
          %get3A_841 = vector.shape_cast %get3A_840 : vector<1x1x16xf32> to vector<16xf32>
          %sub3A_842 = arith.subf %get3A_796, %get3A_841 : vector<16xf32>
          %abs3A_843 = math.absf %sub3A_842 : vector<16xf32>
          %add3A_844 = arith.addf %add3A_644, %abs3A_843 : vector<16xf32>
          %mul3A_845 = arith.constant 16 : i32
          %mul3A_846 = arith.muli %scan3A_790, %mul3A_845 : i32
          %get3A_847 = arith.constant 0 : i32
          %get3A_848 = arith.constant 4 : i32
          %get3A_849 = arith.index_cast %get3A_847 : i32 to index
          %get3A_850 = arith.index_cast %get3A_848 : i32 to index
          %get3A_851 = arith.index_cast %mul3A_846 : i32 to index
          %get3A_852 = tpu.vector_load %arg9[%get3A_849, %get3A_850, %get3A_851] {strides = array<i32>} : memref<2x16x1024xf32, #tpu.memory_space<vmem>>, vector<1x1x16xf32>,
          %get3A_853 = vector.shape_cast %get3A_852 : vector<1x1x16xf32> to vector<16xf32>
          %sub3A_854 = arith.subf %get3A_796, %get3A_853 : vector<16xf32>
          %abs3A_855 = math.absf %sub3A_854 : vector<16xf32>
          %add3A_856 = arith.addf %add3A_656, %abs3A_855 : vector<16xf32>
          %mul3A_857 = arith.constant 16 : i32
          %mul3A_858 = arith.muli %scan3A_790, %mul3A_857 : i32
          %get3A_859 = arith.constant 0 : i32
          %get3A_860 = arith.constant 5 : i32
          %get3A_861 = arith.index_cast %get3A_859 : i32 to index
          %get3A_862 = arith.index_cast %get3A_860 : i32 to index
          %get3A_863 = arith.index_cast %mul3A_858 : i32 to index
          %get3A_864 = tpu.vector_load %arg9[%get3A_861, %get3A_862, %get3A_863] {strides = array<i32>} : memref<2x16x1024xf32, #tpu.memory_space<vmem>>, vector<1x1x16xf32>,
          %get3A_865 = vector.shape_cast %get3A_864 : vector<1x1x16xf32> to vector<16xf32>
          %sub3A_866 = arith.subf %get3A_796, %get3A_865 : vector<16xf32>
          %abs3A_867 = math.absf %sub3A_866 : vector<16xf32>
          %add3A_868 = arith.addf %add3A_668, %abs3A_867 : vector<16xf32>
          %mul3A_869 = arith.constant 16 : i32
          %mul3A_870 = arith.muli %scan3A_790, %mul3A_869 : i32
          %get3A_871 = arith.constant 0 : i32
          %get3A_872 = arith.constant 6 : i32
          %get3A_873 = arith.index_cast %get3A_871 : i32 to index
          %get3A_874 = arith.index_cast %get3A_872 : i32 to index
          %get3A_875 = arith.index_cast %mul3A_870 : i32 to index
          %get3A_876 = tpu.vector_load %arg9[%get3A_873, %get3A_874, %get3A_875] {strides = array<i32>} : memref<2x16x1024xf32, #tpu.memory_space<vmem>>, vector<1x1x16xf32>,
          %get3A_877 = vector.shape_cast %get3A_876 : vector<1x1x16xf32> to vector<16xf32>
          %sub3A_878 = arith.subf %get3A_796, %get3A_877 : vector<16xf32>
          %abs3A_879 = math.absf %sub3A_878 : vector<16xf32>
          %add3A_880 = arith.addf %add3A_680, %abs3A_879 : vector<16xf32>
          %mul3A_881 = arith.constant 16 : i32
          %mul3A_882 = arith.muli %scan3A_790, %mul3A_881 : i32
          %get3A_883 = arith.constant 0 : i32
          %get3A_884 = arith.constant 7 : i32
          %get3A_885 = arith.index_cast %get3A_883 : i32 to index
          %get3A_886 = arith.index_cast %get3A_884 : i32 to index
          %get3A_887 = arith.index_cast %mul3A_882 : i32 to index
          %get3A_888 = tpu.vector_load %arg9[%get3A_885, %get3A_886, %get3A_887] {strides = array<i32>} : memref<2x16x1024xf32, #tpu.memory_space<vmem>>, vector<1x1x16xf32>,
          %get3A_889 = vector.shape_cast %get3A_888 : vector<1x1x16xf32> to vector<16xf32>
          %sub3A_890 = arith.subf %get3A_796, %get3A_889 : vector<16xf32>
          %abs3A_891 = math.absf %sub3A_890 : vector<16xf32>
          %add3A_892 = arith.addf %add3A_692, %abs3A_891 : vector<16xf32>
          %mul3A_893 = arith.constant 16 : i32
          %mul3A_894 = arith.muli %scan3A_790, %mul3A_893 : i32
          %get3A_895 = arith.constant 0 : i32
          %get3A_896 = arith.constant 8 : i32
          %get3A_897 = arith.index_cast %get3A_895 : i32 to index
          %get3A_898 = arith.index_cast %get3A_896 : i32 to index
          %get3A_899 = arith.index_cast %mul3A_894 : i32 to index
          %get3A_900 = tpu.vector_load %arg9[%get3A_897, %get3A_898, %get3A_899] {strides = array<i32>} : memref<2x16x1024xf32, #tpu.memory_space<vmem>>, vector<1x1x16xf32>,
          %get3A_901 = vector.shape_cast %get3A_900 : vector<1x1x16xf32> to vector<16xf32>
          %sub3A_902 = arith.subf %get3A_796, %get3A_901 : vector<16xf32>
          %abs3A_903 = math.absf %sub3A_902 : vector<16xf32>
          %add3A_904 = arith.addf %add3A_704, %abs3A_903 : vector<16xf32>
          %mul3A_905 = arith.constant 16 : i32
          %mul3A_906 = arith.muli %scan3A_790, %mul3A_905 : i32
          %get3A_907 = arith.constant 0 : i32
          %get3A_908 = arith.constant 9 : i32
          %get3A_909 = arith.index_cast %get3A_907 : i32 to index
          %get3A_910 = arith.index_cast %get3A_908 : i32 to index
          %get3A_911 = arith.index_cast %mul3A_906 : i32 to index
          %get3A_912 = tpu.vector_load %arg9[%get3A_909, %get3A_910, %get3A_911] {strides = array<i32>} : memref<2x16x1024xf32, #tpu.memory_space<vmem>>, vector<1x1x16xf32>,
          %get3A_913 = vector.shape_cast %get3A_912 : vector<1x1x16xf32> to vector<16xf32>
          %sub3A_914 = arith.subf %get3A_796, %get3A_913 : vector<16xf32>
          %abs3A_915 = math.absf %sub3A_914 : vector<16xf32>
          %add3A_916 = arith.addf %add3A_716, %abs3A_915 : vector<16xf32>
          %mul3A_917 = arith.constant 16 : i32
          %mul3A_918 = arith.muli %scan3A_790, %mul3A_917 : i32
          %get3A_919 = arith.constant 0 : i32
          %get3A_920 = arith.constant 10 : i32
          %get3A_921 = arith.index_cast %get3A_919 : i32 to index
          %get3A_922 = arith.index_cast %get3A_920 : i32 to index
          %get3A_923 = arith.index_cast %mul3A_918 : i32 to index
          %get3A_924 = tpu.vector_load %arg9[%get3A_921, %get3A_922, %get3A_923] {strides = array<i32>} : memref<2x16x1024xf32, #tpu.memory_space<vmem>>, vector<1x1x16xf32>,
          %get3A_925 = vector.shape_cast %get3A_924 : vector<1x1x16xf32> to vector<16xf32>
          %sub3A_926 = arith.subf %get3A_796, %get3A_925 : vector<16xf32>
          %abs3A_927 = math.absf %sub3A_926 : vector<16xf32>
          %add3A_928 = arith.addf %add3A_728, %abs3A_927 : vector<16xf32>
          %mul3A_929 = arith.constant 16 : i32
          %mul3A_930 = arith.muli %scan3A_790, %mul3A_929 : i32
          %get3A_931 = arith.constant 0 : i32
          %get3A_932 = arith.constant 11 : i32
          %get3A_933 = arith.index_cast %get3A_931 : i32 to index
          %get3A_934 = arith.index_cast %get3A_932 : i32 to index
          %get3A_935 = arith.index_cast %mul3A_930 : i32 to index
          %get3A_936 = tpu.vector_load %arg9[%get3A_933, %get3A_934, %get3A_935] {strides = array<i32>} : memref<2x16x1024xf32, #tpu.memory_space<vmem>>, vector<1x1x16xf32>,
          %get3A_937 = vector.shape_cast %get3A_936 : vector<1x1x16xf32> to vector<16xf32>
          %sub3A_938 = arith.subf %get3A_796, %get3A_937 : vector<16xf32>
          %abs3A_939 = math.absf %sub3A_938 : vector<16xf32>
          %add3A_940 = arith.addf %add3A_740, %abs3A_939 : vector<16xf32>
          %mul3A_941 = arith.constant 16 : i32
          %mul3A_942 = arith.muli %scan3A_790, %mul3A_941 : i32
          %get3A_943 = arith.constant 0 : i32
          %get3A_944 = arith.constant 12 : i32
          %get3A_945 = arith.index_cast %get3A_943 : i32 to index
          %get3A_946 = arith.index_cast %get3A_944 : i32 to index
          %get3A_947 = arith.index_cast %mul3A_942 : i32 to index
          %get3A_948 = tpu.vector_load %arg9[%get3A_945, %get3A_946, %get3A_947] {strides = array<i32>} : memref<2x16x1024xf32, #tpu.memory_space<vmem>>, vector<1x1x16xf32>,
          %get3A_949 = vector.shape_cast %get3A_948 : vector<1x1x16xf32> to vector<16xf32>
          %sub3A_950 = arith.subf %get3A_796, %get3A_949 : vector<16xf32>
          %abs3A_951 = math.absf %sub3A_950 : vector<16xf32>
          %add3A_952 = arith.addf %add3A_752, %abs3A_951 : vector<16xf32>
          %mul3A_953 = arith.constant 16 : i32
          %mul3A_954 = arith.muli %scan3A_790, %mul3A_953 : i32
          %get3A_955 = arith.constant 0 : i32
          %get3A_956 = arith.constant 13 : i32
          %get3A_957 = arith.index_cast %get3A_955 : i32 to index
          %get3A_958 = arith.index_cast %get3A_956 : i32 to index
          %get3A_959 = arith.index_cast %mul3A_954 : i32 to index
          %get3A_960 = tpu.vector_load %arg9[%get3A_957, %get3A_958, %get3A_959] {strides = array<i32>} : memref<2x16x1024xf32, #tpu.memory_space<vmem>>, vector<1x1x16xf32>,
          %get3A_961 = vector.shape_cast %get3A_960 : vector<1x1x16xf32> to vector<16xf32>
          %sub3A_962 = arith.subf %get3A_796, %get3A_961 : vector<16xf32>
          %abs3A_963 = math.absf %sub3A_962 : vector<16xf32>
          %add3A_964 = arith.addf %add3A_764, %abs3A_963 : vector<16xf32>
          %mul3A_965 = arith.constant 16 : i32
          %mul3A_966 = arith.muli %scan3A_790, %mul3A_965 : i32
          %get3A_967 = arith.constant 0 : i32
          %get3A_968 = arith.constant 14 : i32
          %get3A_969 = arith.index_cast %get3A_967 : i32 to index
          %get3A_970 = arith.index_cast %get3A_968 : i32 to index
          %get3A_971 = arith.index_cast %mul3A_966 : i32 to index
          %get3A_972 = tpu.vector_load %arg9[%get3A_969, %get3A_970, %get3A_971] {strides = array<i32>} : memref<2x16x1024xf32, #tpu.memory_space<vmem>>, vector<1x1x16xf32>,
          %get3A_973 = vector.shape_cast %get3A_972 : vector<1x1x16xf32> to vector<16xf32>
          %sub3A_974 = arith.subf %get3A_796, %get3A_973 : vector<16xf32>
          %abs3A_975 = math.absf %sub3A_974 : vector<16xf32>
          %add3A_976 = arith.addf %add3A_776, %abs3A_975 : vector<16xf32>
          %mul3A_977 = arith.constant 16 : i32
          %mul3A_978 = arith.muli %scan3A_790, %mul3A_977 : i32
          %get3A_979 = arith.constant 0 : i32
          %get3A_980 = arith.constant 15 : i32
          %get3A_981 = arith.index_cast %get3A_979 : i32 to index
          %get3A_982 = arith.index_cast %get3A_980 : i32 to index
          %get3A_983 = arith.index_cast %mul3A_978 : i32 to index
          %get3A_984 = tpu.vector_load %arg9[%get3A_981, %get3A_982, %get3A_983] {strides = array<i32>} : memref<2x16x1024xf32, #tpu.memory_space<vmem>>, vector<1x1x16xf32>,
          %get3A_985 = vector.shape_cast %get3A_984 : vector<1x1x16xf32> to vector<16xf32>
          %sub3A_986 = arith.subf %get3A_796, %get3A_985 : vector<16xf32>
          %abs3A_987 = math.absf %sub3A_986 : vector<16xf32>
          %add3A_988 = arith.addf %add3A_788, %abs3A_987 : vector<16xf32>
          scf.yield %add3A_808, %add3A_820, %add3A_832, %add3A_844, %add3A_856, %add3A_868, %add3A_880, %add3A_892, %add3A_904, %add3A_916, %add3A_928, %add3A_940, %add3A_952, %add3A_964, %add3A_976, %add3A_988 : vector<16xf32>, vector<16xf32>, vector<16xf32>, vector<16xf32>, vector<16xf32>, vector<16xf32>, vector<16xf32>, vector<16xf32>, vector<16xf32>, vector<16xf32>, vector<16xf32>, vector<16xf32>, vector<16xf32>, vector<16xf32>, vector<16xf32>, vector<16xf32>
        }
        %scan3A_162 = arith.constant 64 : i32
        %dma_wait3A_163 = arith.constant 0 : i32
        %dma_wait3A_164 = arith.constant 0 : i32
        %dma_wait3A_165 = arith.constant 0 : i32
        %dma_wait3A_166 = tpu.memref_slice %arg10[%dma_wait3A_163, %dma_wait3A_164, %dma_wait3A_165] : memref<2x16x1024xf32, #tpu.memory_space<vmem>> -> memref<1x16x1024xf32, #tpu.memory_space<vmem>>
        %dma_wait3A_167 = tpu.memref_squeeze %dma_wait3A_166 : memref<1x16x1024xf32, #tpu.memory_space<vmem>> -> memref<16x1024xf32, #tpu.memory_space<vmem>>
        %dma_wait3A_168 = arith.constant 0 : i32
        %dma_wait3A_169 = arith.constant 0 : i32
        %dma_wait3A_170 = tpu.memref_slice %arg4[%dma_wait3A_168, %dma_wait3A_169] : memref<4096x1024xf32, #tpu.memory_space<hbm>> -> memref<16x1024xf32, #tpu.memory_space<hbm>>
        %dma_wait3A_171 = arith.constant 0 : i32
        %dma_wait3A_172 = arith.constant 0 : i32
        %dma_wait3A_173 = tpu.memref_slice %arg10[%dma_wait3A_163, %dma_wait3A_171, %dma_wait3A_172] : memref<2x16x1024xf32, #tpu.memory_space<vmem>> -> memref<1x16x1024xf32, #tpu.memory_space<vmem>>
        %dma_wait3A_174 = tpu.memref_squeeze %dma_wait3A_173 : memref<1x16x1024xf32, #tpu.memory_space<vmem>> -> memref<16x1024xf32, #tpu.memory_space<vmem>>
        %dma_wait3A_175 = arith.constant 0 : i32
        %dma_wait3A_176 = arith.constant 0 : i32
        %dma_wait3A_177 = tpu.memref_slice %arg4[%dma_wait3A_175, %dma_wait3A_176] : memref<4096x1024xf32, #tpu.memory_space<hbm>> -> memref<16x1024xf32, #tpu.memory_space<hbm>>
        tpu.wait_dma2 semaphore(%arg16 : memref<!tpu.dma_semaphore, #tpu.memory_space<semaphore_mem>>) src(%dma_wait3A_177 : memref<16x1024xf32, #tpu.memory_space<hbm>>) dst(%dma_wait3A_174 : memref<16x1024xf32, #tpu.memory_space<vmem>>)
        %mul3A_178 = arith.constant -1.250000e-01 : f32
        %mul3A_179 = vector.broadcast %mul3A_178 : f32 to vector<16xf32>
        %mul3A_180 = arith.mulf %scan3A_161#0, %mul3A_179 : vector<16xf32>
        %mul3A_181 = arith.constant -1.250000e-01 : f32
        %mul3A_182 = vector.broadcast %mul3A_181 : f32 to vector<16xf32>
        %mul3A_183 = arith.mulf %scan3A_161#1, %mul3A_182 : vector<16xf32>
        %mul3A_184 = arith.constant -1.250000e-01 : f32
        %mul3A_185 = vector.broadcast %mul3A_184 : f32 to vector<16xf32>
        %mul3A_186 = arith.mulf %scan3A_161#2, %mul3A_185 : vector<16xf32>
        %mul3A_187 = arith.constant -1.250000e-01 : f32
        %mul3A_188 = vector.broadcast %mul3A_187 : f32 to vector<16xf32>
        %mul3A_189 = arith.mulf %scan3A_161#3, %mul3A_188 : vector<16xf32>
        %mul3A_190 = arith.constant -1.250000e-01 : f32
        %mul3A_191 = vector.broadcast %mul3A_190 : f32 to vector<16xf32>
        %mul3A_192 = arith.mulf %scan3A_161#4, %mul3A_191 : vector<16xf32>
        %mul3A_193 = arith.constant -1.250000e-01 : f32
        %mul3A_194 = vector.broadcast %mul3A_193 : f32 to vector<16xf32>
        %mul3A_195 = arith.mulf %scan3A_161#5, %mul3A_194 : vector<16xf32>
        %mul3A_196 = arith.constant -1.250000e-01 : f32
        %mul3A_197 = vector.broadcast %mul3A_196 : f32 to vector<16xf32>
        %mul3A_198 = arith.mulf %scan3A_161#6, %mul3A_197 : vector<16xf32>
        %mul3A_199 = arith.constant -1.250000e-01 : f32
        %mul3A_200 = vector.broadcast %mul3A_199 : f32 to vector<16xf32>
        %mul3A_201 = arith.mulf %scan3A_161#7, %mul3A_200 : vector<16xf32>
        %mul3A_202 = arith.constant -1.250000e-01 : f32
        %mul3A_203 = vector.broadcast %mul3A_202 : f32 to vector<16xf32>
        %mul3A_204 = arith.mulf %scan3A_161#8, %mul3A_203 : vector<16xf32>
        %mul3A_205 = arith.constant -1.250000e-01 : f32
        %mul3A_206 = vector.broadcast %mul3A_205 : f32 to vector<16xf32>
        %mul3A_207 = arith.mulf %scan3A_161#9, %mul3A_206 : vector<16xf32>
        %mul3A_208 = arith.constant -1.250000e-01 : f32
        %mul3A_209 = vector.broadcast %mul3A_208 : f32 to vector<16xf32>
        %mul3A_210 = arith.mulf %scan3A_161#10, %mul3A_209 : vector<16xf32>
        %mul3A_211 = arith.constant -1.250000e-01 : f32
        %mul3A_212 = vector.broadcast %mul3A_211 : f32 to vector<16xf32>
        %mul3A_213 = arith.mulf %scan3A_161#11, %mul3A_212 : vector<16xf32>
        %mul3A_214 = arith.constant -1.250000e-01 : f32
        %mul3A_215 = vector.broadcast %mul3A_214 : f32 to vector<16xf32>
        %mul3A_216 = arith.mulf %scan3A_161#12, %mul3A_215 : vector<16xf32>
        %mul3A_217 = arith.constant -1.250000e-01 : f32
        %mul3A_218 = vector.broadcast %mul3A_217 : f32 to vector<16xf32>
        %mul3A_219 = arith.mulf %scan3A_161#13, %mul3A_218 : vector<16xf32>
        %mul3A_220 = arith.constant -1.250000e-01 : f32
        %mul3A_221 = vector.broadcast %mul3A_220 : f32 to vector<16xf32>
        %mul3A_222 = arith.mulf %scan3A_161#14, %mul3A_221 : vector<16xf32>
        %mul3A_223 = arith.constant -1.250000e-01 : f32
        %mul3A_224 = vector.broadcast %mul3A_223 : f32 to vector<16xf32>
        %mul3A_225 = arith.mulf %scan3A_161#15, %mul3A_224 : vector<16xf32>
        %max3A = arith.maximumf %mul3A_180, %mul3A_183 : vector<16xf32>
        %max3A_226 = arith.maximumf %max3A, %mul3A_186 : vector<16xf32>
        %max3A_227 = arith.maximumf %max3A_226, %mul3A_189 : vector<16xf32>
        %max3A_228 = arith.maximumf %max3A_227, %mul3A_192 : vector<16xf32>
        %max3A_229 = arith.maximumf %max3A_228, %mul3A_195 : vector<16xf32>
        %max3A_230 = arith.maximumf %max3A_229, %mul3A_198 : vector<16xf32>
        %max3A_231 = arith.maximumf %max3A_230, %mul3A_201 : vector<16xf32>
        %max3A_232 = arith.maximumf %max3A_231, %mul3A_204 : vector<16xf32>
        %max3A_233 = arith.maximumf %max3A_232, %mul3A_207 : vector<16xf32>
        %max3A_234 = arith.maximumf %max3A_233, %mul3A_210 : vector<16xf32>
        %max3A_235 = arith.maximumf %max3A_234, %mul3A_213 : vector<16xf32>
        %max3A_236 = arith.maximumf %max3A_235, %mul3A_216 : vector<16xf32>
        %max3A_237 = arith.maximumf %max3A_236, %mul3A_219 : vector<16xf32>
        %max3A_238 = arith.maximumf %max3A_237, %mul3A_222 : vector<16xf32>
        %max3A_239 = arith.maximumf %max3A_238, %mul3A_225 : vector<16xf32>
        %sub3A = arith.subf %mul3A_180, %max3A_239 : vector<16xf32>
        %exp3A = math.exp %sub3A : vector<16xf32>
        %sub3A_240 = arith.subf %mul3A_183, %max3A_239 : vector<16xf32>
        %exp3A_241 = math.exp %sub3A_240 : vector<16xf32>
        %sub3A_242 = arith.subf %mul3A_186, %max3A_239 : vector<16xf32>
        %exp3A_243 = math.exp %sub3A_242 : vector<16xf32>
        %sub3A_244 = arith.subf %mul3A_189, %max3A_239 : vector<16xf32>
        %exp3A_245 = math.exp %sub3A_244 : vector<16xf32>
        %sub3A_246 = arith.subf %mul3A_192, %max3A_239 : vector<16xf32>
        %exp3A_247 = math.exp %sub3A_246 : vector<16xf32>
        %sub3A_248 = arith.subf %mul3A_195, %max3A_239 : vector<16xf32>
        %exp3A_249 = math.exp %sub3A_248 : vector<16xf32>
        %sub3A_250 = arith.subf %mul3A_198, %max3A_239 : vector<16xf32>
        %exp3A_251 = math.exp %sub3A_250 : vector<16xf32>
        %sub3A_252 = arith.subf %mul3A_201, %max3A_239 : vector<16xf32>
        %exp3A_253 = math.exp %sub3A_252 : vector<16xf32>
        %sub3A_254 = arith.subf %mul3A_204, %max3A_239 : vector<16xf32>
        %exp3A_255 = math.exp %sub3A_254 : vector<16xf32>
        %sub3A_256 = arith.subf %mul3A_207, %max3A_239 : vector<16xf32>
        %exp3A_257 = math.exp %sub3A_256 : vector<16xf32>
        %sub3A_258 = arith.subf %mul3A_210, %max3A_239 : vector<16xf32>
        %exp3A_259 = math.exp %sub3A_258 : vector<16xf32>
        %sub3A_260 = arith.subf %mul3A_213, %max3A_239 : vector<16xf32>
        %exp3A_261 = math.exp %sub3A_260 : vector<16xf32>
        %sub3A_262 = arith.subf %mul3A_216, %max3A_239 : vector<16xf32>
        %exp3A_263 = math.exp %sub3A_262 : vector<16xf32>
        %sub3A_264 = arith.subf %mul3A_219, %max3A_239 : vector<16xf32>
        %exp3A_265 = math.exp %sub3A_264 : vector<16xf32>
        %sub3A_266 = arith.subf %mul3A_222, %max3A_239 : vector<16xf32>
        %exp3A_267 = math.exp %sub3A_266 : vector<16xf32>
        %sub3A_268 = arith.subf %mul3A_225, %max3A_239 : vector<16xf32>
        %exp3A_269 = math.exp %sub3A_268 : vector<16xf32>
        %add3A_270 = arith.addf %exp3A, %exp3A_241 : vector<16xf32>
        %add3A_271 = arith.addf %add3A_270, %exp3A_243 : vector<16xf32>
        %add3A_272 = arith.addf %add3A_271, %exp3A_245 : vector<16xf32>
        %add3A_273 = arith.addf %add3A_272, %exp3A_247 : vector<16xf32>
        %add3A_274 = arith.addf %add3A_273, %exp3A_249 : vector<16xf32>
        %add3A_275 = arith.addf %add3A_274, %exp3A_251 : vector<16xf32>
        %add3A_276 = arith.addf %add3A_275, %exp3A_253 : vector<16xf32>
        %add3A_277 = arith.addf %add3A_276, %exp3A_255 : vector<16xf32>
        %add3A_278 = arith.addf %add3A_277, %exp3A_257 : vector<16xf32>
        %add3A_279 = arith.addf %add3A_278, %exp3A_259 : vector<16xf32>
        %add3A_280 = arith.addf %add3A_279, %exp3A_261 : vector<16xf32>
        %add3A_281 = arith.addf %add3A_280, %exp3A_263 : vector<16xf32>
        %add3A_282 = arith.addf %add3A_281, %exp3A_265 : vector<16xf32>
        %add3A_283 = arith.addf %add3A_282, %exp3A_267 : vector<16xf32>
        %add3A_284 = arith.addf %add3A_283, %exp3A_269 : vector<16xf32>
        %div3A = arith.constant 1.000000e+00 : f32
        %div3A_285 = vector.broadcast %div3A : f32 to vector<16xf32>
        %div3A_286 = arith.divf %div3A_285, %add3A_284 : vector<16xf32>
        %mul3A_287 = arith.mulf %exp3A, %div3A_286 : vector<16xf32>
        %select_n3A = arith.select %ne3A_6, %mul3A_287, %mul3A_180 : vector<16xi1>, vector<16xf32>
        %mul3A_288 = arith.mulf %exp3A_241, %div3A_286 : vector<16xf32>
        %select_n3A_289 = arith.select %ne3A_6, %mul3A_288, %mul3A_183 : vector<16xi1>, vector<16xf32>
        %mul3A_290 = arith.mulf %exp3A_243, %div3A_286 : vector<16xf32>
        %select_n3A_291 = arith.select %ne3A_6, %mul3A_290, %mul3A_186 : vector<16xi1>, vector<16xf32>
        %mul3A_292 = arith.mulf %exp3A_245, %div3A_286 : vector<16xf32>
        %select_n3A_293 = arith.select %ne3A_6, %mul3A_292, %mul3A_189 : vector<16xi1>, vector<16xf32>
        %mul3A_294 = arith.mulf %exp3A_247, %div3A_286 : vector<16xf32>
        %select_n3A_295 = arith.select %ne3A_6, %mul3A_294, %mul3A_192 : vector<16xi1>, vector<16xf32>
        %mul3A_296 = arith.mulf %exp3A_249, %div3A_286 : vector<16xf32>
        %select_n3A_297 = arith.select %ne3A_6, %mul3A_296, %mul3A_195 : vector<16xi1>, vector<16xf32>
        %mul3A_298 = arith.mulf %exp3A_251, %div3A_286 : vector<16xf32>
        %select_n3A_299 = arith.select %ne3A_6, %mul3A_298, %mul3A_198 : vector<16xi1>, vector<16xf32>
        %mul3A_300 = arith.mulf %exp3A_253, %div3A_286 : vector<16xf32>
        %select_n3A_301 = arith.select %ne3A_6, %mul3A_300, %mul3A_201 : vector<16xi1>, vector<16xf32>
        %mul3A_302 = arith.mulf %exp3A_255, %div3A_286 : vector<16xf32>
        %select_n3A_303 = arith.select %ne3A_6, %mul3A_302, %mul3A_204 : vector<16xi1>, vector<16xf32>
        %mul3A_304 = arith.mulf %exp3A_257, %div3A_286 : vector<16xf32>
        %select_n3A_305 = arith.select %ne3A_6, %mul3A_304, %mul3A_207 : vector<16xi1>, vector<16xf32>
        %mul3A_306 = arith.mulf %exp3A_259, %div3A_286 : vector<16xf32>
        %select_n3A_307 = arith.select %ne3A_6, %mul3A_306, %mul3A_210 : vector<16xi1>, vector<16xf32>
        %mul3A_308 = arith.mulf %exp3A_261, %div3A_286 : vector<16xf32>
        %select_n3A_309 = arith.select %ne3A_6, %mul3A_308, %mul3A_213 : vector<16xi1>, vector<16xf32>
        %mul3A_310 = arith.mulf %exp3A_263, %div3A_286 : vector<16xf32>
        %select_n3A_311 = arith.select %ne3A_6, %mul3A_310, %mul3A_216 : vector<16xi1>, vector<16xf32>
        %mul3A_312 = arith.mulf %exp3A_265, %div3A_286 : vector<16xf32>
        %select_n3A_313 = arith.select %ne3A_6, %mul3A_312, %mul3A_219 : vector<16xi1>, vector<16xf32>
        %mul3A_314 = arith.mulf %exp3A_267, %div3A_286 : vector<16xf32>
        %select_n3A_315 = arith.select %ne3A_6, %mul3A_314, %mul3A_222 : vector<16xi1>, vector<16xf32>
        %mul3A_316 = arith.mulf %exp3A_269, %div3A_286 : vector<16xf32>
        %select_n3A_317 = arith.select %ne3A_6, %mul3A_316, %mul3A_225 : vector<16xi1>, vector<16xf32>
        %scan3A_318 = arith.constant 0 : i32
        %scan3A_319 = arith.constant 0 : i32
        %scan3A_320 = arith.constant 64 : i32
        %scan3A_321 = arith.addi %scan3A_319, %scan3A_320 : i32
        %scan3A_322 = arith.constant 2 : i32
        scf.for %scan3A_575 = %scan3A_319 to %scan3A_321 step %scan3A_322  : i32 {
          %mul3A_576 = arith.constant 16 : i32
          %mul3A_577 = arith.muli %scan3A_575, %mul3A_576 : i32
          %get3A_578 = arith.constant 0 : i32
          %get3A_579 = arith.constant 0 : i32
          %get3A_580 = arith.index_cast %get3A_578 : i32 to index
          %get3A_581 = arith.index_cast %get3A_579 : i32 to index
          %get3A_582 = arith.index_cast %mul3A_577 : i32 to index
          %get3A_583 = tpu.vector_load %arg10[%get3A_580, %get3A_581, %get3A_582] {strides = array<i32>} : memref<2x16x1024xf32, #tpu.memory_space<vmem>>, vector<1x1x16xf32>,
          %get3A_584 = vector.shape_cast %get3A_583 : vector<1x1x16xf32> to vector<16xf32>
          %mul3A_585 = arith.mulf %select_n3A, %get3A_584 : vector<16xf32>
          %mul3A_586 = arith.constant 16 : i32
          %mul3A_587 = arith.muli %scan3A_575, %mul3A_586 : i32
          %get3A_588 = arith.constant 0 : i32
          %get3A_589 = arith.constant 1 : i32
          %get3A_590 = arith.index_cast %get3A_588 : i32 to index
          %get3A_591 = arith.index_cast %get3A_589 : i32 to index
          %get3A_592 = arith.index_cast %mul3A_587 : i32 to index
          %get3A_593 = tpu.vector_load %arg10[%get3A_590, %get3A_591, %get3A_592] {strides = array<i32>} : memref<2x16x1024xf32, #tpu.memory_space<vmem>>, vector<1x1x16xf32>,
          %get3A_594 = vector.shape_cast %get3A_593 : vector<1x1x16xf32> to vector<16xf32>
          %mul3A_595 = arith.mulf %select_n3A_289, %get3A_594 : vector<16xf32>
          %add3A_596 = arith.addf %mul3A_585, %mul3A_595 : vector<16xf32>
          %mul3A_597 = arith.constant 16 : i32
          %mul3A_598 = arith.muli %scan3A_575, %mul3A_597 : i32
          %get3A_599 = arith.constant 0 : i32
          %get3A_600 = arith.constant 2 : i32
          %get3A_601 = arith.index_cast %get3A_599 : i32 to index
          %get3A_602 = arith.index_cast %get3A_600 : i32 to index
          %get3A_603 = arith.index_cast %mul3A_598 : i32 to index
          %get3A_604 = tpu.vector_load %arg10[%get3A_601, %get3A_602, %get3A_603] {strides = array<i32>} : memref<2x16x1024xf32, #tpu.memory_space<vmem>>, vector<1x1x16xf32>,
          %get3A_605 = vector.shape_cast %get3A_604 : vector<1x1x16xf32> to vector<16xf32>
          %mul3A_606 = arith.mulf %select_n3A_291, %get3A_605 : vector<16xf32>
          %add3A_607 = arith.addf %add3A_596, %mul3A_606 : vector<16xf32>
          %mul3A_608 = arith.constant 16 : i32
          %mul3A_609 = arith.muli %scan3A_575, %mul3A_608 : i32
          %get3A_610 = arith.constant 0 : i32
          %get3A_611 = arith.constant 3 : i32
          %get3A_612 = arith.index_cast %get3A_610 : i32 to index
          %get3A_613 = arith.index_cast %get3A_611 : i32 to index
          %get3A_614 = arith.index_cast %mul3A_609 : i32 to index
          %get3A_615 = tpu.vector_load %arg10[%get3A_612, %get3A_613, %get3A_614] {strides = array<i32>} : memref<2x16x1024xf32, #tpu.memory_space<vmem>>, vector<1x1x16xf32>,
          %get3A_616 = vector.shape_cast %get3A_615 : vector<1x1x16xf32> to vector<16xf32>
          %mul3A_617 = arith.mulf %select_n3A_293, %get3A_616 : vector<16xf32>
          %add3A_618 = arith.addf %add3A_607, %mul3A_617 : vector<16xf32>
          %mul3A_619 = arith.constant 16 : i32
          %mul3A_620 = arith.muli %scan3A_575, %mul3A_619 : i32
          %get3A_621 = arith.constant 0 : i32
          %get3A_622 = arith.constant 4 : i32
          %get3A_623 = arith.index_cast %get3A_621 : i32 to index
          %get3A_624 = arith.index_cast %get3A_622 : i32 to index
          %get3A_625 = arith.index_cast %mul3A_620 : i32 to index
          %get3A_626 = tpu.vector_load %arg10[%get3A_623, %get3A_624, %get3A_625] {strides = array<i32>} : memref<2x16x1024xf32, #tpu.memory_space<vmem>>, vector<1x1x16xf32>,
          %get3A_627 = vector.shape_cast %get3A_626 : vector<1x1x16xf32> to vector<16xf32>
          %mul3A_628 = arith.mulf %select_n3A_295, %get3A_627 : vector<16xf32>
          %add3A_629 = arith.addf %add3A_618, %mul3A_628 : vector<16xf32>
          %mul3A_630 = arith.constant 16 : i32
          %mul3A_631 = arith.muli %scan3A_575, %mul3A_630 : i32
          %get3A_632 = arith.constant 0 : i32
          %get3A_633 = arith.constant 5 : i32
          %get3A_634 = arith.index_cast %get3A_632 : i32 to index
          %get3A_635 = arith.index_cast %get3A_633 : i32 to index
          %get3A_636 = arith.index_cast %mul3A_631 : i32 to index
          %get3A_637 = tpu.vector_load %arg10[%get3A_634, %get3A_635, %get3A_636] {strides = array<i32>} : memref<2x16x1024xf32, #tpu.memory_space<vmem>>, vector<1x1x16xf32>,
          %get3A_638 = vector.shape_cast %get3A_637 : vector<1x1x16xf32> to vector<16xf32>
          %mul3A_639 = arith.mulf %select_n3A_297, %get3A_638 : vector<16xf32>
          %add3A_640 = arith.addf %add3A_629, %mul3A_639 : vector<16xf32>
          %mul3A_641 = arith.constant 16 : i32
          %mul3A_642 = arith.muli %scan3A_575, %mul3A_641 : i32
          %get3A_643 = arith.constant 0 : i32
          %get3A_644 = arith.constant 6 : i32
          %get3A_645 = arith.index_cast %get3A_643 : i32 to index
          %get3A_646 = arith.index_cast %get3A_644 : i32 to index
          %get3A_647 = arith.index_cast %mul3A_642 : i32 to index
          %get3A_648 = tpu.vector_load %arg10[%get3A_645, %get3A_646, %get3A_647] {strides = array<i32>} : memref<2x16x1024xf32, #tpu.memory_space<vmem>>, vector<1x1x16xf32>,
          %get3A_649 = vector.shape_cast %get3A_648 : vector<1x1x16xf32> to vector<16xf32>
          %mul3A_650 = arith.mulf %select_n3A_299, %get3A_649 : vector<16xf32>
          %add3A_651 = arith.addf %add3A_640, %mul3A_650 : vector<16xf32>
          %mul3A_652 = arith.constant 16 : i32
          %mul3A_653 = arith.muli %scan3A_575, %mul3A_652 : i32
          %get3A_654 = arith.constant 0 : i32
          %get3A_655 = arith.constant 7 : i32
          %get3A_656 = arith.index_cast %get3A_654 : i32 to index
          %get3A_657 = arith.index_cast %get3A_655 : i32 to index
          %get3A_658 = arith.index_cast %mul3A_653 : i32 to index
          %get3A_659 = tpu.vector_load %arg10[%get3A_656, %get3A_657, %get3A_658] {strides = array<i32>} : memref<2x16x1024xf32, #tpu.memory_space<vmem>>, vector<1x1x16xf32>,
          %get3A_660 = vector.shape_cast %get3A_659 : vector<1x1x16xf32> to vector<16xf32>
          %mul3A_661 = arith.mulf %select_n3A_301, %get3A_660 : vector<16xf32>
          %add3A_662 = arith.addf %add3A_651, %mul3A_661 : vector<16xf32>
          %mul3A_663 = arith.constant 16 : i32
          %mul3A_664 = arith.muli %scan3A_575, %mul3A_663 : i32
          %get3A_665 = arith.constant 0 : i32
          %get3A_666 = arith.constant 8 : i32
          %get3A_667 = arith.index_cast %get3A_665 : i32 to index
          %get3A_668 = arith.index_cast %get3A_666 : i32 to index
          %get3A_669 = arith.index_cast %mul3A_664 : i32 to index
          %get3A_670 = tpu.vector_load %arg10[%get3A_667, %get3A_668, %get3A_669] {strides = array<i32>} : memref<2x16x1024xf32, #tpu.memory_space<vmem>>, vector<1x1x16xf32>,
          %get3A_671 = vector.shape_cast %get3A_670 : vector<1x1x16xf32> to vector<16xf32>
          %mul3A_672 = arith.mulf %select_n3A_303, %get3A_671 : vector<16xf32>
          %add3A_673 = arith.addf %add3A_662, %mul3A_672 : vector<16xf32>
          %mul3A_674 = arith.constant 16 : i32
          %mul3A_675 = arith.muli %scan3A_575, %mul3A_674 : i32
          %get3A_676 = arith.constant 0 : i32
          %get3A_677 = arith.constant 9 : i32
          %get3A_678 = arith.index_cast %get3A_676 : i32 to index
          %get3A_679 = arith.index_cast %get3A_677 : i32 to index
          %get3A_680 = arith.index_cast %mul3A_675 : i32 to index
          %get3A_681 = tpu.vector_load %arg10[%get3A_678, %get3A_679, %get3A_680] {strides = array<i32>} : memref<2x16x1024xf32, #tpu.memory_space<vmem>>, vector<1x1x16xf32>,
          %get3A_682 = vector.shape_cast %get3A_681 : vector<1x1x16xf32> to vector<16xf32>
          %mul3A_683 = arith.mulf %select_n3A_305, %get3A_682 : vector<16xf32>
          %add3A_684 = arith.addf %add3A_673, %mul3A_683 : vector<16xf32>
          %mul3A_685 = arith.constant 16 : i32
          %mul3A_686 = arith.muli %scan3A_575, %mul3A_685 : i32
          %get3A_687 = arith.constant 0 : i32
          %get3A_688 = arith.constant 10 : i32
          %get3A_689 = arith.index_cast %get3A_687 : i32 to index
          %get3A_690 = arith.index_cast %get3A_688 : i32 to index
          %get3A_691 = arith.index_cast %mul3A_686 : i32 to index
          %get3A_692 = tpu.vector_load %arg10[%get3A_689, %get3A_690, %get3A_691] {strides = array<i32>} : memref<2x16x1024xf32, #tpu.memory_space<vmem>>, vector<1x1x16xf32>,
          %get3A_693 = vector.shape_cast %get3A_692 : vector<1x1x16xf32> to vector<16xf32>
          %mul3A_694 = arith.mulf %select_n3A_307, %get3A_693 : vector<16xf32>
          %add3A_695 = arith.addf %add3A_684, %mul3A_694 : vector<16xf32>
          %mul3A_696 = arith.constant 16 : i32
          %mul3A_697 = arith.muli %scan3A_575, %mul3A_696 : i32
          %get3A_698 = arith.constant 0 : i32
          %get3A_699 = arith.constant 11 : i32
          %get3A_700 = arith.index_cast %get3A_698 : i32 to index
          %get3A_701 = arith.index_cast %get3A_699 : i32 to index
          %get3A_702 = arith.index_cast %mul3A_697 : i32 to index
          %get3A_703 = tpu.vector_load %arg10[%get3A_700, %get3A_701, %get3A_702] {strides = array<i32>} : memref<2x16x1024xf32, #tpu.memory_space<vmem>>, vector<1x1x16xf32>,
          %get3A_704 = vector.shape_cast %get3A_703 : vector<1x1x16xf32> to vector<16xf32>
          %mul3A_705 = arith.mulf %select_n3A_309, %get3A_704 : vector<16xf32>
          %add3A_706 = arith.addf %add3A_695, %mul3A_705 : vector<16xf32>
          %mul3A_707 = arith.constant 16 : i32
          %mul3A_708 = arith.muli %scan3A_575, %mul3A_707 : i32
          %get3A_709 = arith.constant 0 : i32
          %get3A_710 = arith.constant 12 : i32
          %get3A_711 = arith.index_cast %get3A_709 : i32 to index
          %get3A_712 = arith.index_cast %get3A_710 : i32 to index
          %get3A_713 = arith.index_cast %mul3A_708 : i32 to index
          %get3A_714 = tpu.vector_load %arg10[%get3A_711, %get3A_712, %get3A_713] {strides = array<i32>} : memref<2x16x1024xf32, #tpu.memory_space<vmem>>, vector<1x1x16xf32>,
          %get3A_715 = vector.shape_cast %get3A_714 : vector<1x1x16xf32> to vector<16xf32>
          %mul3A_716 = arith.mulf %select_n3A_311, %get3A_715 : vector<16xf32>
          %add3A_717 = arith.addf %add3A_706, %mul3A_716 : vector<16xf32>
          %mul3A_718 = arith.constant 16 : i32
          %mul3A_719 = arith.muli %scan3A_575, %mul3A_718 : i32
          %get3A_720 = arith.constant 0 : i32
          %get3A_721 = arith.constant 13 : i32
          %get3A_722 = arith.index_cast %get3A_720 : i32 to index
          %get3A_723 = arith.index_cast %get3A_721 : i32 to index
          %get3A_724 = arith.index_cast %mul3A_719 : i32 to index
          %get3A_725 = tpu.vector_load %arg10[%get3A_722, %get3A_723, %get3A_724] {strides = array<i32>} : memref<2x16x1024xf32, #tpu.memory_space<vmem>>, vector<1x1x16xf32>,
          %get3A_726 = vector.shape_cast %get3A_725 : vector<1x1x16xf32> to vector<16xf32>
          %mul3A_727 = arith.mulf %select_n3A_313, %get3A_726 : vector<16xf32>
          %add3A_728 = arith.addf %add3A_717, %mul3A_727 : vector<16xf32>
          %mul3A_729 = arith.constant 16 : i32
          %mul3A_730 = arith.muli %scan3A_575, %mul3A_729 : i32
          %get3A_731 = arith.constant 0 : i32
          %get3A_732 = arith.constant 14 : i32
          %get3A_733 = arith.index_cast %get3A_731 : i32 to index
          %get3A_734 = arith.index_cast %get3A_732 : i32 to index
          %get3A_735 = arith.index_cast %mul3A_730 : i32 to index
          %get3A_736 = tpu.vector_load %arg10[%get3A_733, %get3A_734, %get3A_735] {strides = array<i32>} : memref<2x16x1024xf32, #tpu.memory_space<vmem>>, vector<1x1x16xf32>,
          %get3A_737 = vector.shape_cast %get3A_736 : vector<1x1x16xf32> to vector<16xf32>
          %mul3A_738 = arith.mulf %select_n3A_315, %get3A_737 : vector<16xf32>
          %add3A_739 = arith.addf %add3A_728, %mul3A_738 : vector<16xf32>
          %mul3A_740 = arith.constant 16 : i32
          %mul3A_741 = arith.muli %scan3A_575, %mul3A_740 : i32
          %get3A_742 = arith.constant 0 : i32
          %get3A_743 = arith.constant 15 : i32
          %get3A_744 = arith.index_cast %get3A_742 : i32 to index
          %get3A_745 = arith.index_cast %get3A_743 : i32 to index
          %get3A_746 = arith.index_cast %mul3A_741 : i32 to index
          %get3A_747 = tpu.vector_load %arg10[%get3A_744, %get3A_745, %get3A_746] {strides = array<i32>} : memref<2x16x1024xf32, #tpu.memory_space<vmem>>, vector<1x1x16xf32>,
          %get3A_748 = vector.shape_cast %get3A_747 : vector<1x1x16xf32> to vector<16xf32>
          %mul3A_749 = arith.mulf %select_n3A_317, %get3A_748 : vector<16xf32>
          %add3A_750 = arith.addf %add3A_739, %mul3A_749 : vector<16xf32>
          %mul3A_751 = arith.constant 16 : i32
          %mul3A_752 = arith.muli %scan3A_575, %mul3A_751 : i32
          %swap3A = arith.index_cast %add3A_110 : i32 to index
          %swap3A_753 = arith.index_cast %mul3A_752 : i32 to index
          %swap3A_754 = tpu.vector_load %arg12[%swap3A, %swap3A_753] {strides = array<i32>} : memref<16x1024xf32, #tpu.memory_space<vmem>>, vector<1x16xf32>,
          %swap3A_755 = vector.shape_cast %swap3A_754 : vector<1x16xf32> to vector<16xf32>
          %swap3A_756 = vector.shape_cast %add3A_750 : vector<16xf32> to vector<1x16xf32>
          tpu.vector_store %arg12[%swap3A, %swap3A_753], %swap3A_756 {strides = array<i32>} : memref<16x1024xf32, #tpu.memory_space<vmem>>, vector<1x16xf32>,
          %scan3A_757 = arith.constant 1 : i32
          %scan3A_758 = arith.addi %scan3A_575, %scan3A_757 : i32
          %mul3A_759 = arith.constant 16 : i32
          %mul3A_760 = arith.muli %scan3A_758, %mul3A_759 : i32
          %get3A_761 = arith.constant 0 : i32
          %get3A_762 = arith.constant 0 : i32
          %get3A_763 = arith.index_cast %get3A_761 : i32 to index
          %get3A_764 = arith.index_cast %get3A_762 : i32 to index
          %get3A_765 = arith.index_cast %mul3A_760 : i32 to index
          %get3A_766 = tpu.vector_load %arg10[%get3A_763, %get3A_764, %get3A_765] {strides = array<i32>} : memref<2x16x1024xf32, #tpu.memory_space<vmem>>, vector<1x1x16xf32>,
          %get3A_767 = vector.shape_cast %get3A_766 : vector<1x1x16xf32> to vector<16xf32>
          %mul3A_768 = arith.mulf %select_n3A, %get3A_767 : vector<16xf32>
          %mul3A_769 = arith.constant 16 : i32
          %mul3A_770 = arith.muli %scan3A_758, %mul3A_769 : i32
          %get3A_771 = arith.constant 0 : i32
          %get3A_772 = arith.constant 1 : i32
          %get3A_773 = arith.index_cast %get3A_771 : i32 to index
          %get3A_774 = arith.index_cast %get3A_772 : i32 to index
          %get3A_775 = arith.index_cast %mul3A_770 : i32 to index
          %get3A_776 = tpu.vector_load %arg10[%get3A_773, %get3A_774, %get3A_775] {strides = array<i32>} : memref<2x16x1024xf32, #tpu.memory_space<vmem>>, vector<1x1x16xf32>,
          %get3A_777 = vector.shape_cast %get3A_776 : vector<1x1x16xf32> to vector<16xf32>
          %mul3A_778 = arith.mulf %select_n3A_289, %get3A_777 : vector<16xf32>
          %add3A_779 = arith.addf %mul3A_768, %mul3A_778 : vector<16xf32>
          %mul3A_780 = arith.constant 16 : i32
          %mul3A_781 = arith.muli %scan3A_758, %mul3A_780 : i32
          %get3A_782 = arith.constant 0 : i32
          %get3A_783 = arith.constant 2 : i32
          %get3A_784 = arith.index_cast %get3A_782 : i32 to index
          %get3A_785 = arith.index_cast %get3A_783 : i32 to index
          %get3A_786 = arith.index_cast %mul3A_781 : i32 to index
          %get3A_787 = tpu.vector_load %arg10[%get3A_784, %get3A_785, %get3A_786] {strides = array<i32>} : memref<2x16x1024xf32, #tpu.memory_space<vmem>>, vector<1x1x16xf32>,
          %get3A_788 = vector.shape_cast %get3A_787 : vector<1x1x16xf32> to vector<16xf32>
          %mul3A_789 = arith.mulf %select_n3A_291, %get3A_788 : vector<16xf32>
          %add3A_790 = arith.addf %add3A_779, %mul3A_789 : vector<16xf32>
          %mul3A_791 = arith.constant 16 : i32
          %mul3A_792 = arith.muli %scan3A_758, %mul3A_791 : i32
          %get3A_793 = arith.constant 0 : i32
          %get3A_794 = arith.constant 3 : i32
          %get3A_795 = arith.index_cast %get3A_793 : i32 to index
          %get3A_796 = arith.index_cast %get3A_794 : i32 to index
          %get3A_797 = arith.index_cast %mul3A_792 : i32 to index
          %get3A_798 = tpu.vector_load %arg10[%get3A_795, %get3A_796, %get3A_797] {strides = array<i32>} : memref<2x16x1024xf32, #tpu.memory_space<vmem>>, vector<1x1x16xf32>,
          %get3A_799 = vector.shape_cast %get3A_798 : vector<1x1x16xf32> to vector<16xf32>
          %mul3A_800 = arith.mulf %select_n3A_293, %get3A_799 : vector<16xf32>
          %add3A_801 = arith.addf %add3A_790, %mul3A_800 : vector<16xf32>
          %mul3A_802 = arith.constant 16 : i32
          %mul3A_803 = arith.muli %scan3A_758, %mul3A_802 : i32
          %get3A_804 = arith.constant 0 : i32
          %get3A_805 = arith.constant 4 : i32
          %get3A_806 = arith.index_cast %get3A_804 : i32 to index
          %get3A_807 = arith.index_cast %get3A_805 : i32 to index
          %get3A_808 = arith.index_cast %mul3A_803 : i32 to index
          %get3A_809 = tpu.vector_load %arg10[%get3A_806, %get3A_807, %get3A_808] {strides = array<i32>} : memref<2x16x1024xf32, #tpu.memory_space<vmem>>, vector<1x1x16xf32>,
          %get3A_810 = vector.shape_cast %get3A_809 : vector<1x1x16xf32> to vector<16xf32>
          %mul3A_811 = arith.mulf %select_n3A_295, %get3A_810 : vector<16xf32>
          %add3A_812 = arith.addf %add3A_801, %mul3A_811 : vector<16xf32>
          %mul3A_813 = arith.constant 16 : i32
          %mul3A_814 = arith.muli %scan3A_758, %mul3A_813 : i32
          %get3A_815 = arith.constant 0 : i32
          %get3A_816 = arith.constant 5 : i32
          %get3A_817 = arith.index_cast %get3A_815 : i32 to index
          %get3A_818 = arith.index_cast %get3A_816 : i32 to index
          %get3A_819 = arith.index_cast %mul3A_814 : i32 to index
          %get3A_820 = tpu.vector_load %arg10[%get3A_817, %get3A_818, %get3A_819] {strides = array<i32>} : memref<2x16x1024xf32, #tpu.memory_space<vmem>>, vector<1x1x16xf32>,
          %get3A_821 = vector.shape_cast %get3A_820 : vector<1x1x16xf32> to vector<16xf32>
          %mul3A_822 = arith.mulf %select_n3A_297, %get3A_821 : vector<16xf32>
          %add3A_823 = arith.addf %add3A_812, %mul3A_822 : vector<16xf32>
          %mul3A_824 = arith.constant 16 : i32
          %mul3A_825 = arith.muli %scan3A_758, %mul3A_824 : i32
          %get3A_826 = arith.constant 0 : i32
          %get3A_827 = arith.constant 6 : i32
          %get3A_828 = arith.index_cast %get3A_826 : i32 to index
          %get3A_829 = arith.index_cast %get3A_827 : i32 to index
          %get3A_830 = arith.index_cast %mul3A_825 : i32 to index
          %get3A_831 = tpu.vector_load %arg10[%get3A_828, %get3A_829, %get3A_830] {strides = array<i32>} : memref<2x16x1024xf32, #tpu.memory_space<vmem>>, vector<1x1x16xf32>,
          %get3A_832 = vector.shape_cast %get3A_831 : vector<1x1x16xf32> to vector<16xf32>
          %mul3A_833 = arith.mulf %select_n3A_299, %get3A_832 : vector<16xf32>
          %add3A_834 = arith.addf %add3A_823, %mul3A_833 : vector<16xf32>
          %mul3A_835 = arith.constant 16 : i32
          %mul3A_836 = arith.muli %scan3A_758, %mul3A_835 : i32
          %get3A_837 = arith.constant 0 : i32
          %get3A_838 = arith.constant 7 : i32
          %get3A_839 = arith.index_cast %get3A_837 : i32 to index
          %get3A_840 = arith.index_cast %get3A_838 : i32 to index
          %get3A_841 = arith.index_cast %mul3A_836 : i32 to index
          %get3A_842 = tpu.vector_load %arg10[%get3A_839, %get3A_840, %get3A_841] {strides = array<i32>} : memref<2x16x1024xf32, #tpu.memory_space<vmem>>, vector<1x1x16xf32>,
          %get3A_843 = vector.shape_cast %get3A_842 : vector<1x1x16xf32> to vector<16xf32>
          %mul3A_844 = arith.mulf %select_n3A_301, %get3A_843 : vector<16xf32>
          %add3A_845 = arith.addf %add3A_834, %mul3A_844 : vector<16xf32>
          %mul3A_846 = arith.constant 16 : i32
          %mul3A_847 = arith.muli %scan3A_758, %mul3A_846 : i32
          %get3A_848 = arith.constant 0 : i32
          %get3A_849 = arith.constant 8 : i32
          %get3A_850 = arith.index_cast %get3A_848 : i32 to index
          %get3A_851 = arith.index_cast %get3A_849 : i32 to index
          %get3A_852 = arith.index_cast %mul3A_847 : i32 to index
          %get3A_853 = tpu.vector_load %arg10[%get3A_850, %get3A_851, %get3A_852] {strides = array<i32>} : memref<2x16x1024xf32, #tpu.memory_space<vmem>>, vector<1x1x16xf32>,
          %get3A_854 = vector.shape_cast %get3A_853 : vector<1x1x16xf32> to vector<16xf32>
          %mul3A_855 = arith.mulf %select_n3A_303, %get3A_854 : vector<16xf32>
          %add3A_856 = arith.addf %add3A_845, %mul3A_855 : vector<16xf32>
          %mul3A_857 = arith.constant 16 : i32
          %mul3A_858 = arith.muli %scan3A_758, %mul3A_857 : i32
          %get3A_859 = arith.constant 0 : i32
          %get3A_860 = arith.constant 9 : i32
          %get3A_861 = arith.index_cast %get3A_859 : i32 to index
          %get3A_862 = arith.index_cast %get3A_860 : i32 to index
          %get3A_863 = arith.index_cast %mul3A_858 : i32 to index
          %get3A_864 = tpu.vector_load %arg10[%get3A_861, %get3A_862, %get3A_863] {strides = array<i32>} : memref<2x16x1024xf32, #tpu.memory_space<vmem>>, vector<1x1x16xf32>,
          %get3A_865 = vector.shape_cast %get3A_864 : vector<1x1x16xf32> to vector<16xf32>
          %mul3A_866 = arith.mulf %select_n3A_305, %get3A_865 : vector<16xf32>
          %add3A_867 = arith.addf %add3A_856, %mul3A_866 : vector<16xf32>
          %mul3A_868 = arith.constant 16 : i32
          %mul3A_869 = arith.muli %scan3A_758, %mul3A_868 : i32
          %get3A_870 = arith.constant 0 : i32
          %get3A_871 = arith.constant 10 : i32
          %get3A_872 = arith.index_cast %get3A_870 : i32 to index
          %get3A_873 = arith.index_cast %get3A_871 : i32 to index
          %get3A_874 = arith.index_cast %mul3A_869 : i32 to index
          %get3A_875 = tpu.vector_load %arg10[%get3A_872, %get3A_873, %get3A_874] {strides = array<i32>} : memref<2x16x1024xf32, #tpu.memory_space<vmem>>, vector<1x1x16xf32>,
          %get3A_876 = vector.shape_cast %get3A_875 : vector<1x1x16xf32> to vector<16xf32>
          %mul3A_877 = arith.mulf %select_n3A_307, %get3A_876 : vector<16xf32>
          %add3A_878 = arith.addf %add3A_867, %mul3A_877 : vector<16xf32>
          %mul3A_879 = arith.constant 16 : i32
          %mul3A_880 = arith.muli %scan3A_758, %mul3A_879 : i32
          %get3A_881 = arith.constant 0 : i32
          %get3A_882 = arith.constant 11 : i32
          %get3A_883 = arith.index_cast %get3A_881 : i32 to index
          %get3A_884 = arith.index_cast %get3A_882 : i32 to index
          %get3A_885 = arith.index_cast %mul3A_880 : i32 to index
          %get3A_886 = tpu.vector_load %arg10[%get3A_883, %get3A_884, %get3A_885] {strides = array<i32>} : memref<2x16x1024xf32, #tpu.memory_space<vmem>>, vector<1x1x16xf32>,
          %get3A_887 = vector.shape_cast %get3A_886 : vector<1x1x16xf32> to vector<16xf32>
          %mul3A_888 = arith.mulf %select_n3A_309, %get3A_887 : vector<16xf32>
          %add3A_889 = arith.addf %add3A_878, %mul3A_888 : vector<16xf32>
          %mul3A_890 = arith.constant 16 : i32
          %mul3A_891 = arith.muli %scan3A_758, %mul3A_890 : i32
          %get3A_892 = arith.constant 0 : i32
          %get3A_893 = arith.constant 12 : i32
          %get3A_894 = arith.index_cast %get3A_892 : i32 to index
          %get3A_895 = arith.index_cast %get3A_893 : i32 to index
          %get3A_896 = arith.index_cast %mul3A_891 : i32 to index
          %get3A_897 = tpu.vector_load %arg10[%get3A_894, %get3A_895, %get3A_896] {strides = array<i32>} : memref<2x16x1024xf32, #tpu.memory_space<vmem>>, vector<1x1x16xf32>,
          %get3A_898 = vector.shape_cast %get3A_897 : vector<1x1x16xf32> to vector<16xf32>
          %mul3A_899 = arith.mulf %select_n3A_311, %get3A_898 : vector<16xf32>
          %add3A_900 = arith.addf %add3A_889, %mul3A_899 : vector<16xf32>
          %mul3A_901 = arith.constant 16 : i32
          %mul3A_902 = arith.muli %scan3A_758, %mul3A_901 : i32
          %get3A_903 = arith.constant 0 : i32
          %get3A_904 = arith.constant 13 : i32
          %get3A_905 = arith.index_cast %get3A_903 : i32 to index
          %get3A_906 = arith.index_cast %get3A_904 : i32 to index
          %get3A_907 = arith.index_cast %mul3A_902 : i32 to index
          %get3A_908 = tpu.vector_load %arg10[%get3A_905, %get3A_906, %get3A_907] {strides = array<i32>} : memref<2x16x1024xf32, #tpu.memory_space<vmem>>, vector<1x1x16xf32>,
          %get3A_909 = vector.shape_cast %get3A_908 : vector<1x1x16xf32> to vector<16xf32>
          %mul3A_910 = arith.mulf %select_n3A_313, %get3A_909 : vector<16xf32>
          %add3A_911 = arith.addf %add3A_900, %mul3A_910 : vector<16xf32>
          %mul3A_912 = arith.constant 16 : i32
          %mul3A_913 = arith.muli %scan3A_758, %mul3A_912 : i32
          %get3A_914 = arith.constant 0 : i32
          %get3A_915 = arith.constant 14 : i32
          %get3A_916 = arith.index_cast %get3A_914 : i32 to index
          %get3A_917 = arith.index_cast %get3A_915 : i32 to index
          %get3A_918 = arith.index_cast %mul3A_913 : i32 to index
          %get3A_919 = tpu.vector_load %arg10[%get3A_916, %get3A_917, %get3A_918] {strides = array<i32>} : memref<2x16x1024xf32, #tpu.memory_space<vmem>>, vector<1x1x16xf32>,
          %get3A_920 = vector.shape_cast %get3A_919 : vector<1x1x16xf32> to vector<16xf32>
          %mul3A_921 = arith.mulf %select_n3A_315, %get3A_920 : vector<16xf32>
          %add3A_922 = arith.addf %add3A_911, %mul3A_921 : vector<16xf32>
          %mul3A_923 = arith.constant 16 : i32
          %mul3A_924 = arith.muli %scan3A_758, %mul3A_923 : i32
          %get3A_925 = arith.constant 0 : i32
          %get3A_926 = arith.constant 15 : i32
          %get3A_927 = arith.index_cast %get3A_925 : i32 to index
          %get3A_928 = arith.index_cast %get3A_926 : i32 to index
          %get3A_929 = arith.index_cast %mul3A_924 : i32 to index
          %get3A_930 = tpu.vector_load %arg10[%get3A_927, %get3A_928, %get3A_929] {strides = array<i32>} : memref<2x16x1024xf32, #tpu.memory_space<vmem>>, vector<1x1x16xf32>,
          %get3A_931 = vector.shape_cast %get3A_930 : vector<1x1x16xf32> to vector<16xf32>
          %mul3A_932 = arith.mulf %select_n3A_317, %get3A_931 : vector<16xf32>
          %add3A_933 = arith.addf %add3A_922, %mul3A_932 : vector<16xf32>
          %mul3A_934 = arith.constant 16 : i32
          %mul3A_935 = arith.muli %scan3A_758, %mul3A_934 : i32
          %swap3A_936 = arith.index_cast %add3A_110 : i32 to index
          %swap3A_937 = arith.index_cast %mul3A_935 : i32 to index
          %swap3A_938 = tpu.vector_load %arg12[%swap3A_936, %swap3A_937] {strides = array<i32>} : memref<16x1024xf32, #tpu.memory_space<vmem>>, vector<1x16xf32>,
          %swap3A_939 = vector.shape_cast %swap3A_938 : vector<1x16xf32> to vector<16xf32>
          %swap3A_940 = vector.shape_cast %add3A_933 : vector<16xf32> to vector<1x16xf32>
          tpu.vector_store %arg12[%swap3A_936, %swap3A_937], %swap3A_940 {strides = array<i32>} : memref<16x1024xf32, #tpu.memory_space<vmem>>, vector<1x16xf32>,
        }
        %scan3A_323 = arith.constant 64 : i32
        %add3A_324 = arith.constant 1 : i32
        %add3A_325 = arith.addi %add3A_79, %add3A_324 : i32
        %add3A_326 = arith.constant 1 : i32
        %add3A_327 = arith.addi %add3A_325, %add3A_326 : i32
        %min3A_328 = arith.constant 127 : i32
        %min3A_329 = arith.minsi %add3A_327, %min3A_328 : i32
        %dma_start3A_330 = arith.constant 0 : i32
        %dma_start3A_331 = arith.constant 0 : i32
        %dma_start3A_332 = arith.constant 0 : i32
        %dma_start3A_333 = tpu.memref_slice %arg9[%dma_start3A_330, %dma_start3A_331, %dma_start3A_332] : memref<2x16x1024xf32, #tpu.memory_space<vmem>> -> memref<1x16x1024xf32, #tpu.memory_space<vmem>>
        %dma_start3A_334 = tpu.memref_squeeze %dma_start3A_333 : memref<1x16x1024xf32, #tpu.memory_space<vmem>> -> memref<16x1024xf32, #tpu.memory_space<vmem>>
        %dma_start3A_335 = arith.constant 0 : i32
        %dma_start3A_336 = tpu.memref_slice %arg8[%min3A_329, %dma_start3A_335] : memref<128x16xi32, #tpu.memory_space<vmem>> -> memref<1x16xi32, #tpu.memory_space<vmem>>
        %dma_start3A_337 = tpu.memref_squeeze %dma_start3A_336 : memref<1x16xi32, #tpu.memory_space<vmem>> -> memref<16xi32, #tpu.memory_space<vmem>>
        %dma_start3A_338 = arith.constant 0 : i32
        %dma_start3A_339 = arith.constant 0 : i32
        %dma_start3A_340 = tpu.memref_slice %arg3[%dma_start3A_338, %dma_start3A_339] : memref<4096x1024xf32, #tpu.memory_space<hbm>> -> memref<4096x1024xf32, #tpu.memory_space<hbm>>
        tpu.enqueue_indirect_dma source(%dma_start3A_340 : memref<4096x1024xf32, #tpu.memory_space<hbm>>) target(%dma_start3A_334 : memref<16x1024xf32, #tpu.memory_space<vmem>>) offsets(%dma_start3A_337 : memref<16xi32, #tpu.memory_space<vmem>>) semaphore(%arg14 : memref<!tpu.dma_semaphore, #tpu.memory_space<semaphore_mem>>)
        %dma_start3A_341 = arith.constant 0 : i32
        %dma_start3A_342 = arith.constant 0 : i32
        %dma_start3A_343 = arith.constant 0 : i32
        %dma_start3A_344 = tpu.memref_slice %arg10[%dma_start3A_341, %dma_start3A_342, %dma_start3A_343] : memref<2x16x1024xf32, #tpu.memory_space<vmem>> -> memref<1x16x1024xf32, #tpu.memory_space<vmem>>
        %dma_start3A_345 = tpu.memref_squeeze %dma_start3A_344 : memref<1x16x1024xf32, #tpu.memory_space<vmem>> -> memref<16x1024xf32, #tpu.memory_space<vmem>>
        %dma_start3A_346 = arith.constant 0 : i32
        %dma_start3A_347 = tpu.memref_slice %arg8[%min3A_329, %dma_start3A_346] : memref<128x16xi32, #tpu.memory_space<vmem>> -> memref<1x16xi32, #tpu.memory_space<vmem>>
        %dma_start3A_348 = tpu.memref_squeeze %dma_start3A_347 : memref<1x16xi32, #tpu.memory_space<vmem>> -> memref<16xi32, #tpu.memory_space<vmem>>
        %dma_start3A_349 = arith.constant 0 : i32
        %dma_start3A_350 = arith.constant 0 : i32
        %dma_start3A_351 = tpu.memref_slice %arg4[%dma_start3A_349, %dma_start3A_350] : memref<4096x1024xf32, #tpu.memory_space<hbm>> -> memref<4096x1024xf32, #tpu.memory_space<hbm>>
        tpu.enqueue_indirect_dma source(%dma_start3A_351 : memref<4096x1024xf32, #tpu.memory_space<hbm>>) target(%dma_start3A_345 : memref<16x1024xf32, #tpu.memory_space<vmem>>) offsets(%dma_start3A_348 : memref<16xi32, #tpu.memory_space<vmem>>) semaphore(%arg16 : memref<!tpu.dma_semaphore, #tpu.memory_space<semaphore_mem>>)
        %mul3A_352 = arith.constant 2 : i32
        %mul3A_353 = arith.muli %scan3A_74, %mul3A_352 : i32
        %add3A_354 = arith.constant 1 : i32
        %add3A_355 = arith.addi %mul3A_353, %add3A_354 : i32
        %dma_wait3A_356 = arith.constant 1 : i32
        %dma_wait3A_357 = arith.constant 0 : i32
        %dma_wait3A_358 = arith.constant 0 : i32
        %dma_wait3A_359 = tpu.memref_slice %arg9[%dma_wait3A_356, %dma_wait3A_357, %dma_wait3A_358] : memref<2x16x1024xf32, #tpu.memory_space<vmem>> -> memref<1x16x1024xf32, #tpu.memory_space<vmem>>
        %dma_wait3A_360 = tpu.memref_squeeze %dma_wait3A_359 : memref<1x16x1024xf32, #tpu.memory_space<vmem>> -> memref<16x1024xf32, #tpu.memory_space<vmem>>
        %dma_wait3A_361 = arith.constant 0 : i32
        %dma_wait3A_362 = arith.constant 0 : i32
        %dma_wait3A_363 = tpu.memref_slice %arg3[%dma_wait3A_361, %dma_wait3A_362] : memref<4096x1024xf32, #tpu.memory_space<hbm>> -> memref<16x1024xf32, #tpu.memory_space<hbm>>
        %dma_wait3A_364 = arith.constant 0 : i32
        %dma_wait3A_365 = arith.constant 0 : i32
        %dma_wait3A_366 = tpu.memref_slice %arg9[%dma_wait3A_356, %dma_wait3A_364, %dma_wait3A_365] : memref<2x16x1024xf32, #tpu.memory_space<vmem>> -> memref<1x16x1024xf32, #tpu.memory_space<vmem>>
        %dma_wait3A_367 = tpu.memref_squeeze %dma_wait3A_366 : memref<1x16x1024xf32, #tpu.memory_space<vmem>> -> memref<16x1024xf32, #tpu.memory_space<vmem>>
        %dma_wait3A_368 = arith.constant 0 : i32
        %dma_wait3A_369 = arith.constant 0 : i32
        %dma_wait3A_370 = tpu.memref_slice %arg3[%dma_wait3A_368, %dma_wait3A_369] : memref<4096x1024xf32, #tpu.memory_space<hbm>> -> memref<16x1024xf32, #tpu.memory_space<hbm>>
        tpu.wait_dma2 semaphore(%arg15 : memref<!tpu.dma_semaphore, #tpu.memory_space<semaphore_mem>>) src(%dma_wait3A_370 : memref<16x1024xf32, #tpu.memory_space<hbm>>) dst(%dma_wait3A_367 : memref<16x1024xf32, #tpu.memory_space<vmem>>)
        %broadcast_in_dim3A_371 = arith.constant 0.000000e+00 : f32
        %broadcast_in_dim3A_372 = vector.broadcast %broadcast_in_dim3A_371 : f32 to vector<16xf32>
        %broadcast_in_dim3A_373 = arith.constant 0.000000e+00 : f32
        %broadcast_in_dim3A_374 = vector.broadcast %broadcast_in_dim3A_373 : f32 to vector<16xf32>
        %broadcast_in_dim3A_375 = arith.constant 0.000000e+00 : f32
        %broadcast_in_dim3A_376 = vector.broadcast %broadcast_in_dim3A_375 : f32 to vector<16xf32>
        %broadcast_in_dim3A_377 = arith.constant 0.000000e+00 : f32
        %broadcast_in_dim3A_378 = vector.broadcast %broadcast_in_dim3A_377 : f32 to vector<16xf32>
        %broadcast_in_dim3A_379 = arith.constant 0.000000e+00 : f32
        %broadcast_in_dim3A_380 = vector.broadcast %broadcast_in_dim3A_379 : f32 to vector<16xf32>
        %broadcast_in_dim3A_381 = arith.constant 0.000000e+00 : f32
        %broadcast_in_dim3A_382 = vector.broadcast %broadcast_in_dim3A_381 : f32 to vector<16xf32>
        %broadcast_in_dim3A_383 = arith.constant 0.000000e+00 : f32
        %broadcast_in_dim3A_384 = vector.broadcast %broadcast_in_dim3A_383 : f32 to vector<16xf32>
        %broadcast_in_dim3A_385 = arith.constant 0.000000e+00 : f32
        %broadcast_in_dim3A_386 = vector.broadcast %broadcast_in_dim3A_385 : f32 to vector<16xf32>
        %broadcast_in_dim3A_387 = arith.constant 0.000000e+00 : f32
        %broadcast_in_dim3A_388 = vector.broadcast %broadcast_in_dim3A_387 : f32 to vector<16xf32>
        %broadcast_in_dim3A_389 = arith.constant 0.000000e+00 : f32
        %broadcast_in_dim3A_390 = vector.broadcast %broadcast_in_dim3A_389 : f32 to vector<16xf32>
        %broadcast_in_dim3A_391 = arith.constant 0.000000e+00 : f32
        %broadcast_in_dim3A_392 = vector.broadcast %broadcast_in_dim3A_391 : f32 to vector<16xf32>
        %broadcast_in_dim3A_393 = arith.constant 0.000000e+00 : f32
        %broadcast_in_dim3A_394 = vector.broadcast %broadcast_in_dim3A_393 : f32 to vector<16xf32>
        %broadcast_in_dim3A_395 = arith.constant 0.000000e+00 : f32
        %broadcast_in_dim3A_396 = vector.broadcast %broadcast_in_dim3A_395 : f32 to vector<16xf32>
        %broadcast_in_dim3A_397 = arith.constant 0.000000e+00 : f32
        %broadcast_in_dim3A_398 = vector.broadcast %broadcast_in_dim3A_397 : f32 to vector<16xf32>
        %broadcast_in_dim3A_399 = arith.constant 0.000000e+00 : f32
        %broadcast_in_dim3A_400 = vector.broadcast %broadcast_in_dim3A_399 : f32 to vector<16xf32>
        %broadcast_in_dim3A_401 = arith.constant 0.000000e+00 : f32
        %broadcast_in_dim3A_402 = vector.broadcast %broadcast_in_dim3A_401 : f32 to vector<16xf32>
        %scan3A_403 = arith.constant 0 : i32
        %scan3A_404 = arith.constant 64 : i32
        %scan3A_405 = arith.addi %scan3A_403, %scan3A_404 : i32
        %scan3A_406 = arith.constant 2 : i32
        %scan3A_407:16 = scf.for %scan3A_575 = %scan3A_403 to %scan3A_405 step %scan3A_406 iter_args(%scan3A_576 = %broadcast_in_dim3A_372, %scan3A_577 = %broadcast_in_dim3A_374, %scan3A_578 = %broadcast_in_dim3A_376, %scan3A_579 = %broadcast_in_dim3A_378, %scan3A_580 = %broadcast_in_dim3A_380, %scan3A_581 = %broadcast_in_dim3A_382, %scan3A_582 = %broadcast_in_dim3A_384, %scan3A_583 = %broadcast_in_dim3A_386, %scan3A_584 = %broadcast_in_dim3A_388, %scan3A_585 = %broadcast_in_dim3A_390, %scan3A_586 = %broadcast_in_dim3A_392, %scan3A_587 = %broadcast_in_dim3A_394, %scan3A_588 = %broadcast_in_dim3A_396, %scan3A_589 = %broadcast_in_dim3A_398, %scan3A_590 = %broadcast_in_dim3A_400, %scan3A_591 = %broadcast_in_dim3A_402) -> (vector<16xf32>, vector<16xf32>, vector<16xf32>, vector<16xf32>, vector<16xf32>, vector<16xf32>, vector<16xf32>, vector<16xf32>, vector<16xf32>, vector<16xf32>, vector<16xf32>, vector<16xf32>, vector<16xf32>, vector<16xf32>, vector<16xf32>, vector<16xf32>)  : i32 {
          %mul3A_592 = arith.constant 16 : i32
          %mul3A_593 = arith.muli %scan3A_575, %mul3A_592 : i32
          %get3A_594 = arith.index_cast %add3A_355 : i32 to index
          %get3A_595 = arith.index_cast %mul3A_593 : i32 to index
          %get3A_596 = tpu.vector_load %arg11[%get3A_594, %get3A_595] {strides = array<i32>} : memref<16x1024xf32, #tpu.memory_space<vmem>>, vector<1x16xf32>,
          %get3A_597 = vector.shape_cast %get3A_596 : vector<1x16xf32> to vector<16xf32>
          %mul3A_598 = arith.constant 16 : i32
          %mul3A_599 = arith.muli %scan3A_575, %mul3A_598 : i32
          %get3A_600 = arith.constant 1 : i32
          %get3A_601 = arith.constant 0 : i32
          %get3A_602 = arith.index_cast %get3A_600 : i32 to index
          %get3A_603 = arith.index_cast %get3A_601 : i32 to index
          %get3A_604 = arith.index_cast %mul3A_599 : i32 to index
          %get3A_605 = tpu.vector_load %arg9[%get3A_602, %get3A_603, %get3A_604] {strides = array<i32>} : memref<2x16x1024xf32, #tpu.memory_space<vmem>>, vector<1x1x16xf32>,
          %get3A_606 = vector.shape_cast %get3A_605 : vector<1x1x16xf32> to vector<16xf32>
          %sub3A_607 = arith.subf %get3A_597, %get3A_606 : vector<16xf32>
          %abs3A = math.absf %sub3A_607 : vector<16xf32>
          %add3A_608 = arith.addf %scan3A_576, %abs3A : vector<16xf32>
          %mul3A_609 = arith.constant 16 : i32
          %mul3A_610 = arith.muli %scan3A_575, %mul3A_609 : i32
          %get3A_611 = arith.constant 1 : i32
          %get3A_612 = arith.constant 1 : i32
          %get3A_613 = arith.index_cast %get3A_611 : i32 to index
          %get3A_614 = arith.index_cast %get3A_612 : i32 to index
          %get3A_615 = arith.index_cast %mul3A_610 : i32 to index
          %get3A_616 = tpu.vector_load %arg9[%get3A_613, %get3A_614, %get3A_615] {strides = array<i32>} : memref<2x16x1024xf32, #tpu.memory_space<vmem>>, vector<1x1x16xf32>,
          %get3A_617 = vector.shape_cast %get3A_616 : vector<1x1x16xf32> to vector<16xf32>
          %sub3A_618 = arith.subf %get3A_597, %get3A_617 : vector<16xf32>
          %abs3A_619 = math.absf %sub3A_618 : vector<16xf32>
          %add3A_620 = arith.addf %scan3A_577, %abs3A_619 : vector<16xf32>
          %mul3A_621 = arith.constant 16 : i32
          %mul3A_622 = arith.muli %scan3A_575, %mul3A_621 : i32
          %get3A_623 = arith.constant 1 : i32
          %get3A_624 = arith.constant 2 : i32
          %get3A_625 = arith.index_cast %get3A_623 : i32 to index
          %get3A_626 = arith.index_cast %get3A_624 : i32 to index
          %get3A_627 = arith.index_cast %mul3A_622 : i32 to index
          %get3A_628 = tpu.vector_load %arg9[%get3A_625, %get3A_626, %get3A_627] {strides = array<i32>} : memref<2x16x1024xf32, #tpu.memory_space<vmem>>, vector<1x1x16xf32>,
          %get3A_629 = vector.shape_cast %get3A_628 : vector<1x1x16xf32> to vector<16xf32>
          %sub3A_630 = arith.subf %get3A_597, %get3A_629 : vector<16xf32>
          %abs3A_631 = math.absf %sub3A_630 : vector<16xf32>
          %add3A_632 = arith.addf %scan3A_578, %abs3A_631 : vector<16xf32>
          %mul3A_633 = arith.constant 16 : i32
          %mul3A_634 = arith.muli %scan3A_575, %mul3A_633 : i32
          %get3A_635 = arith.constant 1 : i32
          %get3A_636 = arith.constant 3 : i32
          %get3A_637 = arith.index_cast %get3A_635 : i32 to index
          %get3A_638 = arith.index_cast %get3A_636 : i32 to index
          %get3A_639 = arith.index_cast %mul3A_634 : i32 to index
          %get3A_640 = tpu.vector_load %arg9[%get3A_637, %get3A_638, %get3A_639] {strides = array<i32>} : memref<2x16x1024xf32, #tpu.memory_space<vmem>>, vector<1x1x16xf32>,
          %get3A_641 = vector.shape_cast %get3A_640 : vector<1x1x16xf32> to vector<16xf32>
          %sub3A_642 = arith.subf %get3A_597, %get3A_641 : vector<16xf32>
          %abs3A_643 = math.absf %sub3A_642 : vector<16xf32>
          %add3A_644 = arith.addf %scan3A_579, %abs3A_643 : vector<16xf32>
          %mul3A_645 = arith.constant 16 : i32
          %mul3A_646 = arith.muli %scan3A_575, %mul3A_645 : i32
          %get3A_647 = arith.constant 1 : i32
          %get3A_648 = arith.constant 4 : i32
          %get3A_649 = arith.index_cast %get3A_647 : i32 to index
          %get3A_650 = arith.index_cast %get3A_648 : i32 to index
          %get3A_651 = arith.index_cast %mul3A_646 : i32 to index
          %get3A_652 = tpu.vector_load %arg9[%get3A_649, %get3A_650, %get3A_651] {strides = array<i32>} : memref<2x16x1024xf32, #tpu.memory_space<vmem>>, vector<1x1x16xf32>,
          %get3A_653 = vector.shape_cast %get3A_652 : vector<1x1x16xf32> to vector<16xf32>
          %sub3A_654 = arith.subf %get3A_597, %get3A_653 : vector<16xf32>
          %abs3A_655 = math.absf %sub3A_654 : vector<16xf32>
          %add3A_656 = arith.addf %scan3A_580, %abs3A_655 : vector<16xf32>
          %mul3A_657 = arith.constant 16 : i32
          %mul3A_658 = arith.muli %scan3A_575, %mul3A_657 : i32
          %get3A_659 = arith.constant 1 : i32
          %get3A_660 = arith.constant 5 : i32
          %get3A_661 = arith.index_cast %get3A_659 : i32 to index
          %get3A_662 = arith.index_cast %get3A_660 : i32 to index
          %get3A_663 = arith.index_cast %mul3A_658 : i32 to index
          %get3A_664 = tpu.vector_load %arg9[%get3A_661, %get3A_662, %get3A_663] {strides = array<i32>} : memref<2x16x1024xf32, #tpu.memory_space<vmem>>, vector<1x1x16xf32>,
          %get3A_665 = vector.shape_cast %get3A_664 : vector<1x1x16xf32> to vector<16xf32>
          %sub3A_666 = arith.subf %get3A_597, %get3A_665 : vector<16xf32>
          %abs3A_667 = math.absf %sub3A_666 : vector<16xf32>
          %add3A_668 = arith.addf %scan3A_581, %abs3A_667 : vector<16xf32>
          %mul3A_669 = arith.constant 16 : i32
          %mul3A_670 = arith.muli %scan3A_575, %mul3A_669 : i32
          %get3A_671 = arith.constant 1 : i32
          %get3A_672 = arith.constant 6 : i32
          %get3A_673 = arith.index_cast %get3A_671 : i32 to index
          %get3A_674 = arith.index_cast %get3A_672 : i32 to index
          %get3A_675 = arith.index_cast %mul3A_670 : i32 to index
          %get3A_676 = tpu.vector_load %arg9[%get3A_673, %get3A_674, %get3A_675] {strides = array<i32>} : memref<2x16x1024xf32, #tpu.memory_space<vmem>>, vector<1x1x16xf32>,
          %get3A_677 = vector.shape_cast %get3A_676 : vector<1x1x16xf32> to vector<16xf32>
          %sub3A_678 = arith.subf %get3A_597, %get3A_677 : vector<16xf32>
          %abs3A_679 = math.absf %sub3A_678 : vector<16xf32>
          %add3A_680 = arith.addf %scan3A_582, %abs3A_679 : vector<16xf32>
          %mul3A_681 = arith.constant 16 : i32
          %mul3A_682 = arith.muli %scan3A_575, %mul3A_681 : i32
          %get3A_683 = arith.constant 1 : i32
          %get3A_684 = arith.constant 7 : i32
          %get3A_685 = arith.index_cast %get3A_683 : i32 to index
          %get3A_686 = arith.index_cast %get3A_684 : i32 to index
          %get3A_687 = arith.index_cast %mul3A_682 : i32 to index
          %get3A_688 = tpu.vector_load %arg9[%get3A_685, %get3A_686, %get3A_687] {strides = array<i32>} : memref<2x16x1024xf32, #tpu.memory_space<vmem>>, vector<1x1x16xf32>,
          %get3A_689 = vector.shape_cast %get3A_688 : vector<1x1x16xf32> to vector<16xf32>
          %sub3A_690 = arith.subf %get3A_597, %get3A_689 : vector<16xf32>
          %abs3A_691 = math.absf %sub3A_690 : vector<16xf32>
          %add3A_692 = arith.addf %scan3A_583, %abs3A_691 : vector<16xf32>
          %mul3A_693 = arith.constant 16 : i32
          %mul3A_694 = arith.muli %scan3A_575, %mul3A_693 : i32
          %get3A_695 = arith.constant 1 : i32
          %get3A_696 = arith.constant 8 : i32
          %get3A_697 = arith.index_cast %get3A_695 : i32 to index
          %get3A_698 = arith.index_cast %get3A_696 : i32 to index
          %get3A_699 = arith.index_cast %mul3A_694 : i32 to index
          %get3A_700 = tpu.vector_load %arg9[%get3A_697, %get3A_698, %get3A_699] {strides = array<i32>} : memref<2x16x1024xf32, #tpu.memory_space<vmem>>, vector<1x1x16xf32>,
          %get3A_701 = vector.shape_cast %get3A_700 : vector<1x1x16xf32> to vector<16xf32>
          %sub3A_702 = arith.subf %get3A_597, %get3A_701 : vector<16xf32>
          %abs3A_703 = math.absf %sub3A_702 : vector<16xf32>
          %add3A_704 = arith.addf %scan3A_584, %abs3A_703 : vector<16xf32>
          %mul3A_705 = arith.constant 16 : i32
          %mul3A_706 = arith.muli %scan3A_575, %mul3A_705 : i32
          %get3A_707 = arith.constant 1 : i32
          %get3A_708 = arith.constant 9 : i32
          %get3A_709 = arith.index_cast %get3A_707 : i32 to index
          %get3A_710 = arith.index_cast %get3A_708 : i32 to index
          %get3A_711 = arith.index_cast %mul3A_706 : i32 to index
          %get3A_712 = tpu.vector_load %arg9[%get3A_709, %get3A_710, %get3A_711] {strides = array<i32>} : memref<2x16x1024xf32, #tpu.memory_space<vmem>>, vector<1x1x16xf32>,
          %get3A_713 = vector.shape_cast %get3A_712 : vector<1x1x16xf32> to vector<16xf32>
          %sub3A_714 = arith.subf %get3A_597, %get3A_713 : vector<16xf32>
          %abs3A_715 = math.absf %sub3A_714 : vector<16xf32>
          %add3A_716 = arith.addf %scan3A_585, %abs3A_715 : vector<16xf32>
          %mul3A_717 = arith.constant 16 : i32
          %mul3A_718 = arith.muli %scan3A_575, %mul3A_717 : i32
          %get3A_719 = arith.constant 1 : i32
          %get3A_720 = arith.constant 10 : i32
          %get3A_721 = arith.index_cast %get3A_719 : i32 to index
          %get3A_722 = arith.index_cast %get3A_720 : i32 to index
          %get3A_723 = arith.index_cast %mul3A_718 : i32 to index
          %get3A_724 = tpu.vector_load %arg9[%get3A_721, %get3A_722, %get3A_723] {strides = array<i32>} : memref<2x16x1024xf32, #tpu.memory_space<vmem>>, vector<1x1x16xf32>,
          %get3A_725 = vector.shape_cast %get3A_724 : vector<1x1x16xf32> to vector<16xf32>
          %sub3A_726 = arith.subf %get3A_597, %get3A_725 : vector<16xf32>
          %abs3A_727 = math.absf %sub3A_726 : vector<16xf32>
          %add3A_728 = arith.addf %scan3A_586, %abs3A_727 : vector<16xf32>
          %mul3A_729 = arith.constant 16 : i32
          %mul3A_730 = arith.muli %scan3A_575, %mul3A_729 : i32
          %get3A_731 = arith.constant 1 : i32
          %get3A_732 = arith.constant 11 : i32
          %get3A_733 = arith.index_cast %get3A_731 : i32 to index
          %get3A_734 = arith.index_cast %get3A_732 : i32 to index
          %get3A_735 = arith.index_cast %mul3A_730 : i32 to index
          %get3A_736 = tpu.vector_load %arg9[%get3A_733, %get3A_734, %get3A_735] {strides = array<i32>} : memref<2x16x1024xf32, #tpu.memory_space<vmem>>, vector<1x1x16xf32>,
          %get3A_737 = vector.shape_cast %get3A_736 : vector<1x1x16xf32> to vector<16xf32>
          %sub3A_738 = arith.subf %get3A_597, %get3A_737 : vector<16xf32>
          %abs3A_739 = math.absf %sub3A_738 : vector<16xf32>
          %add3A_740 = arith.addf %scan3A_587, %abs3A_739 : vector<16xf32>
          %mul3A_741 = arith.constant 16 : i32
          %mul3A_742 = arith.muli %scan3A_575, %mul3A_741 : i32
          %get3A_743 = arith.constant 1 : i32
          %get3A_744 = arith.constant 12 : i32
          %get3A_745 = arith.index_cast %get3A_743 : i32 to index
          %get3A_746 = arith.index_cast %get3A_744 : i32 to index
          %get3A_747 = arith.index_cast %mul3A_742 : i32 to index
          %get3A_748 = tpu.vector_load %arg9[%get3A_745, %get3A_746, %get3A_747] {strides = array<i32>} : memref<2x16x1024xf32, #tpu.memory_space<vmem>>, vector<1x1x16xf32>,
          %get3A_749 = vector.shape_cast %get3A_748 : vector<1x1x16xf32> to vector<16xf32>
          %sub3A_750 = arith.subf %get3A_597, %get3A_749 : vector<16xf32>
          %abs3A_751 = math.absf %sub3A_750 : vector<16xf32>
          %add3A_752 = arith.addf %scan3A_588, %abs3A_751 : vector<16xf32>
          %mul3A_753 = arith.constant 16 : i32
          %mul3A_754 = arith.muli %scan3A_575, %mul3A_753 : i32
          %get3A_755 = arith.constant 1 : i32
          %get3A_756 = arith.constant 13 : i32
          %get3A_757 = arith.index_cast %get3A_755 : i32 to index
          %get3A_758 = arith.index_cast %get3A_756 : i32 to index
          %get3A_759 = arith.index_cast %mul3A_754 : i32 to index
          %get3A_760 = tpu.vector_load %arg9[%get3A_757, %get3A_758, %get3A_759] {strides = array<i32>} : memref<2x16x1024xf32, #tpu.memory_space<vmem>>, vector<1x1x16xf32>,
          %get3A_761 = vector.shape_cast %get3A_760 : vector<1x1x16xf32> to vector<16xf32>
          %sub3A_762 = arith.subf %get3A_597, %get3A_761 : vector<16xf32>
          %abs3A_763 = math.absf %sub3A_762 : vector<16xf32>
          %add3A_764 = arith.addf %scan3A_589, %abs3A_763 : vector<16xf32>
          %mul3A_765 = arith.constant 16 : i32
          %mul3A_766 = arith.muli %scan3A_575, %mul3A_765 : i32
          %get3A_767 = arith.constant 1 : i32
          %get3A_768 = arith.constant 14 : i32
          %get3A_769 = arith.index_cast %get3A_767 : i32 to index
          %get3A_770 = arith.index_cast %get3A_768 : i32 to index
          %get3A_771 = arith.index_cast %mul3A_766 : i32 to index
          %get3A_772 = tpu.vector_load %arg9[%get3A_769, %get3A_770, %get3A_771] {strides = array<i32>} : memref<2x16x1024xf32, #tpu.memory_space<vmem>>, vector<1x1x16xf32>,
          %get3A_773 = vector.shape_cast %get3A_772 : vector<1x1x16xf32> to vector<16xf32>
          %sub3A_774 = arith.subf %get3A_597, %get3A_773 : vector<16xf32>
          %abs3A_775 = math.absf %sub3A_774 : vector<16xf32>
          %add3A_776 = arith.addf %scan3A_590, %abs3A_775 : vector<16xf32>
          %mul3A_777 = arith.constant 16 : i32
          %mul3A_778 = arith.muli %scan3A_575, %mul3A_777 : i32
          %get3A_779 = arith.constant 1 : i32
          %get3A_780 = arith.constant 15 : i32
          %get3A_781 = arith.index_cast %get3A_779 : i32 to index
          %get3A_782 = arith.index_cast %get3A_780 : i32 to index
          %get3A_783 = arith.index_cast %mul3A_778 : i32 to index
          %get3A_784 = tpu.vector_load %arg9[%get3A_781, %get3A_782, %get3A_783] {strides = array<i32>} : memref<2x16x1024xf32, #tpu.memory_space<vmem>>, vector<1x1x16xf32>,
          %get3A_785 = vector.shape_cast %get3A_784 : vector<1x1x16xf32> to vector<16xf32>
          %sub3A_786 = arith.subf %get3A_597, %get3A_785 : vector<16xf32>
          %abs3A_787 = math.absf %sub3A_786 : vector<16xf32>
          %add3A_788 = arith.addf %scan3A_591, %abs3A_787 : vector<16xf32>
          %scan3A_789 = arith.constant 1 : i32
          %scan3A_790 = arith.addi %scan3A_575, %scan3A_789 : i32
          %mul3A_791 = arith.constant 16 : i32
          %mul3A_792 = arith.muli %scan3A_790, %mul3A_791 : i32
          %get3A_793 = arith.index_cast %add3A_355 : i32 to index
          %get3A_794 = arith.index_cast %mul3A_792 : i32 to index
          %get3A_795 = tpu.vector_load %arg11[%get3A_793, %get3A_794] {strides = array<i32>} : memref<16x1024xf32, #tpu.memory_space<vmem>>, vector<1x16xf32>,
          %get3A_796 = vector.shape_cast %get3A_795 : vector<1x16xf32> to vector<16xf32>
          %mul3A_797 = arith.constant 16 : i32
          %mul3A_798 = arith.muli %scan3A_790, %mul3A_797 : i32
          %get3A_799 = arith.constant 1 : i32
          %get3A_800 = arith.constant 0 : i32
          %get3A_801 = arith.index_cast %get3A_799 : i32 to index
          %get3A_802 = arith.index_cast %get3A_800 : i32 to index
          %get3A_803 = arith.index_cast %mul3A_798 : i32 to index
          %get3A_804 = tpu.vector_load %arg9[%get3A_801, %get3A_802, %get3A_803] {strides = array<i32>} : memref<2x16x1024xf32, #tpu.memory_space<vmem>>, vector<1x1x16xf32>,
          %get3A_805 = vector.shape_cast %get3A_804 : vector<1x1x16xf32> to vector<16xf32>
          %sub3A_806 = arith.subf %get3A_796, %get3A_805 : vector<16xf32>
          %abs3A_807 = math.absf %sub3A_806 : vector<16xf32>
          %add3A_808 = arith.addf %add3A_608, %abs3A_807 : vector<16xf32>
          %mul3A_809 = arith.constant 16 : i32
          %mul3A_810 = arith.muli %scan3A_790, %mul3A_809 : i32
          %get3A_811 = arith.constant 1 : i32
          %get3A_812 = arith.constant 1 : i32
          %get3A_813 = arith.index_cast %get3A_811 : i32 to index
          %get3A_814 = arith.index_cast %get3A_812 : i32 to index
          %get3A_815 = arith.index_cast %mul3A_810 : i32 to index
          %get3A_816 = tpu.vector_load %arg9[%get3A_813, %get3A_814, %get3A_815] {strides = array<i32>} : memref<2x16x1024xf32, #tpu.memory_space<vmem>>, vector<1x1x16xf32>,
          %get3A_817 = vector.shape_cast %get3A_816 : vector<1x1x16xf32> to vector<16xf32>
          %sub3A_818 = arith.subf %get3A_796, %get3A_817 : vector<16xf32>
          %abs3A_819 = math.absf %sub3A_818 : vector<16xf32>
          %add3A_820 = arith.addf %add3A_620, %abs3A_819 : vector<16xf32>
          %mul3A_821 = arith.constant 16 : i32
          %mul3A_822 = arith.muli %scan3A_790, %mul3A_821 : i32
          %get3A_823 = arith.constant 1 : i32
          %get3A_824 = arith.constant 2 : i32
          %get3A_825 = arith.index_cast %get3A_823 : i32 to index
          %get3A_826 = arith.index_cast %get3A_824 : i32 to index
          %get3A_827 = arith.index_cast %mul3A_822 : i32 to index
          %get3A_828 = tpu.vector_load %arg9[%get3A_825, %get3A_826, %get3A_827] {strides = array<i32>} : memref<2x16x1024xf32, #tpu.memory_space<vmem>>, vector<1x1x16xf32>,
          %get3A_829 = vector.shape_cast %get3A_828 : vector<1x1x16xf32> to vector<16xf32>
          %sub3A_830 = arith.subf %get3A_796, %get3A_829 : vector<16xf32>
          %abs3A_831 = math.absf %sub3A_830 : vector<16xf32>
          %add3A_832 = arith.addf %add3A_632, %abs3A_831 : vector<16xf32>
          %mul3A_833 = arith.constant 16 : i32
          %mul3A_834 = arith.muli %scan3A_790, %mul3A_833 : i32
          %get3A_835 = arith.constant 1 : i32
          %get3A_836 = arith.constant 3 : i32
          %get3A_837 = arith.index_cast %get3A_835 : i32 to index
          %get3A_838 = arith.index_cast %get3A_836 : i32 to index
          %get3A_839 = arith.index_cast %mul3A_834 : i32 to index
          %get3A_840 = tpu.vector_load %arg9[%get3A_837, %get3A_838, %get3A_839] {strides = array<i32>} : memref<2x16x1024xf32, #tpu.memory_space<vmem>>, vector<1x1x16xf32>,
          %get3A_841 = vector.shape_cast %get3A_840 : vector<1x1x16xf32> to vector<16xf32>
          %sub3A_842 = arith.subf %get3A_796, %get3A_841 : vector<16xf32>
          %abs3A_843 = math.absf %sub3A_842 : vector<16xf32>
          %add3A_844 = arith.addf %add3A_644, %abs3A_843 : vector<16xf32>
          %mul3A_845 = arith.constant 16 : i32
          %mul3A_846 = arith.muli %scan3A_790, %mul3A_845 : i32
          %get3A_847 = arith.constant 1 : i32
          %get3A_848 = arith.constant 4 : i32
          %get3A_849 = arith.index_cast %get3A_847 : i32 to index
          %get3A_850 = arith.index_cast %get3A_848 : i32 to index
          %get3A_851 = arith.index_cast %mul3A_846 : i32 to index
          %get3A_852 = tpu.vector_load %arg9[%get3A_849, %get3A_850, %get3A_851] {strides = array<i32>} : memref<2x16x1024xf32, #tpu.memory_space<vmem>>, vector<1x1x16xf32>,
          %get3A_853 = vector.shape_cast %get3A_852 : vector<1x1x16xf32> to vector<16xf32>
          %sub3A_854 = arith.subf %get3A_796, %get3A_853 : vector<16xf32>
          %abs3A_855 = math.absf %sub3A_854 : vector<16xf32>
          %add3A_856 = arith.addf %add3A_656, %abs3A_855 : vector<16xf32>
          %mul3A_857 = arith.constant 16 : i32
          %mul3A_858 = arith.muli %scan3A_790, %mul3A_857 : i32
          %get3A_859 = arith.constant 1 : i32
          %get3A_860 = arith.constant 5 : i32
          %get3A_861 = arith.index_cast %get3A_859 : i32 to index
          %get3A_862 = arith.index_cast %get3A_860 : i32 to index
          %get3A_863 = arith.index_cast %mul3A_858 : i32 to index
          %get3A_864 = tpu.vector_load %arg9[%get3A_861, %get3A_862, %get3A_863] {strides = array<i32>} : memref<2x16x1024xf32, #tpu.memory_space<vmem>>, vector<1x1x16xf32>,
          %get3A_865 = vector.shape_cast %get3A_864 : vector<1x1x16xf32> to vector<16xf32>
          %sub3A_866 = arith.subf %get3A_796, %get3A_865 : vector<16xf32>
          %abs3A_867 = math.absf %sub3A_866 : vector<16xf32>
          %add3A_868 = arith.addf %add3A_668, %abs3A_867 : vector<16xf32>
          %mul3A_869 = arith.constant 16 : i32
          %mul3A_870 = arith.muli %scan3A_790, %mul3A_869 : i32
          %get3A_871 = arith.constant 1 : i32
          %get3A_872 = arith.constant 6 : i32
          %get3A_873 = arith.index_cast %get3A_871 : i32 to index
          %get3A_874 = arith.index_cast %get3A_872 : i32 to index
          %get3A_875 = arith.index_cast %mul3A_870 : i32 to index
          %get3A_876 = tpu.vector_load %arg9[%get3A_873, %get3A_874, %get3A_875] {strides = array<i32>} : memref<2x16x1024xf32, #tpu.memory_space<vmem>>, vector<1x1x16xf32>,
          %get3A_877 = vector.shape_cast %get3A_876 : vector<1x1x16xf32> to vector<16xf32>
          %sub3A_878 = arith.subf %get3A_796, %get3A_877 : vector<16xf32>
          %abs3A_879 = math.absf %sub3A_878 : vector<16xf32>
          %add3A_880 = arith.addf %add3A_680, %abs3A_879 : vector<16xf32>
          %mul3A_881 = arith.constant 16 : i32
          %mul3A_882 = arith.muli %scan3A_790, %mul3A_881 : i32
          %get3A_883 = arith.constant 1 : i32
          %get3A_884 = arith.constant 7 : i32
          %get3A_885 = arith.index_cast %get3A_883 : i32 to index
          %get3A_886 = arith.index_cast %get3A_884 : i32 to index
          %get3A_887 = arith.index_cast %mul3A_882 : i32 to index
          %get3A_888 = tpu.vector_load %arg9[%get3A_885, %get3A_886, %get3A_887] {strides = array<i32>} : memref<2x16x1024xf32, #tpu.memory_space<vmem>>, vector<1x1x16xf32>,
          %get3A_889 = vector.shape_cast %get3A_888 : vector<1x1x16xf32> to vector<16xf32>
          %sub3A_890 = arith.subf %get3A_796, %get3A_889 : vector<16xf32>
          %abs3A_891 = math.absf %sub3A_890 : vector<16xf32>
          %add3A_892 = arith.addf %add3A_692, %abs3A_891 : vector<16xf32>
          %mul3A_893 = arith.constant 16 : i32
          %mul3A_894 = arith.muli %scan3A_790, %mul3A_893 : i32
          %get3A_895 = arith.constant 1 : i32
          %get3A_896 = arith.constant 8 : i32
          %get3A_897 = arith.index_cast %get3A_895 : i32 to index
          %get3A_898 = arith.index_cast %get3A_896 : i32 to index
          %get3A_899 = arith.index_cast %mul3A_894 : i32 to index
          %get3A_900 = tpu.vector_load %arg9[%get3A_897, %get3A_898, %get3A_899] {strides = array<i32>} : memref<2x16x1024xf32, #tpu.memory_space<vmem>>, vector<1x1x16xf32>,
          %get3A_901 = vector.shape_cast %get3A_900 : vector<1x1x16xf32> to vector<16xf32>
          %sub3A_902 = arith.subf %get3A_796, %get3A_901 : vector<16xf32>
          %abs3A_903 = math.absf %sub3A_902 : vector<16xf32>
          %add3A_904 = arith.addf %add3A_704, %abs3A_903 : vector<16xf32>
          %mul3A_905 = arith.constant 16 : i32
          %mul3A_906 = arith.muli %scan3A_790, %mul3A_905 : i32
          %get3A_907 = arith.constant 1 : i32
          %get3A_908 = arith.constant 9 : i32
          %get3A_909 = arith.index_cast %get3A_907 : i32 to index
          %get3A_910 = arith.index_cast %get3A_908 : i32 to index
          %get3A_911 = arith.index_cast %mul3A_906 : i32 to index
          %get3A_912 = tpu.vector_load %arg9[%get3A_909, %get3A_910, %get3A_911] {strides = array<i32>} : memref<2x16x1024xf32, #tpu.memory_space<vmem>>, vector<1x1x16xf32>,
          %get3A_913 = vector.shape_cast %get3A_912 : vector<1x1x16xf32> to vector<16xf32>
          %sub3A_914 = arith.subf %get3A_796, %get3A_913 : vector<16xf32>
          %abs3A_915 = math.absf %sub3A_914 : vector<16xf32>
          %add3A_916 = arith.addf %add3A_716, %abs3A_915 : vector<16xf32>
          %mul3A_917 = arith.constant 16 : i32
          %mul3A_918 = arith.muli %scan3A_790, %mul3A_917 : i32
          %get3A_919 = arith.constant 1 : i32
          %get3A_920 = arith.constant 10 : i32
          %get3A_921 = arith.index_cast %get3A_919 : i32 to index
          %get3A_922 = arith.index_cast %get3A_920 : i32 to index
          %get3A_923 = arith.index_cast %mul3A_918 : i32 to index
          %get3A_924 = tpu.vector_load %arg9[%get3A_921, %get3A_922, %get3A_923] {strides = array<i32>} : memref<2x16x1024xf32, #tpu.memory_space<vmem>>, vector<1x1x16xf32>,
          %get3A_925 = vector.shape_cast %get3A_924 : vector<1x1x16xf32> to vector<16xf32>
          %sub3A_926 = arith.subf %get3A_796, %get3A_925 : vector<16xf32>
          %abs3A_927 = math.absf %sub3A_926 : vector<16xf32>
          %add3A_928 = arith.addf %add3A_728, %abs3A_927 : vector<16xf32>
          %mul3A_929 = arith.constant 16 : i32
          %mul3A_930 = arith.muli %scan3A_790, %mul3A_929 : i32
          %get3A_931 = arith.constant 1 : i32
          %get3A_932 = arith.constant 11 : i32
          %get3A_933 = arith.index_cast %get3A_931 : i32 to index
          %get3A_934 = arith.index_cast %get3A_932 : i32 to index
          %get3A_935 = arith.index_cast %mul3A_930 : i32 to index
          %get3A_936 = tpu.vector_load %arg9[%get3A_933, %get3A_934, %get3A_935] {strides = array<i32>} : memref<2x16x1024xf32, #tpu.memory_space<vmem>>, vector<1x1x16xf32>,
          %get3A_937 = vector.shape_cast %get3A_936 : vector<1x1x16xf32> to vector<16xf32>
          %sub3A_938 = arith.subf %get3A_796, %get3A_937 : vector<16xf32>
          %abs3A_939 = math.absf %sub3A_938 : vector<16xf32>
          %add3A_940 = arith.addf %add3A_740, %abs3A_939 : vector<16xf32>
          %mul3A_941 = arith.constant 16 : i32
          %mul3A_942 = arith.muli %scan3A_790, %mul3A_941 : i32
          %get3A_943 = arith.constant 1 : i32
          %get3A_944 = arith.constant 12 : i32
          %get3A_945 = arith.index_cast %get3A_943 : i32 to index
          %get3A_946 = arith.index_cast %get3A_944 : i32 to index
          %get3A_947 = arith.index_cast %mul3A_942 : i32 to index
          %get3A_948 = tpu.vector_load %arg9[%get3A_945, %get3A_946, %get3A_947] {strides = array<i32>} : memref<2x16x1024xf32, #tpu.memory_space<vmem>>, vector<1x1x16xf32>,
          %get3A_949 = vector.shape_cast %get3A_948 : vector<1x1x16xf32> to vector<16xf32>
          %sub3A_950 = arith.subf %get3A_796, %get3A_949 : vector<16xf32>
          %abs3A_951 = math.absf %sub3A_950 : vector<16xf32>
          %add3A_952 = arith.addf %add3A_752, %abs3A_951 : vector<16xf32>
          %mul3A_953 = arith.constant 16 : i32
          %mul3A_954 = arith.muli %scan3A_790, %mul3A_953 : i32
          %get3A_955 = arith.constant 1 : i32
          %get3A_956 = arith.constant 13 : i32
          %get3A_957 = arith.index_cast %get3A_955 : i32 to index
          %get3A_958 = arith.index_cast %get3A_956 : i32 to index
          %get3A_959 = arith.index_cast %mul3A_954 : i32 to index
          %get3A_960 = tpu.vector_load %arg9[%get3A_957, %get3A_958, %get3A_959] {strides = array<i32>} : memref<2x16x1024xf32, #tpu.memory_space<vmem>>, vector<1x1x16xf32>,
          %get3A_961 = vector.shape_cast %get3A_960 : vector<1x1x16xf32> to vector<16xf32>
          %sub3A_962 = arith.subf %get3A_796, %get3A_961 : vector<16xf32>
          %abs3A_963 = math.absf %sub3A_962 : vector<16xf32>
          %add3A_964 = arith.addf %add3A_764, %abs3A_963 : vector<16xf32>
          %mul3A_965 = arith.constant 16 : i32
          %mul3A_966 = arith.muli %scan3A_790, %mul3A_965 : i32
          %get3A_967 = arith.constant 1 : i32
          %get3A_968 = arith.constant 14 : i32
          %get3A_969 = arith.index_cast %get3A_967 : i32 to index
          %get3A_970 = arith.index_cast %get3A_968 : i32 to index
          %get3A_971 = arith.index_cast %mul3A_966 : i32 to index
          %get3A_972 = tpu.vector_load %arg9[%get3A_969, %get3A_970, %get3A_971] {strides = array<i32>} : memref<2x16x1024xf32, #tpu.memory_space<vmem>>, vector<1x1x16xf32>,
          %get3A_973 = vector.shape_cast %get3A_972 : vector<1x1x16xf32> to vector<16xf32>
          %sub3A_974 = arith.subf %get3A_796, %get3A_973 : vector<16xf32>
          %abs3A_975 = math.absf %sub3A_974 : vector<16xf32>
          %add3A_976 = arith.addf %add3A_776, %abs3A_975 : vector<16xf32>
          %mul3A_977 = arith.constant 16 : i32
          %mul3A_978 = arith.muli %scan3A_790, %mul3A_977 : i32
          %get3A_979 = arith.constant 1 : i32
          %get3A_980 = arith.constant 15 : i32
          %get3A_981 = arith.index_cast %get3A_979 : i32 to index
          %get3A_982 = arith.index_cast %get3A_980 : i32 to index
          %get3A_983 = arith.index_cast %mul3A_978 : i32 to index
          %get3A_984 = tpu.vector_load %arg9[%get3A_981, %get3A_982, %get3A_983] {strides = array<i32>} : memref<2x16x1024xf32, #tpu.memory_space<vmem>>, vector<1x1x16xf32>,
          %get3A_985 = vector.shape_cast %get3A_984 : vector<1x1x16xf32> to vector<16xf32>
          %sub3A_986 = arith.subf %get3A_796, %get3A_985 : vector<16xf32>
          %abs3A_987 = math.absf %sub3A_986 : vector<16xf32>
          %add3A_988 = arith.addf %add3A_788, %abs3A_987 : vector<16xf32>
          scf.yield %add3A_808, %add3A_820, %add3A_832, %add3A_844, %add3A_856, %add3A_868, %add3A_880, %add3A_892, %add3A_904, %add3A_916, %add3A_928, %add3A_940, %add3A_952, %add3A_964, %add3A_976, %add3A_988 : vector<16xf32>, vector<16xf32>, vector<16xf32>, vector<16xf32>, vector<16xf32>, vector<16xf32>, vector<16xf32>, vector<16xf32>, vector<16xf32>, vector<16xf32>, vector<16xf32>, vector<16xf32>, vector<16xf32>, vector<16xf32>, vector<16xf32>, vector<16xf32>
        }
        %scan3A_408 = arith.constant 64 : i32
        %dma_wait3A_409 = arith.constant 1 : i32
        %dma_wait3A_410 = arith.constant 0 : i32
        %dma_wait3A_411 = arith.constant 0 : i32
        %dma_wait3A_412 = tpu.memref_slice %arg10[%dma_wait3A_409, %dma_wait3A_410, %dma_wait3A_411] : memref<2x16x1024xf32, #tpu.memory_space<vmem>> -> memref<1x16x1024xf32, #tpu.memory_space<vmem>>
        %dma_wait3A_413 = tpu.memref_squeeze %dma_wait3A_412 : memref<1x16x1024xf32, #tpu.memory_space<vmem>> -> memref<16x1024xf32, #tpu.memory_space<vmem>>
        %dma_wait3A_414 = arith.constant 0 : i32
        %dma_wait3A_415 = arith.constant 0 : i32
        %dma_wait3A_416 = tpu.memref_slice %arg4[%dma_wait3A_414, %dma_wait3A_415] : memref<4096x1024xf32, #tpu.memory_space<hbm>> -> memref<16x1024xf32, #tpu.memory_space<hbm>>
        %dma_wait3A_417 = arith.constant 0 : i32
        %dma_wait3A_418 = arith.constant 0 : i32
        %dma_wait3A_419 = tpu.memref_slice %arg10[%dma_wait3A_409, %dma_wait3A_417, %dma_wait3A_418] : memref<2x16x1024xf32, #tpu.memory_space<vmem>> -> memref<1x16x1024xf32, #tpu.memory_space<vmem>>
        %dma_wait3A_420 = tpu.memref_squeeze %dma_wait3A_419 : memref<1x16x1024xf32, #tpu.memory_space<vmem>> -> memref<16x1024xf32, #tpu.memory_space<vmem>>
        %dma_wait3A_421 = arith.constant 0 : i32
        %dma_wait3A_422 = arith.constant 0 : i32
        %dma_wait3A_423 = tpu.memref_slice %arg4[%dma_wait3A_421, %dma_wait3A_422] : memref<4096x1024xf32, #tpu.memory_space<hbm>> -> memref<16x1024xf32, #tpu.memory_space<hbm>>
        tpu.wait_dma2 semaphore(%arg17 : memref<!tpu.dma_semaphore, #tpu.memory_space<semaphore_mem>>) src(%dma_wait3A_423 : memref<16x1024xf32, #tpu.memory_space<hbm>>) dst(%dma_wait3A_420 : memref<16x1024xf32, #tpu.memory_space<vmem>>)
        %mul3A_424 = arith.constant -1.250000e-01 : f32
        %mul3A_425 = vector.broadcast %mul3A_424 : f32 to vector<16xf32>
        %mul3A_426 = arith.mulf %scan3A_407#0, %mul3A_425 : vector<16xf32>
        %mul3A_427 = arith.constant -1.250000e-01 : f32
        %mul3A_428 = vector.broadcast %mul3A_427 : f32 to vector<16xf32>
        %mul3A_429 = arith.mulf %scan3A_407#1, %mul3A_428 : vector<16xf32>
        %mul3A_430 = arith.constant -1.250000e-01 : f32
        %mul3A_431 = vector.broadcast %mul3A_430 : f32 to vector<16xf32>
        %mul3A_432 = arith.mulf %scan3A_407#2, %mul3A_431 : vector<16xf32>
        %mul3A_433 = arith.constant -1.250000e-01 : f32
        %mul3A_434 = vector.broadcast %mul3A_433 : f32 to vector<16xf32>
        %mul3A_435 = arith.mulf %scan3A_407#3, %mul3A_434 : vector<16xf32>
        %mul3A_436 = arith.constant -1.250000e-01 : f32
        %mul3A_437 = vector.broadcast %mul3A_436 : f32 to vector<16xf32>
        %mul3A_438 = arith.mulf %scan3A_407#4, %mul3A_437 : vector<16xf32>
        %mul3A_439 = arith.constant -1.250000e-01 : f32
        %mul3A_440 = vector.broadcast %mul3A_439 : f32 to vector<16xf32>
        %mul3A_441 = arith.mulf %scan3A_407#5, %mul3A_440 : vector<16xf32>
        %mul3A_442 = arith.constant -1.250000e-01 : f32
        %mul3A_443 = vector.broadcast %mul3A_442 : f32 to vector<16xf32>
        %mul3A_444 = arith.mulf %scan3A_407#6, %mul3A_443 : vector<16xf32>
        %mul3A_445 = arith.constant -1.250000e-01 : f32
        %mul3A_446 = vector.broadcast %mul3A_445 : f32 to vector<16xf32>
        %mul3A_447 = arith.mulf %scan3A_407#7, %mul3A_446 : vector<16xf32>
        %mul3A_448 = arith.constant -1.250000e-01 : f32
        %mul3A_449 = vector.broadcast %mul3A_448 : f32 to vector<16xf32>
        %mul3A_450 = arith.mulf %scan3A_407#8, %mul3A_449 : vector<16xf32>
        %mul3A_451 = arith.constant -1.250000e-01 : f32
        %mul3A_452 = vector.broadcast %mul3A_451 : f32 to vector<16xf32>
        %mul3A_453 = arith.mulf %scan3A_407#9, %mul3A_452 : vector<16xf32>
        %mul3A_454 = arith.constant -1.250000e-01 : f32
        %mul3A_455 = vector.broadcast %mul3A_454 : f32 to vector<16xf32>
        %mul3A_456 = arith.mulf %scan3A_407#10, %mul3A_455 : vector<16xf32>
        %mul3A_457 = arith.constant -1.250000e-01 : f32
        %mul3A_458 = vector.broadcast %mul3A_457 : f32 to vector<16xf32>
        %mul3A_459 = arith.mulf %scan3A_407#11, %mul3A_458 : vector<16xf32>
        %mul3A_460 = arith.constant -1.250000e-01 : f32
        %mul3A_461 = vector.broadcast %mul3A_460 : f32 to vector<16xf32>
        %mul3A_462 = arith.mulf %scan3A_407#12, %mul3A_461 : vector<16xf32>
        %mul3A_463 = arith.constant -1.250000e-01 : f32
        %mul3A_464 = vector.broadcast %mul3A_463 : f32 to vector<16xf32>
        %mul3A_465 = arith.mulf %scan3A_407#13, %mul3A_464 : vector<16xf32>
        %mul3A_466 = arith.constant -1.250000e-01 : f32
        %mul3A_467 = vector.broadcast %mul3A_466 : f32 to vector<16xf32>
        %mul3A_468 = arith.mulf %scan3A_407#14, %mul3A_467 : vector<16xf32>
        %mul3A_469 = arith.constant -1.250000e-01 : f32
        %mul3A_470 = vector.broadcast %mul3A_469 : f32 to vector<16xf32>
        %mul3A_471 = arith.mulf %scan3A_407#15, %mul3A_470 : vector<16xf32>
        %max3A_472 = arith.maximumf %mul3A_426, %mul3A_429 : vector<16xf32>
        %max3A_473 = arith.maximumf %max3A_472, %mul3A_432 : vector<16xf32>
        %max3A_474 = arith.maximumf %max3A_473, %mul3A_435 : vector<16xf32>
        %max3A_475 = arith.maximumf %max3A_474, %mul3A_438 : vector<16xf32>
        %max3A_476 = arith.maximumf %max3A_475, %mul3A_441 : vector<16xf32>
        %max3A_477 = arith.maximumf %max3A_476, %mul3A_444 : vector<16xf32>
        %max3A_478 = arith.maximumf %max3A_477, %mul3A_447 : vector<16xf32>
        %max3A_479 = arith.maximumf %max3A_478, %mul3A_450 : vector<16xf32>
        %max3A_480 = arith.maximumf %max3A_479, %mul3A_453 : vector<16xf32>
        %max3A_481 = arith.maximumf %max3A_480, %mul3A_456 : vector<16xf32>
        %max3A_482 = arith.maximumf %max3A_481, %mul3A_459 : vector<16xf32>
        %max3A_483 = arith.maximumf %max3A_482, %mul3A_462 : vector<16xf32>
        %max3A_484 = arith.maximumf %max3A_483, %mul3A_465 : vector<16xf32>
        %max3A_485 = arith.maximumf %max3A_484, %mul3A_468 : vector<16xf32>
        %max3A_486 = arith.maximumf %max3A_485, %mul3A_471 : vector<16xf32>
        %sub3A_487 = arith.subf %mul3A_426, %max3A_486 : vector<16xf32>
        %exp3A_488 = math.exp %sub3A_487 : vector<16xf32>
        %sub3A_489 = arith.subf %mul3A_429, %max3A_486 : vector<16xf32>
        %exp3A_490 = math.exp %sub3A_489 : vector<16xf32>
        %sub3A_491 = arith.subf %mul3A_432, %max3A_486 : vector<16xf32>
        %exp3A_492 = math.exp %sub3A_491 : vector<16xf32>
        %sub3A_493 = arith.subf %mul3A_435, %max3A_486 : vector<16xf32>
        %exp3A_494 = math.exp %sub3A_493 : vector<16xf32>
        %sub3A_495 = arith.subf %mul3A_438, %max3A_486 : vector<16xf32>
        %exp3A_496 = math.exp %sub3A_495 : vector<16xf32>
        %sub3A_497 = arith.subf %mul3A_441, %max3A_486 : vector<16xf32>
        %exp3A_498 = math.exp %sub3A_497 : vector<16xf32>
        %sub3A_499 = arith.subf %mul3A_444, %max3A_486 : vector<16xf32>
        %exp3A_500 = math.exp %sub3A_499 : vector<16xf32>
        %sub3A_501 = arith.subf %mul3A_447, %max3A_486 : vector<16xf32>
        %exp3A_502 = math.exp %sub3A_501 : vector<16xf32>
        %sub3A_503 = arith.subf %mul3A_450, %max3A_486 : vector<16xf32>
        %exp3A_504 = math.exp %sub3A_503 : vector<16xf32>
        %sub3A_505 = arith.subf %mul3A_453, %max3A_486 : vector<16xf32>
        %exp3A_506 = math.exp %sub3A_505 : vector<16xf32>
        %sub3A_507 = arith.subf %mul3A_456, %max3A_486 : vector<16xf32>
        %exp3A_508 = math.exp %sub3A_507 : vector<16xf32>
        %sub3A_509 = arith.subf %mul3A_459, %max3A_486 : vector<16xf32>
        %exp3A_510 = math.exp %sub3A_509 : vector<16xf32>
        %sub3A_511 = arith.subf %mul3A_462, %max3A_486 : vector<16xf32>
        %exp3A_512 = math.exp %sub3A_511 : vector<16xf32>
        %sub3A_513 = arith.subf %mul3A_465, %max3A_486 : vector<16xf32>
        %exp3A_514 = math.exp %sub3A_513 : vector<16xf32>
        %sub3A_515 = arith.subf %mul3A_468, %max3A_486 : vector<16xf32>
        %exp3A_516 = math.exp %sub3A_515 : vector<16xf32>
        %sub3A_517 = arith.subf %mul3A_471, %max3A_486 : vector<16xf32>
        %exp3A_518 = math.exp %sub3A_517 : vector<16xf32>
        %add3A_519 = arith.addf %exp3A_488, %exp3A_490 : vector<16xf32>
        %add3A_520 = arith.addf %add3A_519, %exp3A_492 : vector<16xf32>
        %add3A_521 = arith.addf %add3A_520, %exp3A_494 : vector<16xf32>
        %add3A_522 = arith.addf %add3A_521, %exp3A_496 : vector<16xf32>
        %add3A_523 = arith.addf %add3A_522, %exp3A_498 : vector<16xf32>
        %add3A_524 = arith.addf %add3A_523, %exp3A_500 : vector<16xf32>
        %add3A_525 = arith.addf %add3A_524, %exp3A_502 : vector<16xf32>
        %add3A_526 = arith.addf %add3A_525, %exp3A_504 : vector<16xf32>
        %add3A_527 = arith.addf %add3A_526, %exp3A_506 : vector<16xf32>
        %add3A_528 = arith.addf %add3A_527, %exp3A_508 : vector<16xf32>
        %add3A_529 = arith.addf %add3A_528, %exp3A_510 : vector<16xf32>
        %add3A_530 = arith.addf %add3A_529, %exp3A_512 : vector<16xf32>
        %add3A_531 = arith.addf %add3A_530, %exp3A_514 : vector<16xf32>
        %add3A_532 = arith.addf %add3A_531, %exp3A_516 : vector<16xf32>
        %add3A_533 = arith.addf %add3A_532, %exp3A_518 : vector<16xf32>
        %div3A_534 = arith.constant 1.000000e+00 : f32
        %div3A_535 = vector.broadcast %div3A_534 : f32 to vector<16xf32>
        %div3A_536 = arith.divf %div3A_535, %add3A_533 : vector<16xf32>
        %mul3A_537 = arith.mulf %exp3A_488, %div3A_536 : vector<16xf32>
        %select_n3A_538 = arith.select %ne3A_6, %mul3A_537, %mul3A_426 : vector<16xi1>, vector<16xf32>
        %mul3A_539 = arith.mulf %exp3A_490, %div3A_536 : vector<16xf32>
        %select_n3A_540 = arith.select %ne3A_6, %mul3A_539, %mul3A_429 : vector<16xi1>, vector<16xf32>
        %mul3A_541 = arith.mulf %exp3A_492, %div3A_536 : vector<16xf32>
        %select_n3A_542 = arith.select %ne3A_6, %mul3A_541, %mul3A_432 : vector<16xi1>, vector<16xf32>
        %mul3A_543 = arith.mulf %exp3A_494, %div3A_536 : vector<16xf32>
        %select_n3A_544 = arith.select %ne3A_6, %mul3A_543, %mul3A_435 : vector<16xi1>, vector<16xf32>
        %mul3A_545 = arith.mulf %exp3A_496, %div3A_536 : vector<16xf32>
        %select_n3A_546 = arith.select %ne3A_6, %mul3A_545, %mul3A_438 : vector<16xi1>, vector<16xf32>
        %mul3A_547 = arith.mulf %exp3A_498, %div3A_536 : vector<16xf32>
        %select_n3A_548 = arith.select %ne3A_6, %mul3A_547, %mul3A_441 : vector<16xi1>, vector<16xf32>
        %mul3A_549 = arith.mulf %exp3A_500, %div3A_536 : vector<16xf32>
        %select_n3A_550 = arith.select %ne3A_6, %mul3A_549, %mul3A_444 : vector<16xi1>, vector<16xf32>
        %mul3A_551 = arith.mulf %exp3A_502, %div3A_536 : vector<16xf32>
        %select_n3A_552 = arith.select %ne3A_6, %mul3A_551, %mul3A_447 : vector<16xi1>, vector<16xf32>
        %mul3A_553 = arith.mulf %exp3A_504, %div3A_536 : vector<16xf32>
        %select_n3A_554 = arith.select %ne3A_6, %mul3A_553, %mul3A_450 : vector<16xi1>, vector<16xf32>
        %mul3A_555 = arith.mulf %exp3A_506, %div3A_536 : vector<16xf32>
        %select_n3A_556 = arith.select %ne3A_6, %mul3A_555, %mul3A_453 : vector<16xi1>, vector<16xf32>
        %mul3A_557 = arith.mulf %exp3A_508, %div3A_536 : vector<16xf32>
        %select_n3A_558 = arith.select %ne3A_6, %mul3A_557, %mul3A_456 : vector<16xi1>, vector<16xf32>
        %mul3A_559 = arith.mulf %exp3A_510, %div3A_536 : vector<16xf32>
        %select_n3A_560 = arith.select %ne3A_6, %mul3A_559, %mul3A_459 : vector<16xi1>, vector<16xf32>
        %mul3A_561 = arith.mulf %exp3A_512, %div3A_536 : vector<16xf32>
        %select_n3A_562 = arith.select %ne3A_6, %mul3A_561, %mul3A_462 : vector<16xi1>, vector<16xf32>
        %mul3A_563 = arith.mulf %exp3A_514, %div3A_536 : vector<16xf32>
        %select_n3A_564 = arith.select %ne3A_6, %mul3A_563, %mul3A_465 : vector<16xi1>, vector<16xf32>
        %mul3A_565 = arith.mulf %exp3A_516, %div3A_536 : vector<16xf32>
        %select_n3A_566 = arith.select %ne3A_6, %mul3A_565, %mul3A_468 : vector<16xi1>, vector<16xf32>
        %mul3A_567 = arith.mulf %exp3A_518, %div3A_536 : vector<16xf32>
        %select_n3A_568 = arith.select %ne3A_6, %mul3A_567, %mul3A_471 : vector<16xi1>, vector<16xf32>
        %scan3A_569 = arith.constant 0 : i32
        %scan3A_570 = arith.constant 0 : i32
        %scan3A_571 = arith.constant 64 : i32
        %scan3A_572 = arith.addi %scan3A_570, %scan3A_571 : i32
        %scan3A_573 = arith.constant 2 : i32
        scf.for %scan3A_575 = %scan3A_570 to %scan3A_572 step %scan3A_573  : i32 {
          %mul3A_576 = arith.constant 16 : i32
          %mul3A_577 = arith.muli %scan3A_575, %mul3A_576 : i32
          %get3A_578 = arith.constant 1 : i32
          %get3A_579 = arith.constant 0 : i32
          %get3A_580 = arith.index_cast %get3A_578 : i32 to index
          %get3A_581 = arith.index_cast %get3A_579 : i32 to index
          %get3A_582 = arith.index_cast %mul3A_577 : i32 to index
          %get3A_583 = tpu.vector_load %arg10[%get3A_580, %get3A_581, %get3A_582] {strides = array<i32>} : memref<2x16x1024xf32, #tpu.memory_space<vmem>>, vector<1x1x16xf32>,
          %get3A_584 = vector.shape_cast %get3A_583 : vector<1x1x16xf32> to vector<16xf32>
          %mul3A_585 = arith.mulf %select_n3A_538, %get3A_584 : vector<16xf32>
          %mul3A_586 = arith.constant 16 : i32
          %mul3A_587 = arith.muli %scan3A_575, %mul3A_586 : i32
          %get3A_588 = arith.constant 1 : i32
          %get3A_589 = arith.constant 1 : i32
          %get3A_590 = arith.index_cast %get3A_588 : i32 to index
          %get3A_591 = arith.index_cast %get3A_589 : i32 to index
          %get3A_592 = arith.index_cast %mul3A_587 : i32 to index
          %get3A_593 = tpu.vector_load %arg10[%get3A_590, %get3A_591, %get3A_592] {strides = array<i32>} : memref<2x16x1024xf32, #tpu.memory_space<vmem>>, vector<1x1x16xf32>,
          %get3A_594 = vector.shape_cast %get3A_593 : vector<1x1x16xf32> to vector<16xf32>
          %mul3A_595 = arith.mulf %select_n3A_540, %get3A_594 : vector<16xf32>
          %add3A_596 = arith.addf %mul3A_585, %mul3A_595 : vector<16xf32>
          %mul3A_597 = arith.constant 16 : i32
          %mul3A_598 = arith.muli %scan3A_575, %mul3A_597 : i32
          %get3A_599 = arith.constant 1 : i32
          %get3A_600 = arith.constant 2 : i32
          %get3A_601 = arith.index_cast %get3A_599 : i32 to index
          %get3A_602 = arith.index_cast %get3A_600 : i32 to index
          %get3A_603 = arith.index_cast %mul3A_598 : i32 to index
          %get3A_604 = tpu.vector_load %arg10[%get3A_601, %get3A_602, %get3A_603] {strides = array<i32>} : memref<2x16x1024xf32, #tpu.memory_space<vmem>>, vector<1x1x16xf32>,
          %get3A_605 = vector.shape_cast %get3A_604 : vector<1x1x16xf32> to vector<16xf32>
          %mul3A_606 = arith.mulf %select_n3A_542, %get3A_605 : vector<16xf32>
          %add3A_607 = arith.addf %add3A_596, %mul3A_606 : vector<16xf32>
          %mul3A_608 = arith.constant 16 : i32
          %mul3A_609 = arith.muli %scan3A_575, %mul3A_608 : i32
          %get3A_610 = arith.constant 1 : i32
          %get3A_611 = arith.constant 3 : i32
          %get3A_612 = arith.index_cast %get3A_610 : i32 to index
          %get3A_613 = arith.index_cast %get3A_611 : i32 to index
          %get3A_614 = arith.index_cast %mul3A_609 : i32 to index
          %get3A_615 = tpu.vector_load %arg10[%get3A_612, %get3A_613, %get3A_614] {strides = array<i32>} : memref<2x16x1024xf32, #tpu.memory_space<vmem>>, vector<1x1x16xf32>,
          %get3A_616 = vector.shape_cast %get3A_615 : vector<1x1x16xf32> to vector<16xf32>
          %mul3A_617 = arith.mulf %select_n3A_544, %get3A_616 : vector<16xf32>
          %add3A_618 = arith.addf %add3A_607, %mul3A_617 : vector<16xf32>
          %mul3A_619 = arith.constant 16 : i32
          %mul3A_620 = arith.muli %scan3A_575, %mul3A_619 : i32
          %get3A_621 = arith.constant 1 : i32
          %get3A_622 = arith.constant 4 : i32
          %get3A_623 = arith.index_cast %get3A_621 : i32 to index
          %get3A_624 = arith.index_cast %get3A_622 : i32 to index
          %get3A_625 = arith.index_cast %mul3A_620 : i32 to index
          %get3A_626 = tpu.vector_load %arg10[%get3A_623, %get3A_624, %get3A_625] {strides = array<i32>} : memref<2x16x1024xf32, #tpu.memory_space<vmem>>, vector<1x1x16xf32>,
          %get3A_627 = vector.shape_cast %get3A_626 : vector<1x1x16xf32> to vector<16xf32>
          %mul3A_628 = arith.mulf %select_n3A_546, %get3A_627 : vector<16xf32>
          %add3A_629 = arith.addf %add3A_618, %mul3A_628 : vector<16xf32>
          %mul3A_630 = arith.constant 16 : i32
          %mul3A_631 = arith.muli %scan3A_575, %mul3A_630 : i32
          %get3A_632 = arith.constant 1 : i32
          %get3A_633 = arith.constant 5 : i32
          %get3A_634 = arith.index_cast %get3A_632 : i32 to index
          %get3A_635 = arith.index_cast %get3A_633 : i32 to index
          %get3A_636 = arith.index_cast %mul3A_631 : i32 to index
          %get3A_637 = tpu.vector_load %arg10[%get3A_634, %get3A_635, %get3A_636] {strides = array<i32>} : memref<2x16x1024xf32, #tpu.memory_space<vmem>>, vector<1x1x16xf32>,
          %get3A_638 = vector.shape_cast %get3A_637 : vector<1x1x16xf32> to vector<16xf32>
          %mul3A_639 = arith.mulf %select_n3A_548, %get3A_638 : vector<16xf32>
          %add3A_640 = arith.addf %add3A_629, %mul3A_639 : vector<16xf32>
          %mul3A_641 = arith.constant 16 : i32
          %mul3A_642 = arith.muli %scan3A_575, %mul3A_641 : i32
          %get3A_643 = arith.constant 1 : i32
          %get3A_644 = arith.constant 6 : i32
          %get3A_645 = arith.index_cast %get3A_643 : i32 to index
          %get3A_646 = arith.index_cast %get3A_644 : i32 to index
          %get3A_647 = arith.index_cast %mul3A_642 : i32 to index
          %get3A_648 = tpu.vector_load %arg10[%get3A_645, %get3A_646, %get3A_647] {strides = array<i32>} : memref<2x16x1024xf32, #tpu.memory_space<vmem>>, vector<1x1x16xf32>,
          %get3A_649 = vector.shape_cast %get3A_648 : vector<1x1x16xf32> to vector<16xf32>
          %mul3A_650 = arith.mulf %select_n3A_550, %get3A_649 : vector<16xf32>
          %add3A_651 = arith.addf %add3A_640, %mul3A_650 : vector<16xf32>
          %mul3A_652 = arith.constant 16 : i32
          %mul3A_653 = arith.muli %scan3A_575, %mul3A_652 : i32
          %get3A_654 = arith.constant 1 : i32
          %get3A_655 = arith.constant 7 : i32
          %get3A_656 = arith.index_cast %get3A_654 : i32 to index
          %get3A_657 = arith.index_cast %get3A_655 : i32 to index
          %get3A_658 = arith.index_cast %mul3A_653 : i32 to index
          %get3A_659 = tpu.vector_load %arg10[%get3A_656, %get3A_657, %get3A_658] {strides = array<i32>} : memref<2x16x1024xf32, #tpu.memory_space<vmem>>, vector<1x1x16xf32>,
          %get3A_660 = vector.shape_cast %get3A_659 : vector<1x1x16xf32> to vector<16xf32>
          %mul3A_661 = arith.mulf %select_n3A_552, %get3A_660 : vector<16xf32>
          %add3A_662 = arith.addf %add3A_651, %mul3A_661 : vector<16xf32>
          %mul3A_663 = arith.constant 16 : i32
          %mul3A_664 = arith.muli %scan3A_575, %mul3A_663 : i32
          %get3A_665 = arith.constant 1 : i32
          %get3A_666 = arith.constant 8 : i32
          %get3A_667 = arith.index_cast %get3A_665 : i32 to index
          %get3A_668 = arith.index_cast %get3A_666 : i32 to index
          %get3A_669 = arith.index_cast %mul3A_664 : i32 to index
          %get3A_670 = tpu.vector_load %arg10[%get3A_667, %get3A_668, %get3A_669] {strides = array<i32>} : memref<2x16x1024xf32, #tpu.memory_space<vmem>>, vector<1x1x16xf32>,
          %get3A_671 = vector.shape_cast %get3A_670 : vector<1x1x16xf32> to vector<16xf32>
          %mul3A_672 = arith.mulf %select_n3A_554, %get3A_671 : vector<16xf32>
          %add3A_673 = arith.addf %add3A_662, %mul3A_672 : vector<16xf32>
          %mul3A_674 = arith.constant 16 : i32
          %mul3A_675 = arith.muli %scan3A_575, %mul3A_674 : i32
          %get3A_676 = arith.constant 1 : i32
          %get3A_677 = arith.constant 9 : i32
          %get3A_678 = arith.index_cast %get3A_676 : i32 to index
          %get3A_679 = arith.index_cast %get3A_677 : i32 to index
          %get3A_680 = arith.index_cast %mul3A_675 : i32 to index
          %get3A_681 = tpu.vector_load %arg10[%get3A_678, %get3A_679, %get3A_680] {strides = array<i32>} : memref<2x16x1024xf32, #tpu.memory_space<vmem>>, vector<1x1x16xf32>,
          %get3A_682 = vector.shape_cast %get3A_681 : vector<1x1x16xf32> to vector<16xf32>
          %mul3A_683 = arith.mulf %select_n3A_556, %get3A_682 : vector<16xf32>
          %add3A_684 = arith.addf %add3A_673, %mul3A_683 : vector<16xf32>
          %mul3A_685 = arith.constant 16 : i32
          %mul3A_686 = arith.muli %scan3A_575, %mul3A_685 : i32
          %get3A_687 = arith.constant 1 : i32
          %get3A_688 = arith.constant 10 : i32
          %get3A_689 = arith.index_cast %get3A_687 : i32 to index
          %get3A_690 = arith.index_cast %get3A_688 : i32 to index
          %get3A_691 = arith.index_cast %mul3A_686 : i32 to index
          %get3A_692 = tpu.vector_load %arg10[%get3A_689, %get3A_690, %get3A_691] {strides = array<i32>} : memref<2x16x1024xf32, #tpu.memory_space<vmem>>, vector<1x1x16xf32>,
          %get3A_693 = vector.shape_cast %get3A_692 : vector<1x1x16xf32> to vector<16xf32>
          %mul3A_694 = arith.mulf %select_n3A_558, %get3A_693 : vector<16xf32>
          %add3A_695 = arith.addf %add3A_684, %mul3A_694 : vector<16xf32>
          %mul3A_696 = arith.constant 16 : i32
          %mul3A_697 = arith.muli %scan3A_575, %mul3A_696 : i32
          %get3A_698 = arith.constant 1 : i32
          %get3A_699 = arith.constant 11 : i32
          %get3A_700 = arith.index_cast %get3A_698 : i32 to index
          %get3A_701 = arith.index_cast %get3A_699 : i32 to index
          %get3A_702 = arith.index_cast %mul3A_697 : i32 to index
          %get3A_703 = tpu.vector_load %arg10[%get3A_700, %get3A_701, %get3A_702] {strides = array<i32>} : memref<2x16x1024xf32, #tpu.memory_space<vmem>>, vector<1x1x16xf32>,
          %get3A_704 = vector.shape_cast %get3A_703 : vector<1x1x16xf32> to vector<16xf32>
          %mul3A_705 = arith.mulf %select_n3A_560, %get3A_704 : vector<16xf32>
          %add3A_706 = arith.addf %add3A_695, %mul3A_705 : vector<16xf32>
          %mul3A_707 = arith.constant 16 : i32
          %mul3A_708 = arith.muli %scan3A_575, %mul3A_707 : i32
          %get3A_709 = arith.constant 1 : i32
          %get3A_710 = arith.constant 12 : i32
          %get3A_711 = arith.index_cast %get3A_709 : i32 to index
          %get3A_712 = arith.index_cast %get3A_710 : i32 to index
          %get3A_713 = arith.index_cast %mul3A_708 : i32 to index
          %get3A_714 = tpu.vector_load %arg10[%get3A_711, %get3A_712, %get3A_713] {strides = array<i32>} : memref<2x16x1024xf32, #tpu.memory_space<vmem>>, vector<1x1x16xf32>,
          %get3A_715 = vector.shape_cast %get3A_714 : vector<1x1x16xf32> to vector<16xf32>
          %mul3A_716 = arith.mulf %select_n3A_562, %get3A_715 : vector<16xf32>
          %add3A_717 = arith.addf %add3A_706, %mul3A_716 : vector<16xf32>
          %mul3A_718 = arith.constant 16 : i32
          %mul3A_719 = arith.muli %scan3A_575, %mul3A_718 : i32
          %get3A_720 = arith.constant 1 : i32
          %get3A_721 = arith.constant 13 : i32
          %get3A_722 = arith.index_cast %get3A_720 : i32 to index
          %get3A_723 = arith.index_cast %get3A_721 : i32 to index
          %get3A_724 = arith.index_cast %mul3A_719 : i32 to index
          %get3A_725 = tpu.vector_load %arg10[%get3A_722, %get3A_723, %get3A_724] {strides = array<i32>} : memref<2x16x1024xf32, #tpu.memory_space<vmem>>, vector<1x1x16xf32>,
          %get3A_726 = vector.shape_cast %get3A_725 : vector<1x1x16xf32> to vector<16xf32>
          %mul3A_727 = arith.mulf %select_n3A_564, %get3A_726 : vector<16xf32>
          %add3A_728 = arith.addf %add3A_717, %mul3A_727 : vector<16xf32>
          %mul3A_729 = arith.constant 16 : i32
          %mul3A_730 = arith.muli %scan3A_575, %mul3A_729 : i32
          %get3A_731 = arith.constant 1 : i32
          %get3A_732 = arith.constant 14 : i32
          %get3A_733 = arith.index_cast %get3A_731 : i32 to index
          %get3A_734 = arith.index_cast %get3A_732 : i32 to index
          %get3A_735 = arith.index_cast %mul3A_730 : i32 to index
          %get3A_736 = tpu.vector_load %arg10[%get3A_733, %get3A_734, %get3A_735] {strides = array<i32>} : memref<2x16x1024xf32, #tpu.memory_space<vmem>>, vector<1x1x16xf32>,
          %get3A_737 = vector.shape_cast %get3A_736 : vector<1x1x16xf32> to vector<16xf32>
          %mul3A_738 = arith.mulf %select_n3A_566, %get3A_737 : vector<16xf32>
          %add3A_739 = arith.addf %add3A_728, %mul3A_738 : vector<16xf32>
          %mul3A_740 = arith.constant 16 : i32
          %mul3A_741 = arith.muli %scan3A_575, %mul3A_740 : i32
          %get3A_742 = arith.constant 1 : i32
          %get3A_743 = arith.constant 15 : i32
          %get3A_744 = arith.index_cast %get3A_742 : i32 to index
          %get3A_745 = arith.index_cast %get3A_743 : i32 to index
          %get3A_746 = arith.index_cast %mul3A_741 : i32 to index
          %get3A_747 = tpu.vector_load %arg10[%get3A_744, %get3A_745, %get3A_746] {strides = array<i32>} : memref<2x16x1024xf32, #tpu.memory_space<vmem>>, vector<1x1x16xf32>,
          %get3A_748 = vector.shape_cast %get3A_747 : vector<1x1x16xf32> to vector<16xf32>
          %mul3A_749 = arith.mulf %select_n3A_568, %get3A_748 : vector<16xf32>
          %add3A_750 = arith.addf %add3A_739, %mul3A_749 : vector<16xf32>
          %mul3A_751 = arith.constant 16 : i32
          %mul3A_752 = arith.muli %scan3A_575, %mul3A_751 : i32
          %swap3A = arith.index_cast %add3A_355 : i32 to index
          %swap3A_753 = arith.index_cast %mul3A_752 : i32 to index
          %swap3A_754 = tpu.vector_load %arg12[%swap3A, %swap3A_753] {strides = array<i32>} : memref<16x1024xf32, #tpu.memory_space<vmem>>, vector<1x16xf32>,
          %swap3A_755 = vector.shape_cast %swap3A_754 : vector<1x16xf32> to vector<16xf32>
          %swap3A_756 = vector.shape_cast %add3A_750 : vector<16xf32> to vector<1x16xf32>
          tpu.vector_store %arg12[%swap3A, %swap3A_753], %swap3A_756 {strides = array<i32>} : memref<16x1024xf32, #tpu.memory_space<vmem>>, vector<1x16xf32>,
          %scan3A_757 = arith.constant 1 : i32
          %scan3A_758 = arith.addi %scan3A_575, %scan3A_757 : i32
          %mul3A_759 = arith.constant 16 : i32
          %mul3A_760 = arith.muli %scan3A_758, %mul3A_759 : i32
          %get3A_761 = arith.constant 1 : i32
          %get3A_762 = arith.constant 0 : i32
          %get3A_763 = arith.index_cast %get3A_761 : i32 to index
          %get3A_764 = arith.index_cast %get3A_762 : i32 to index
          %get3A_765 = arith.index_cast %mul3A_760 : i32 to index
          %get3A_766 = tpu.vector_load %arg10[%get3A_763, %get3A_764, %get3A_765] {strides = array<i32>} : memref<2x16x1024xf32, #tpu.memory_space<vmem>>, vector<1x1x16xf32>,
          %get3A_767 = vector.shape_cast %get3A_766 : vector<1x1x16xf32> to vector<16xf32>
          %mul3A_768 = arith.mulf %select_n3A_538, %get3A_767 : vector<16xf32>
          %mul3A_769 = arith.constant 16 : i32
          %mul3A_770 = arith.muli %scan3A_758, %mul3A_769 : i32
          %get3A_771 = arith.constant 1 : i32
          %get3A_772 = arith.constant 1 : i32
          %get3A_773 = arith.index_cast %get3A_771 : i32 to index
          %get3A_774 = arith.index_cast %get3A_772 : i32 to index
          %get3A_775 = arith.index_cast %mul3A_770 : i32 to index
          %get3A_776 = tpu.vector_load %arg10[%get3A_773, %get3A_774, %get3A_775] {strides = array<i32>} : memref<2x16x1024xf32, #tpu.memory_space<vmem>>, vector<1x1x16xf32>,
          %get3A_777 = vector.shape_cast %get3A_776 : vector<1x1x16xf32> to vector<16xf32>
          %mul3A_778 = arith.mulf %select_n3A_540, %get3A_777 : vector<16xf32>
          %add3A_779 = arith.addf %mul3A_768, %mul3A_778 : vector<16xf32>
          %mul3A_780 = arith.constant 16 : i32
          %mul3A_781 = arith.muli %scan3A_758, %mul3A_780 : i32
          %get3A_782 = arith.constant 1 : i32
          %get3A_783 = arith.constant 2 : i32
          %get3A_784 = arith.index_cast %get3A_782 : i32 to index
          %get3A_785 = arith.index_cast %get3A_783 : i32 to index
          %get3A_786 = arith.index_cast %mul3A_781 : i32 to index
          %get3A_787 = tpu.vector_load %arg10[%get3A_784, %get3A_785, %get3A_786] {strides = array<i32>} : memref<2x16x1024xf32, #tpu.memory_space<vmem>>, vector<1x1x16xf32>,
          %get3A_788 = vector.shape_cast %get3A_787 : vector<1x1x16xf32> to vector<16xf32>
          %mul3A_789 = arith.mulf %select_n3A_542, %get3A_788 : vector<16xf32>
          %add3A_790 = arith.addf %add3A_779, %mul3A_789 : vector<16xf32>
          %mul3A_791 = arith.constant 16 : i32
          %mul3A_792 = arith.muli %scan3A_758, %mul3A_791 : i32
          %get3A_793 = arith.constant 1 : i32
          %get3A_794 = arith.constant 3 : i32
          %get3A_795 = arith.index_cast %get3A_793 : i32 to index
          %get3A_796 = arith.index_cast %get3A_794 : i32 to index
          %get3A_797 = arith.index_cast %mul3A_792 : i32 to index
          %get3A_798 = tpu.vector_load %arg10[%get3A_795, %get3A_796, %get3A_797] {strides = array<i32>} : memref<2x16x1024xf32, #tpu.memory_space<vmem>>, vector<1x1x16xf32>,
          %get3A_799 = vector.shape_cast %get3A_798 : vector<1x1x16xf32> to vector<16xf32>
          %mul3A_800 = arith.mulf %select_n3A_544, %get3A_799 : vector<16xf32>
          %add3A_801 = arith.addf %add3A_790, %mul3A_800 : vector<16xf32>
          %mul3A_802 = arith.constant 16 : i32
          %mul3A_803 = arith.muli %scan3A_758, %mul3A_802 : i32
          %get3A_804 = arith.constant 1 : i32
          %get3A_805 = arith.constant 4 : i32
          %get3A_806 = arith.index_cast %get3A_804 : i32 to index
          %get3A_807 = arith.index_cast %get3A_805 : i32 to index
          %get3A_808 = arith.index_cast %mul3A_803 : i32 to index
          %get3A_809 = tpu.vector_load %arg10[%get3A_806, %get3A_807, %get3A_808] {strides = array<i32>} : memref<2x16x1024xf32, #tpu.memory_space<vmem>>, vector<1x1x16xf32>,
          %get3A_810 = vector.shape_cast %get3A_809 : vector<1x1x16xf32> to vector<16xf32>
          %mul3A_811 = arith.mulf %select_n3A_546, %get3A_810 : vector<16xf32>
          %add3A_812 = arith.addf %add3A_801, %mul3A_811 : vector<16xf32>
          %mul3A_813 = arith.constant 16 : i32
          %mul3A_814 = arith.muli %scan3A_758, %mul3A_813 : i32
          %get3A_815 = arith.constant 1 : i32
          %get3A_816 = arith.constant 5 : i32
          %get3A_817 = arith.index_cast %get3A_815 : i32 to index
          %get3A_818 = arith.index_cast %get3A_816 : i32 to index
          %get3A_819 = arith.index_cast %mul3A_814 : i32 to index
          %get3A_820 = tpu.vector_load %arg10[%get3A_817, %get3A_818, %get3A_819] {strides = array<i32>} : memref<2x16x1024xf32, #tpu.memory_space<vmem>>, vector<1x1x16xf32>,
          %get3A_821 = vector.shape_cast %get3A_820 : vector<1x1x16xf32> to vector<16xf32>
          %mul3A_822 = arith.mulf %select_n3A_548, %get3A_821 : vector<16xf32>
          %add3A_823 = arith.addf %add3A_812, %mul3A_822 : vector<16xf32>
          %mul3A_824 = arith.constant 16 : i32
          %mul3A_825 = arith.muli %scan3A_758, %mul3A_824 : i32
          %get3A_826 = arith.constant 1 : i32
          %get3A_827 = arith.constant 6 : i32
          %get3A_828 = arith.index_cast %get3A_826 : i32 to index
          %get3A_829 = arith.index_cast %get3A_827 : i32 to index
          %get3A_830 = arith.index_cast %mul3A_825 : i32 to index
          %get3A_831 = tpu.vector_load %arg10[%get3A_828, %get3A_829, %get3A_830] {strides = array<i32>} : memref<2x16x1024xf32, #tpu.memory_space<vmem>>, vector<1x1x16xf32>,
          %get3A_832 = vector.shape_cast %get3A_831 : vector<1x1x16xf32> to vector<16xf32>
          %mul3A_833 = arith.mulf %select_n3A_550, %get3A_832 : vector<16xf32>
          %add3A_834 = arith.addf %add3A_823, %mul3A_833 : vector<16xf32>
          %mul3A_835 = arith.constant 16 : i32
          %mul3A_836 = arith.muli %scan3A_758, %mul3A_835 : i32
          %get3A_837 = arith.constant 1 : i32
          %get3A_838 = arith.constant 7 : i32
          %get3A_839 = arith.index_cast %get3A_837 : i32 to index
          %get3A_840 = arith.index_cast %get3A_838 : i32 to index
          %get3A_841 = arith.index_cast %mul3A_836 : i32 to index
          %get3A_842 = tpu.vector_load %arg10[%get3A_839, %get3A_840, %get3A_841] {strides = array<i32>} : memref<2x16x1024xf32, #tpu.memory_space<vmem>>, vector<1x1x16xf32>,
          %get3A_843 = vector.shape_cast %get3A_842 : vector<1x1x16xf32> to vector<16xf32>
          %mul3A_844 = arith.mulf %select_n3A_552, %get3A_843 : vector<16xf32>
          %add3A_845 = arith.addf %add3A_834, %mul3A_844 : vector<16xf32>
          %mul3A_846 = arith.constant 16 : i32
          %mul3A_847 = arith.muli %scan3A_758, %mul3A_846 : i32
          %get3A_848 = arith.constant 1 : i32
          %get3A_849 = arith.constant 8 : i32
          %get3A_850 = arith.index_cast %get3A_848 : i32 to index
          %get3A_851 = arith.index_cast %get3A_849 : i32 to index
          %get3A_852 = arith.index_cast %mul3A_847 : i32 to index
          %get3A_853 = tpu.vector_load %arg10[%get3A_850, %get3A_851, %get3A_852] {strides = array<i32>} : memref<2x16x1024xf32, #tpu.memory_space<vmem>>, vector<1x1x16xf32>,
          %get3A_854 = vector.shape_cast %get3A_853 : vector<1x1x16xf32> to vector<16xf32>
          %mul3A_855 = arith.mulf %select_n3A_554, %get3A_854 : vector<16xf32>
          %add3A_856 = arith.addf %add3A_845, %mul3A_855 : vector<16xf32>
          %mul3A_857 = arith.constant 16 : i32
          %mul3A_858 = arith.muli %scan3A_758, %mul3A_857 : i32
          %get3A_859 = arith.constant 1 : i32
          %get3A_860 = arith.constant 9 : i32
          %get3A_861 = arith.index_cast %get3A_859 : i32 to index
          %get3A_862 = arith.index_cast %get3A_860 : i32 to index
          %get3A_863 = arith.index_cast %mul3A_858 : i32 to index
          %get3A_864 = tpu.vector_load %arg10[%get3A_861, %get3A_862, %get3A_863] {strides = array<i32>} : memref<2x16x1024xf32, #tpu.memory_space<vmem>>, vector<1x1x16xf32>,
          %get3A_865 = vector.shape_cast %get3A_864 : vector<1x1x16xf32> to vector<16xf32>
          %mul3A_866 = arith.mulf %select_n3A_556, %get3A_865 : vector<16xf32>
          %add3A_867 = arith.addf %add3A_856, %mul3A_866 : vector<16xf32>
          %mul3A_868 = arith.constant 16 : i32
          %mul3A_869 = arith.muli %scan3A_758, %mul3A_868 : i32
          %get3A_870 = arith.constant 1 : i32
          %get3A_871 = arith.constant 10 : i32
          %get3A_872 = arith.index_cast %get3A_870 : i32 to index
          %get3A_873 = arith.index_cast %get3A_871 : i32 to index
          %get3A_874 = arith.index_cast %mul3A_869 : i32 to index
          %get3A_875 = tpu.vector_load %arg10[%get3A_872, %get3A_873, %get3A_874] {strides = array<i32>} : memref<2x16x1024xf32, #tpu.memory_space<vmem>>, vector<1x1x16xf32>,
          %get3A_876 = vector.shape_cast %get3A_875 : vector<1x1x16xf32> to vector<16xf32>
          %mul3A_877 = arith.mulf %select_n3A_558, %get3A_876 : vector<16xf32>
          %add3A_878 = arith.addf %add3A_867, %mul3A_877 : vector<16xf32>
          %mul3A_879 = arith.constant 16 : i32
          %mul3A_880 = arith.muli %scan3A_758, %mul3A_879 : i32
          %get3A_881 = arith.constant 1 : i32
          %get3A_882 = arith.constant 11 : i32
          %get3A_883 = arith.index_cast %get3A_881 : i32 to index
          %get3A_884 = arith.index_cast %get3A_882 : i32 to index
          %get3A_885 = arith.index_cast %mul3A_880 : i32 to index
          %get3A_886 = tpu.vector_load %arg10[%get3A_883, %get3A_884, %get3A_885] {strides = array<i32>} : memref<2x16x1024xf32, #tpu.memory_space<vmem>>, vector<1x1x16xf32>,
          %get3A_887 = vector.shape_cast %get3A_886 : vector<1x1x16xf32> to vector<16xf32>
          %mul3A_888 = arith.mulf %select_n3A_560, %get3A_887 : vector<16xf32>
          %add3A_889 = arith.addf %add3A_878, %mul3A_888 : vector<16xf32>
          %mul3A_890 = arith.constant 16 : i32
          %mul3A_891 = arith.muli %scan3A_758, %mul3A_890 : i32
          %get3A_892 = arith.constant 1 : i32
          %get3A_893 = arith.constant 12 : i32
          %get3A_894 = arith.index_cast %get3A_892 : i32 to index
          %get3A_895 = arith.index_cast %get3A_893 : i32 to index
          %get3A_896 = arith.index_cast %mul3A_891 : i32 to index
          %get3A_897 = tpu.vector_load %arg10[%get3A_894, %get3A_895, %get3A_896] {strides = array<i32>} : memref<2x16x1024xf32, #tpu.memory_space<vmem>>, vector<1x1x16xf32>,
          %get3A_898 = vector.shape_cast %get3A_897 : vector<1x1x16xf32> to vector<16xf32>
          %mul3A_899 = arith.mulf %select_n3A_562, %get3A_898 : vector<16xf32>
          %add3A_900 = arith.addf %add3A_889, %mul3A_899 : vector<16xf32>
          %mul3A_901 = arith.constant 16 : i32
          %mul3A_902 = arith.muli %scan3A_758, %mul3A_901 : i32
          %get3A_903 = arith.constant 1 : i32
          %get3A_904 = arith.constant 13 : i32
          %get3A_905 = arith.index_cast %get3A_903 : i32 to index
          %get3A_906 = arith.index_cast %get3A_904 : i32 to index
          %get3A_907 = arith.index_cast %mul3A_902 : i32 to index
          %get3A_908 = tpu.vector_load %arg10[%get3A_905, %get3A_906, %get3A_907] {strides = array<i32>} : memref<2x16x1024xf32, #tpu.memory_space<vmem>>, vector<1x1x16xf32>,
          %get3A_909 = vector.shape_cast %get3A_908 : vector<1x1x16xf32> to vector<16xf32>
          %mul3A_910 = arith.mulf %select_n3A_564, %get3A_909 : vector<16xf32>
          %add3A_911 = arith.addf %add3A_900, %mul3A_910 : vector<16xf32>
          %mul3A_912 = arith.constant 16 : i32
          %mul3A_913 = arith.muli %scan3A_758, %mul3A_912 : i32
          %get3A_914 = arith.constant 1 : i32
          %get3A_915 = arith.constant 14 : i32
          %get3A_916 = arith.index_cast %get3A_914 : i32 to index
          %get3A_917 = arith.index_cast %get3A_915 : i32 to index
          %get3A_918 = arith.index_cast %mul3A_913 : i32 to index
          %get3A_919 = tpu.vector_load %arg10[%get3A_916, %get3A_917, %get3A_918] {strides = array<i32>} : memref<2x16x1024xf32, #tpu.memory_space<vmem>>, vector<1x1x16xf32>,
          %get3A_920 = vector.shape_cast %get3A_919 : vector<1x1x16xf32> to vector<16xf32>
          %mul3A_921 = arith.mulf %select_n3A_566, %get3A_920 : vector<16xf32>
          %add3A_922 = arith.addf %add3A_911, %mul3A_921 : vector<16xf32>
          %mul3A_923 = arith.constant 16 : i32
          %mul3A_924 = arith.muli %scan3A_758, %mul3A_923 : i32
          %get3A_925 = arith.constant 1 : i32
          %get3A_926 = arith.constant 15 : i32
          %get3A_927 = arith.index_cast %get3A_925 : i32 to index
          %get3A_928 = arith.index_cast %get3A_926 : i32 to index
          %get3A_929 = arith.index_cast %mul3A_924 : i32 to index
          %get3A_930 = tpu.vector_load %arg10[%get3A_927, %get3A_928, %get3A_929] {strides = array<i32>} : memref<2x16x1024xf32, #tpu.memory_space<vmem>>, vector<1x1x16xf32>,
          %get3A_931 = vector.shape_cast %get3A_930 : vector<1x1x16xf32> to vector<16xf32>
          %mul3A_932 = arith.mulf %select_n3A_568, %get3A_931 : vector<16xf32>
          %add3A_933 = arith.addf %add3A_922, %mul3A_932 : vector<16xf32>
          %mul3A_934 = arith.constant 16 : i32
          %mul3A_935 = arith.muli %scan3A_758, %mul3A_934 : i32
          %swap3A_936 = arith.index_cast %add3A_355 : i32 to index
          %swap3A_937 = arith.index_cast %mul3A_935 : i32 to index
          %swap3A_938 = tpu.vector_load %arg12[%swap3A_936, %swap3A_937] {strides = array<i32>} : memref<16x1024xf32, #tpu.memory_space<vmem>>, vector<1x16xf32>,
          %swap3A_939 = vector.shape_cast %swap3A_938 : vector<1x16xf32> to vector<16xf32>
          %swap3A_940 = vector.shape_cast %add3A_933 : vector<16xf32> to vector<1x16xf32>
          tpu.vector_store %arg12[%swap3A_936, %swap3A_937], %swap3A_940 {strides = array<i32>} : memref<16x1024xf32, #tpu.memory_space<vmem>>, vector<1x16xf32>,
        }
        %scan3A_574 = arith.constant 64 : i32
      }
      %scan3A_73 = arith.constant 8 : i32
      "tpu.region"() ({
        %run_scoped3A = tpu.sem_alloc : memref<!tpu.dma_semaphore, #tpu.memory_space<semaphore_mem>>
        %dma_start3A_74 = arith.constant 0 : i32
        %dma_start3A_75 = tpu.memref_slice %arg7[%add3A_67, %dma_start3A_74] : memref<4096x1024xf32, #tpu.memory_space<hbm>> -> memref<16x1024xf32, #tpu.memory_space<hbm>>
        %dma_start3A_76 = arith.constant 0 : i32
        %dma_start3A_77 = tpu.memref_slice %arg7[%add3A_67, %dma_start3A_76] : memref<4096x1024xf32, #tpu.memory_space<hbm>> -> memref<16x1024xf32, #tpu.memory_space<hbm>>
        tpu.enqueue_dma source(%arg12 : memref<16x1024xf32, #tpu.memory_space<vmem>>) target(%dma_start3A_77 : memref<16x1024xf32, #tpu.memory_space<hbm>>) target_semaphore(%run_scoped3A : memref<!tpu.dma_semaphore, #tpu.memory_space<semaphore_mem>>)
        %dma_wait3A_78 = arith.constant 0 : i32
        %dma_wait3A_79 = tpu.memref_slice %arg7[%add3A_67, %dma_wait3A_78] : memref<4096x1024xf32, #tpu.memory_space<hbm>> -> memref<16x1024xf32, #tpu.memory_space<hbm>>
        %dma_wait3A_80 = arith.constant 0 : i32
        %dma_wait3A_81 = tpu.memref_slice %arg7[%add3A_67, %dma_wait3A_80] : memref<4096x1024xf32, #tpu.memory_space<hbm>> -> memref<16x1024xf32, #tpu.memory_space<hbm>>
        tpu.wait_dma2 semaphore(%run_scoped3A : memref<!tpu.dma_semaphore, #tpu.memory_space<semaphore_mem>>) src(%arg12 : memref<16x1024xf32, #tpu.memory_space<vmem>>) dst(%dma_wait3A_81 : memref<16x1024xf32, #tpu.memory_space<hbm>>)
        tpu.yield
      }) : () -> ()
    }
    %scan3A_34 = arith.constant 8 : i32
    %dma_wait3A = arith.constant 0 : i32
    %dma_wait3A_35 = arith.constant 0 : i32
    %dma_wait3A_36 = arith.constant 0 : i32
    %dma_wait3A_37 = tpu.memref_slice %arg9[%dma_wait3A, %dma_wait3A_35, %dma_wait3A_36] : memref<2x16x1024xf32, #tpu.memory_space<vmem>> -> memref<1x16x1024xf32, #tpu.memory_space<vmem>>
    %dma_wait3A_38 = tpu.memref_squeeze %dma_wait3A_37 : memref<1x16x1024xf32, #tpu.memory_space<vmem>> -> memref<16x1024xf32, #tpu.memory_space<vmem>>
    %dma_wait3A_39 = arith.constant 0 : i32
    %dma_wait3A_40 = arith.constant 0 : i32
    %dma_wait3A_41 = tpu.memref_slice %arg3[%dma_wait3A_39, %dma_wait3A_40] : memref<4096x1024xf32, #tpu.memory_space<hbm>> -> memref<16x1024xf32, #tpu.memory_space<hbm>>
    %dma_wait3A_42 = arith.constant 0 : i32
    %dma_wait3A_43 = arith.constant 0 : i32
    %dma_wait3A_44 = tpu.memref_slice %arg9[%dma_wait3A, %dma_wait3A_42, %dma_wait3A_43] : memref<2x16x1024xf32, #tpu.memory_space<vmem>> -> memref<1x16x1024xf32, #tpu.memory_space<vmem>>
    %dma_wait3A_45 = tpu.memref_squeeze %dma_wait3A_44 : memref<1x16x1024xf32, #tpu.memory_space<vmem>> -> memref<16x1024xf32, #tpu.memory_space<vmem>>
    %dma_wait3A_46 = arith.constant 0 : i32
    %dma_wait3A_47 = arith.constant 0 : i32
    %dma_wait3A_48 = tpu.memref_slice %arg3[%dma_wait3A_46, %dma_wait3A_47] : memref<4096x1024xf32, #tpu.memory_space<hbm>> -> memref<16x1024xf32, #tpu.memory_space<hbm>>
    tpu.wait_dma2 semaphore(%arg14 : memref<!tpu.dma_semaphore, #tpu.memory_space<semaphore_mem>>) src(%dma_wait3A_48 : memref<16x1024xf32, #tpu.memory_space<hbm>>) dst(%dma_wait3A_45 : memref<16x1024xf32, #tpu.memory_space<vmem>>)
    %dma_wait3A_49 = arith.constant 0 : i32
    %dma_wait3A_50 = arith.constant 0 : i32
    %dma_wait3A_51 = arith.constant 0 : i32
    %dma_wait3A_52 = tpu.memref_slice %arg10[%dma_wait3A_49, %dma_wait3A_50, %dma_wait3A_51] : memref<2x16x1024xf32, #tpu.memory_space<vmem>> -> memref<1x16x1024xf32, #tpu.memory_space<vmem>>
    %dma_wait3A_53 = tpu.memref_squeeze %dma_wait3A_52 : memref<1x16x1024xf32, #tpu.memory_space<vmem>> -> memref<16x1024xf32, #tpu.memory_space<vmem>>
    %dma_wait3A_54 = arith.constant 0 : i32
    %dma_wait3A_55 = arith.constant 0 : i32
    %dma_wait3A_56 = tpu.memref_slice %arg4[%dma_wait3A_54, %dma_wait3A_55] : memref<4096x1024xf32, #tpu.memory_space<hbm>> -> memref<16x1024xf32, #tpu.memory_space<hbm>>
    %dma_wait3A_57 = arith.constant 0 : i32
    %dma_wait3A_58 = arith.constant 0 : i32
    %dma_wait3A_59 = tpu.memref_slice %arg10[%dma_wait3A_49, %dma_wait3A_57, %dma_wait3A_58] : memref<2x16x1024xf32, #tpu.memory_space<vmem>> -> memref<1x16x1024xf32, #tpu.memory_space<vmem>>
    %dma_wait3A_60 = tpu.memref_squeeze %dma_wait3A_59 : memref<1x16x1024xf32, #tpu.memory_space<vmem>> -> memref<16x1024xf32, #tpu.memory_space<vmem>>
    %dma_wait3A_61 = arith.constant 0 : i32
    %dma_wait3A_62 = arith.constant 0 : i32
    %dma_wait3A_63 = tpu.memref_slice %arg4[%dma_wait3A_61, %dma_wait3A_62] : memref<4096x1024xf32, #tpu.memory_space<hbm>> -> memref<16x1024xf32, #tpu.memory_space<hbm>>
    tpu.wait_dma2 semaphore(%arg16 : memref<!tpu.dma_semaphore, #tpu.memory_space<semaphore_mem>>) src(%dma_wait3A_63 : memref<16x1024xf32, #tpu.memory_space<hbm>>) dst(%dma_wait3A_60 : memref<16x1024xf32, #tpu.memory_space<vmem>>)
    return
  }
}

</mosaic_0001>

<sc_bundles>
// kernel: kernel.3.cloned.1.call-start
scs
__scs_entry_jumppad:
0x0: {  	(pc) =	sbr.rel $0x88, $3  }
0x1: {  	(tag) =	ssettag $0x0;
	lr =	simm.s32 $0x1  }
0x2: {  	[smem:$0x3F9C] =	sst lr;
	_ =	strace $0xD0000000  }
0x3: {  	_ = 	snop  }
0x4: {  	_ = 	snop  }
0x5: {  	_ = 	snop  }
0x6: {  	_ = 	snop  }
0x7: {  	_ = 	snop  }
__scs_overlays_trampoline_lowered:
0x8: {  	[smem:$0x3FAB] =	sst s0  }
0x9: {  	[smem:$0x3FAC] =	sst s1  }
0xa: {  	[smem:$0x3FAD] =	sst s2  }
0xb: {  	[smem:$0x3FAE] =	sst s3  }
0xc: {  	[smem:$0x3FAF] =	sst s4  }
0xd: {  	[smem:$0x3FB0] =	sst s5  }
0xe: {  	[smem:$0x3FB1] =	sst s6  }
0xf: {  	[smem:$0x3FB2] =	sst s7  }
0x10: {  	[smem:$0x3FB3] =	sst s8  }
0x11: {  	[smem:$0x3FB4] =	sst s9;
	s0 =	simm.s32 @!p0 $0x0  }
0x12: {  	s1 =	sld [smem:$0x3F9A];
	s0 =	simm.s32 @p0 $0x1  }
0x13: {  	[smem:$0x3FB5] =	sst s0;
	s0 =	simm.s32 @!p1 $0x0  }
0x14: {  	s2 =	sld [smem:$0x3F99];
	s0 =	simm.s32 @p1 $0x1  }
0x15: {  	[smem:$0x3FB6] =	sst s0;
	s0 =	simm.s32 @!p2 $0x0  }
0x16: {  	s3 =	sld [smem:$0x3FDB];
	s0 =	simm.s32 @p2 $0x1  }
0x17: {  	s4 =	simm.s32 $0x1BF5;
	[smem:$0x3FB8] =	sst s0  }
0x18: {  	s0 =	sld [smem:$0x3F9B];
	_ =	swait.ge [sflag:s4], $0x0  }
0x19: {  	s7 =	sld [smem:$0x3F9C]  }
0x1a: {  	s8 =	sadd.s32 $0xFFFFE003, lr  }
0x1b: {  	s9 =	sadd.s32 $0xFFFFFEF7, lr;
	s5 =	simm.s32 $0xFFFFFFFF;
	p2 =	slt.u32 s8, $0xFFFFF086  }
0x1c: {  	p1 =	slt.u32 s9, $0xF7A;
	s5 =	simm.s32 @!p2 $0x0  }
0x1d: {  	s5 =	simm.s32 @p1 $0x1;
	p0 =	seq.s32 s7, s2  }
0x1e: {  	s7 =	smul.u32 @!p0 $0xF7A, s2;
	p2 =	seq.s32 @!p0 s5, $0x0  }
0x1f: {  	s9 =	smul.u32 $0xF7A, s1;
	s8 =	simm.s32 @!p0 $0x1BF5;
	p2 =	por !p2, p0  }
0x20: {  	[sflag:s8] =	ssyncset.s32 @!p0 $0xFFFFF086;
	s6 =	sadd.s32 @!p0 s3, s7;
	s7 =	simm.s32 @!p0 $0x108  }
0x21: {  	s3 =	sadd.s32 s3, s9;
	s6 =	sadd.s32 @!p0 $0x88, s6;
	s7 =	simm.s32 @p2 $0x1082  }
0x22: {  	[simem:s7], [sflag:s8] =	dma.local @!p0 [hbm:s6], $0xF7A  }
0x23: {  	s9 =	sor.u32 $0xD0000000, s2;
	s6 =	simm.s32 $0x108;
	_ =	swait.ge @!p0 [sflag:s8], $0x0  }
0x24: {  	s3 =	sadd.s32 $0x88, s3;
	s6 =	simm.s32 @!p1 $0x1082;
	[sflag:s4] =	ssyncset.s32 $0xFFFFF086  }
0x25: {  	[simem:s6], [sflag:s4] =	dma.local [hbm:s3], $0xF7A  }
0x26: {  	[smem:$0x3F9C] =	sst s1;
	(tag) =	ssettag s2;
	_ =	strace s9  }
0x27: {  	s1 =	sld [smem:$0x3FAC]  }
0x28: {  	s2 =	sld [smem:$0x3FAD]  }
0x29: {  	s4 =	sld [smem:$0x3FAF]  }
0x2a: {  	p0 =	seq.s32 s5, $0x0;
	s5 =	sld [smem:$0x3FB0]  }
0x2b: {  	s6 =	sld [smem:$0x3FB1]  }
0x2c: {  	s7 =	sld [smem:$0x3FB2]  }
0x2d: {  	s3 =	simm.s32 $0x108;
	s8 =	sld [smem:$0x3FB3]  }
0x2e: {  	s3 =	simm.s32 @!p0 $0x1082;
	s9 =	sld [smem:$0x3FB4]  }
0x2f: {  	lr =	sadd.s32 s0, s3;
	s0 =	sld [smem:$0x3FAB]  }
0x30: {  	s3 =	sld [smem:$0x3FAE]  }
0x31: {  	[smem:$0x3FB7] =	sst s10  }
0x32: {  	s10 =	sld [smem:$0x3FB5];
	_ =	sdelay $0x3  }
0x33: {  	p0 =	seq.s32 s10, $0x1;
	s10 =	sld [smem:$0x3FB7];
	_ =	sdelay $0x3  }
0x34: {  	[smem:$0x3FB7] =	sst s10  }
0x35: {  	s10 =	sld [smem:$0x3FB6];
	_ =	sdelay $0x3  }
0x36: {  	p1 =	seq.s32 s10, $0x1;
	s10 =	sld [smem:$0x3FB7];
	_ =	sdelay $0x3  }
0x37: {  	[smem:$0x3FB7] =	sst s10  }
0x38: {  	s10 =	sld [smem:$0x3FB8]  }
0x39: {  	_ = 	snop;
	(pc) =	sbr.ind lr, $3  }
0x3a: {  	_ = 	snop  }
0x3b: {  	_ = 	snop  }
0x3c: {  	p2 =	seq.s32 s10, $0x1;
	s10 =	sld [smem:$0x3FB7]  }
0x3d: {  	_ =	shalt  }
0x3e: {  	_ =	shalt  }
0x3f: {  	_ =	shalt  }
0x40: {  	_ =	shalt  }
0x41: {  	_ =	shalt  }
0x42: {  	_ =	shalt  }
0x43: {  	_ =	shalt  }
0x44: {  	_ =	shalt  }
0x45: {  	_ =	shalt  }
0x46: {  	_ =	shalt  }
0x47: {  	_ =	shalt  }
0x48: {  	_ =	shalt  }
0x49: {  	_ =	shalt  }
0x4a: {  	_ =	shalt  }
0x4b: {  	_ =	shalt  }
0x4c: {  	_ =	shalt  }
0x4d: {  	_ =	shalt  }
0x4e: {  	_ =	shalt  }
0x4f: {  	_ =	shalt  }
0x50: {  	_ =	shalt  }
0x51: {  	_ =	shalt  }
0x52: {  	_ =	shalt  }
0x53: {  	_ =	shalt  }
0x54: {  	_ =	shalt  }
0x55: {  	_ =	shalt  }
0x56: {  	_ =	shalt  }
0x57: {  	_ =	shalt  }
0x58: {  	_ =	shalt  }
0x59: {  	_ =	shalt  }
0x5a: {  	_ =	shalt  }
0x5b: {  	_ =	shalt  }
0x5c: {  	_ =	shalt  }
0x5d: {  	_ =	shalt  }
0x5e: {  	_ =	shalt  }
0x5f: {  	_ =	shalt  }
0x60: {  	_ =	shalt  }
0x61: {  	_ =	shalt  }
0x62: {  	_ =	shalt  }
0x63: {  	_ =	shalt  }
0x64: {  	_ =	shalt  }
0x65: {  	_ =	shalt  }
0x66: {  	_ =	shalt  }
0x67: {  	_ =	shalt  }
0x68: {  	_ =	shalt  }
0x69: {  	_ =	shalt  }
0x6a: {  	_ =	shalt  }
0x6b: {  	_ =	shalt  }
0x6c: {  	_ =	shalt  }
0x6d: {  	_ =	shalt  }
0x6e: {  	_ =	shalt  }
0x6f: {  	_ =	shalt  }
0x70: {  	_ =	shalt  }
0x71: {  	_ =	shalt  }
0x72: {  	_ =	shalt  }
0x73: {  	_ =	shalt  }
0x74: {  	_ =	shalt  }
0x75: {  	_ =	shalt  }
0x76: {  	_ =	shalt  }
0x77: {  	_ =	shalt  }
0x78: {  	_ =	shalt  }
0x79: {  	_ =	shalt  }
0x7a: {  	_ =	shalt  }
0x7b: {  	_ =	shalt  }
0x7c: {  	_ =	shalt  }
0x7d: {  	_ =	shalt  }
0x7e: {  	_ =	shalt  }
0x7f: {  	_ =	shalt  }
0x80: {  	_ =	shalt  }
0x81: {  	_ =	shalt  }
0x82: {  	_ =	shalt  }
0x83: {  	_ =	shalt  }
0x84: {  	_ =	shalt  }
0x85: {  	_ =	shalt  }
0x86: {  	_ =	shalt  }
0x87: {  	_ =	shalt  }
.Lfunc_end0:
.L_simem_size_0:
called_computation_lowered:
.L_overlay_start_0:
0x88: {  	s2 =	sld [smem:$0x3FD9]  }
0x89: {  	s3 =	sld [smem:$0x3FFE];
	_ =	sdelay $0x1  }
0x8a: {  	s1 =	srdreg.scid  }
0x8b: {  	s0 =	sand.u32 $0x1, s1  }
0x8c: {  	s17 =	sshll.u32 s0, $0xA;
	s2 =	sadd.s32 s3, s2  }
0x8d: {  	s2 =	sadd.s32 s2, s17  }
0x8e: {  	[smem:$0x3FC3] =	sst s2  }
0x8f: {  	_ = 	snop  }
0x90: {  	s2 =	sld [smem:$0x3FD0];
	(tm) =	ssettm $0x1  }
0x91: {  	s18 =	sld [smem:$0x3FFB];
	_ =	sdelay $0x3  }
0x92: {  	_ =	strace s18  }
0x93: {  	s3 =	sld [smem:$0x3FFC];
	_ =	sdelay $0x3  }
0x94: {  	_ =	strace s3  }
0x95: {  	s3 =	sld [smem:$0x3FFD];
	_ =	sdelay $0x3  }
0x96: {  	_ =	strace s3  }
0x97: {  	_ =	strace $0x8FFFFFFF  }
0x98: {  	s19 =	sld [smem:$0x3FDB];
	_ =	sdelay $0x1  }
0x99: {  	s4 =	simm.s32 $_scs_section_size  }
0x9a: {  	s5 =	simm.s32 $_size__tile_overlayer_lowered;
	s6 =	simm.s32 $_tile_overlayer_lowered  }
0x9b: {  	s22 =	simm.s32 $0x1BFF;
	s21 =	sshll.u32 s6, $0x1;
	s3 =	sadd.s32 s4, s19  }
0x9c: {  	s7 =	simm.s32 $0x0;
	s20 =	sshll.u32 s5, $0x1;
	s5 =	sadd.s32 s21, s3  }
0x9d: {  	[timem:s7], [sflag:s22] =	dma.local [hbm:s5], s20  }
0x9e: {  	_ =	swait.ge [sflag:s22], s20  }
0x9f: {  	s4 =	ssub.s32 $0x0, s20;
	[sflag:s22] =	ssyncset.done $0x0  }
0xa0: {  	[sflag:s22] =	ssyncadd.s32 s4;
	_ =	sdelay $0x1  }
0xa1: {  	s23 =	simm.s32 $0x1B8B  }
0xa2: {  	_ =	swait.ge [sflag:s23], $0x1  }
0xa3: {  	[sflag:s23] =	ssyncset.done $0x0  }
0xa4: {  	s25 =	simm.s32 $0x1B8E;
	s24 =	sld [smem:$0x3FFE];
	[sflag:s23] =	ssyncadd.s32 $0xFFFFFFFF  }
0xa5: {  	s26 =	simm.s32 $execute0_lowered;
	[smem:$0x3FD2] =	sst s25  }
0xa6: {  	s5 =	sshll.u32 s26, $0x1;
	_ =	strace $0x80000046;
	[dreg:$0x1] =	wrdreg $0xFFFFFFFF  }
0xa7: {  	s28 =	simm.s32 $_size_execute0_lowered;
	s3 =	sadd.s32 s3, s5;
	[dreg:$0x0] =	wrdreg $0x0  }
0xa8: {  	s5 =	sshll.u32 s28, $0x1;
	[dreg:$0x2] =	wrdreg s3  }
0xa9: {  	[dreg:$0x3] =	wrdreg s5  }
0xaa: {  	[dreg:$0x4] =	wrdreg $0xC0  }
0xab: {  	_ =	task [dreg:s7], $0x5FFFF  }
0xac: {  	[dreg:$0x1] =	wrdreg $0xFFFFFFFF  }
0xad: {  	[dreg:$0x0] =	wrdreg $0x60  }
0xae: {  	[dreg:$0x2] =	wrdreg s2  }
0xaf: {  	[dreg:$0x3] =	wrdreg s24  }
0xb0: {  	[dreg:$0x4] =	wrdreg $0x9  }
0xb1: {  	_ =	task.clear_ibuf [dreg:s7], $0x5FFFF;
	_ =	strace $0x90000046  }
0xb2: {  	s29 =	simm.s32 $0x9;
	_ =	strace $0x80000048  }
0xb3: {  	_ =	swait.ge [sflag:s29], $0x1  }
0xb4: {  	[sflag:s29] =	ssyncadd.s32 $0xFFFFFFFF  }
0xb5: {  	_ =	strace $0x90000048  }
0xb6: {  	_ =	sfence  }
0xb7: {  	s30 =	sld [smem:$0x0];
	_ =	sdelay $0x2  }
0xb8: {  	s31 =	sshll.u32 s1, $0xD;
	s1 =	sshrl.u32 s1, $0x2  }
0xb9: {  	s3 =	sand.u32 $0x4000, s31;
	s1 =	sadd.s32 s1, s30  }
0xba: {  	s0 =	sor.u32 s3, s0;
	s1 =	sshll.u32 s1, $0x11  }
0xbb: {  	s0 =	sor.u32 s1, s0  }
0xbc: {  	s0 =	sadd.s32 $0x8F2B, s0  }
0xbd: {  	[sflag:s0] =	ssyncadd.remote.s32 $0x1  }
0xbe: {  	_ =	sfence.sel $0xFFFF  }
0xbf: {  	[dreg:$0x0] =	wrdreg $0xFFFFFFFF;
	(pc) =	sbr.abs _section_cstart, $3  }
0xc0: {  	[dreg:$0x1] =	wrdreg $0xFFFFFFFF  }
0xc1: {  	_ =	task.clear_ibuf [dreg:s7], $0x2FFFF;
	_ =	strace $0x9FFFFFFF  }
0xc2: {  	(tm) =	ssettm $0x7FFFFFFF  }
0xc3: {  	_ =	shalt  }
tec
execute0_lowered:
.L_overlay_start_1:
0x0: {  	(tag) =	ssettag $0x1  }
0x1: {  	s0 =	rddreg [dreg:$0x1];
	s1 =	simm.s32 $0x0  }
0x2: {  	[smem:$0x7FF] =	sst s1;
	s22 =	sadd.s32 $0x110000, s0  }
0x3: {  	s4 =	sadd.s32 $0x110200, s0;
	_ =	strace $0x80000047;
	[dreg:$0xa] =	wrdreg s22  }
0x4: {  	s25 =	sadd.s32 $0x90100, s0;
	[dreg:$0xb] =	wrdreg s4  }
0x5: {  	s21 =	srdreg.scid;
	s26 =	sadd.s32 $0x90200, s0;
	[dreg:$0xd] =	wrdreg s25  }
0x6: {  	s2 =	stileid.u32;
	s28 =	sadd.s32 $0x90300, s0;
	[dreg:$0xe] =	wrdreg s26  }
0x7: {  	s1 =	sand.u32 $0x1, s21;
	s29 =	sadd.s32 $0x10100, s0;
	[dreg:$0xf] =	wrdreg s28  }
0x8: {  	s15 =	sadd.s32 $0x90000, s0;
	s30 =	sadd.s32 $0x10200, s0;
	[dreg:$0x10] =	wrdreg s29  }
0x9: {  	s2 =	sshll.u32 s2, $0x8;
	s3 =	sshll.u32 s1, $0x7;
	[dreg:$0x11] =	wrdreg s30  }
0xa: {  	s18 =	sadd.s32 $0x10000, s0;
	[dreg:$0x7] =	wrdreg s15;
	s3 =	sor.u32 s3, s2  }
0xb: {  	s1 =	ssub.s32 $0x2, s1;
	[dreg:$0x9] =	wrdreg s3;
	s3 =	sshll.u32 s3, $0x4  }
0xc: {  	[dreg:$0x8] =	wrdreg s18;
	s23 =	sshrl.u32 s1, $0x1;
	s24 =	sadd.s32 s0, s3  }
0xd: {  	v2 =	vlaneseq.u32;
	s1 =	ssub.s32 s1, s23;
	s0 =	sadd.s32 $0x10300, s0;
	[dreg:$0xc] =	wrdreg s24  }
0xe: {  	vm0 =	vmmov $0xffff;
	v1 =	vshrl.u32 v2, $0x3;
	s31 =	smax.u32 s1, $0x1;
	[dreg:$0x12] =	wrdreg s0  }
0xf: {  	v0 =	vand.u32 $0x7, v2;
	v2 =	vor.u32 $0x8, v2;
	s4 =	simm.s32 $0x5;
	v1 =	vmul.u32 $0x8, v1;
	s2 =	simm.s32 $0x0;
	[dreg:$0x13] =	wrdreg s31  }
.LBB2_1:
0x10: {  	[dreg:$0x14] =	wrdreg s2  }
0x11: {  	s0 =	simm.s32 $0x0;
	s1 =	rddreg [dreg:$0xc]  }
0x12: {  	[tilespmem:s0], [sflag:$0x5] =	stream.linear.gather [hbm4b:s1+s0], $0x4000, $0x38;
	[tilespmem:$0x1C080] =	vst v63  }
0x13: {  	_ =	swait.ge [sflag:s4], $0x4000  }
0x14: {  	[sflag:s4] =	ssyncset.done $0x0  }
0x15: {  	s8 =	simm.s32 $0x1C000;
	s7 =	rddreg [dreg:$0xa];
	[sflag:s4] =	ssyncadd.s32 $0xFFFFC000  }
0x16: {  	[tilespmem:s8], [sflag:$0x5] =	stream.linear.gather [hbm4b:s7+s0], $0x80, $0x38;
	[tilespmem:$0x1C080] =	vst v63  }
0x17: {  	_ =	swait.ge [sflag:s4], $0x80  }
0x18: {  	[sflag:s4] =	ssyncset.done $0x0  }
0x19: {  	[sflag:s4] =	ssyncadd.s32 $0xFFFFFF80  }
0x1a: {  	v3 =	vld [tilespmem:$0x0];
	_ =	sdelay $0x4  }
0x1b: {  	v4 =	vshll.u32 v3, $0x3  }
0x1c: {  	v3 =	vand.u32 $0x7, v3;
	v4 =	vand.u32 $0xFFFFFFC0, v4  }
0x1d: {  	v3 =	vor.u32 v3, v4  }
0x1e: {  	v4 =	vperm.xlane v3, v0;
	_ =	sdelay $0x1  }
0x1f: {  	v4 =	vadd.s32 v1, v4;
	_ =	sdelay $0x3  }
0x20: {  	s9 =	simm.s32 $0x4000  }
0x21: {  	v5 =	vld [tilespmem:$0x1C000];
	[tilespmem:s9], [sflag:$0x1] =	stream.indirect_vreg.gather [hbm4b:s15+s0], $0x80, v4, vm0, $0xb8  }
0x22: {  	s11 =	simm.s32 $0x4800;
	s10 =	rddreg [dreg:$0xd];
	v3 =	vperm.xlane v3, v2  }
0x23: {  	[tilespmem:s11], [sflag:$0x1] =	stream.indirect_vreg.gather [hbm4b:s10+s0], $0x80, v4, vm0, $0xb8;
	[tilespmem:$0x1C080] =	vst v63  }
0x24: {  	s3 =	simm.s32 $0x5000;
	s12 =	rddreg [dreg:$0xe];
	v3 =	vadd.s32 v1, v3  }
0x25: {  	[tilespmem:s3], [sflag:$0x1] =	stream.indirect_vreg.gather [hbm4b:s12+s0], $0x80, v4, vm0, $0xb8;
	[tilespmem:$0x1C080] =	vst v63  }
0x26: {  	s5 =	simm.s32 $0x5800;
	s13 =	rddreg [dreg:$0xf]  }
0x27: {  	[tilespmem:s5], [sflag:$0x1] =	stream.indirect_vreg.gather [hbm4b:s13+s0], $0x80, v4, vm0, $0xb8;
	[tilespmem:$0x1C080] =	vst v63  }
0x28: {  	s14 =	simm.s32 $0x6000  }
0x29: {  	[tilespmem:s14], [sflag:$0x1] =	stream.indirect_vreg.gather [hbm4b:s15+s0], $0x80, v3, vm0, $0xb8;
	[tilespmem:$0x1C080] =	vst v63  }
0x2a: {  	s16 =	simm.s32 $0x6800  }
0x2b: {  	[tilespmem:s16], [sflag:$0x1] =	stream.indirect_vreg.gather [hbm4b:s10+s0], $0x80, v3, vm0, $0xb8;
	[tilespmem:$0x1C080] =	vst v63  }
0x2c: {  	s17 =	simm.s32 $0x7000  }
0x2d: {  	[tilespmem:s17], [sflag:$0x1] =	stream.indirect_vreg.gather [hbm4b:s12+s0], $0x80, v3, vm0, $0xb8;
	[tilespmem:$0x1C080] =	vst v63  }
0x2e: {  	s19 =	simm.s32 $0x7800  }
0x2f: {  	[tilespmem:s19], [sflag:$0x1] =	stream.indirect_vreg.gather [hbm4b:s13+s0], $0x80, v3, vm0, $0xb8;
	[tilespmem:$0x1C080] =	vst v63  }
0x30: {  	v3 =	vld [tilespmem:$0x0];
	_ =	sdelay $0x4  }
0x31: {  	v63 =	vshll.u32 v3, $0x3  }
0x32: {  	v3 =	vand.u32 $0x7, v3;
	v4 =	vand.u32 $0xFFFFFFC0, v63  }
0x33: {  	v3 =	vor.u32 v3, v4  }
0x34: {  	v4 =	vperm.xlane v3, v0;
	_ =	sdelay $0x1  }
0x35: {  	v4 =	vadd.s32 v1, v4;
	_ =	sdelay $0x3  }
0x36: {  	s20 =	simm.s32 $0xC000  }
0x37: {  	[tilespmem:s20], [sflag:$0x3] =	stream.indirect_vreg.gather [hbm4b:s18+s0], $0x80, v4, vm0, $0xb8;
	[tilespmem:$0x1C080] =	vst v63  }
0x38: {  	s22 =	simm.s32 $0xC800;
	s21 =	rddreg [dreg:$0x10];
	v3 =	vperm.xlane v3, v2  }
0x39: {  	[tilespmem:s22], [sflag:$0x3] =	stream.indirect_vreg.gather [hbm4b:s21+s0], $0x80, v4, vm0, $0xb8;
	[tilespmem:$0x1C080] =	vst v63  }
0x3a: {  	s24 =	simm.s32 $0xD000;
	s23 =	rddreg [dreg:$0x11];
	v3 =	vadd.s32 v1, v3  }
0x3b: {  	[tilespmem:s24], [sflag:$0x3] =	stream.indirect_vreg.gather [hbm4b:s23+s0], $0x80, v4, vm0, $0xb8;
	[tilespmem:$0x1C080] =	vst v63  }
0x3c: {  	s26 =	simm.s32 $0xD800;
	s25 =	rddreg [dreg:$0x12]  }
0x3d: {  	[tilespmem:s26], [sflag:$0x3] =	stream.indirect_vreg.gather [hbm4b:s25+s0], $0x80, v4, vm0, $0xb8;
	[tilespmem:$0x1C080] =	vst v63  }
0x3e: {  	s28 =	simm.s32 $0xE000  }
0x3f: {  	[tilespmem:s28], [sflag:$0x3] =	stream.indirect_vreg.gather [hbm4b:s18+s0], $0x80, v3, vm0, $0xb8;
	[tilespmem:$0x1C080] =	vst v63  }
0x40: {  	s29 =	simm.s32 $0xE800  }
0x41: {  	[tilespmem:s29], [sflag:$0x3] =	stream.indirect_vreg.gather [hbm4b:s21+s0], $0x80, v3, vm0, $0xb8;
	[tilespmem:$0x1C080] =	vst v63  }
0x42: {  	s30 =	simm.s32 $0xF000  }
0x43: {  	[tilespmem:s30], [sflag:$0x3] =	stream.indirect_vreg.gather [hbm4b:s23+s0], $0x80, v3, vm0, $0xb8;
	[tilespmem:$0x1C080] =	vst v63  }
0x44: {  	s31 =	simm.s32 $0xF800  }
0x45: {  	[tilespmem:s31], [sflag:$0x3] =	stream.indirect_vreg.gather [hbm4b:s25+s0], $0x80, v3, vm0, $0xb8;
	[tilespmem:$0x1C080] =	vst v63  }
0x46: {  	vm1 =	veq.s32 v5, $0x0;
	s0 =	simm.s32 $0x0  }
.LBB2_2:
0x47: {  	[dreg:$0x15] =	wrdreg s0  }
0x48: {  	s1 =	sshll.u32 s0, $0x4;
	s29 =	rddreg [dreg:$0x9]  }
0x49: {  	s30 =	rddreg [dreg:$0x0];
	s0 =	sor.u32 s29, s1  }
0x4a: {  	s2 =	simm.s32 $0x0;
	[dreg:$0x16] =	wrdreg s1;
	s1 =	sshll.u32 s0, $0x7  }
0x4b: {  	s31 =	simm.s32 $0x14000;
	[dreg:$0x17] =	wrdreg s1;
	s0 =	sadd.s32 s30, s1  }
0x4c: {  	[tilespmem:s31], [sflag:$0x5] =	stream.linear.gather [hbm4b:s0+s2], $0x4000, $0x38;
	[tilespmem:$0x1C080] =	vst v63  }
0x4d: {  	_ =	swait.ge [sflag:s4], $0x4000  }
0x4e: {  	[sflag:s4] =	ssyncset.done $0x0  }
0x4f: {  	s16 =	simm.s32 $0x0;
	[sflag:s4] =	ssyncadd.s32 $0xFFFFC000  }
.LBB2_3:
0x50: {  	s0 =	sshll.u32 s16, $0x1;
	s1 =	rddreg [dreg:$0x16]  }
0x51: {  	s1 =	sor.u32 s1, s0  }
0x52: {  	s0 =	sshll.u32 s1, $0x7  }
0x53: {  	s0 =	sand.u32 $0x3FFFFF80, s0  }
0x54: {  	v3 =	vld [tilespmem:s0+$0x80];
	_ =	sdelay $0x4  }
0x55: {  	v4 =	vshll.u32 v3, $0x3  }
0x56: {  	v3 =	vand.u32 $0x7, v3;
	v4 =	vand.u32 $0xFFFFFFC0, v4  }
0x57: {  	v3 =	vor.u32 v3, v4  }
0x58: {  	v4 =	vperm.xlane v3, v0;
	_ =	sdelay $0x1  }
0x59: {  	v4 =	vadd.s32 v1, v4;
	_ =	sdelay $0x3  }
0x5a: {  	s2 =	simm.s32 $0x8000;
	s6 =	simm.s32 $0x0  }
0x5b: {  	[tilespmem:s2], [sflag:$0x2] =	stream.indirect_vreg.gather [hbm4b:s15+s6], $0x80, v4, vm0, $0xb8;
	[tilespmem:$0x1C080] =	vst v63  }
0x5c: {  	s25 =	rddreg [dreg:$0xd];
	s3 =	simm.s32 $0x8800;
	v3 =	vperm.xlane v3, v2  }
0x5d: {  	[tilespmem:s3], [sflag:$0x2] =	stream.indirect_vreg.gather [hbm4b:s25+s6], $0x80, v4, vm0, $0xb8;
	[tilespmem:$0x1C080] =	vst v63  }
0x5e: {  	s26 =	rddreg [dreg:$0xe];
	s4 =	simm.s32 $0x9000;
	v3 =	vadd.s32 v1, v3  }
0x5f: {  	[tilespmem:s4], [sflag:$0x2] =	stream.indirect_vreg.gather [hbm4b:s26+s6], $0x80, v4, vm0, $0xb8;
	[tilespmem:$0x1C080] =	vst v63  }
0x60: {  	s28 =	rddreg [dreg:$0xf];
	s5 =	simm.s32 $0x9800  }
0x61: {  	[tilespmem:s5], [sflag:$0x2] =	stream.indirect_vreg.gather [hbm4b:s28+s6], $0x80, v4, vm0, $0xb8;
	[tilespmem:$0x1C080] =	vst v63  }
0x62: {  	s29 =	simm.s32 $0xA000  }
0x63: {  	[tilespmem:s29], [sflag:$0x2] =	stream.indirect_vreg.gather [hbm4b:s15+s6], $0x80, v3, vm0, $0xb8;
	[tilespmem:$0x1C080] =	vst v63  }
0x64: {  	s30 =	simm.s32 $0xA800  }
0x65: {  	[tilespmem:s30], [sflag:$0x2] =	stream.indirect_vreg.gather [hbm4b:s25+s6], $0x80, v3, vm0, $0xb8;
	[tilespmem:$0x1C080] =	vst v63  }
0x66: {  	s31 =	simm.s32 $0xB000  }
0x67: {  	[tilespmem:s31], [sflag:$0x2] =	stream.indirect_vreg.gather [hbm4b:s26+s6], $0x80, v3, vm0, $0xb8;
	[tilespmem:$0x1C080] =	vst v63  }
0x68: {  	s3 =	simm.s32 $0xB800  }
0x69: {  	[tilespmem:s3], [sflag:$0x2] =	stream.indirect_vreg.gather [hbm4b:s28+s6], $0x80, v3, vm0, $0xb8;
	[tilespmem:$0x1C080] =	vst v63  }
0x6a: {  	v3 =	vld [tilespmem:s0+$0x80];
	_ =	sdelay $0x4  }
0x6b: {  	v4 =	vshll.u32 v3, $0x3  }
0x6c: {  	v3 =	vand.u32 $0x7, v3;
	v4 =	vand.u32 $0xFFFFFFC0, v4  }
0x6d: {  	v3 =	vor.u32 v3, v4  }
0x6e: {  	v4 =	vperm.xlane v3, v0;
	_ =	sdelay $0x1  }
0x6f: {  	v4 =	vadd.s32 v1, v4;
	_ =	sdelay $0x3  }
0x70: {  	s4 =	simm.s32 $0x10000  }
0x71: {  	[tilespmem:s4], [sflag:$0x4] =	stream.indirect_vreg.gather [hbm4b:s18+s6], $0x80, v4, vm0, $0xb8;
	[tilespmem:$0x1C080] =	vst v63  }
0x72: {  	s7 =	simm.s32 $0x10800;
	s5 =	rddreg [dreg:$0x10];
	v3 =	vperm.xlane v3, v2  }
0x73: {  	[tilespmem:s7], [sflag:$0x4] =	stream.indirect_vreg.gather [hbm4b:s5+s6], $0x80, v4, vm0, $0xb8;
	[tilespmem:$0x1C080] =	vst v63  }
0x74: {  	s8 =	rddreg [dreg:$0x11];
	s9 =	simm.s32 $0x11000;
	v3 =	vadd.s32 v1, v3  }
0x75: {  	[tilespmem:s9], [sflag:$0x4] =	stream.indirect_vreg.gather [hbm4b:s8+s6], $0x80, v4, vm0, $0xb8;
	[tilespmem:$0x1C080] =	vst v63  }
0x76: {  	s10 =	rddreg [dreg:$0x12];
	s11 =	simm.s32 $0x11800  }
0x77: {  	[tilespmem:s11], [sflag:$0x4] =	stream.indirect_vreg.gather [hbm4b:s10+s6], $0x80, v4, vm0, $0xb8;
	[tilespmem:$0x1C080] =	vst v63  }
0x78: {  	s12 =	simm.s32 $0x12000;
	s13 =	simm.s32 $0x12800;
	s14 =	simm.s32 $0x13000  }
0x79: {  	[tilespmem:s12], [sflag:$0x4] =	stream.indirect_vreg.gather [hbm4b:s18+s6], $0x80, v3, vm0, $0xb8;
	[tilespmem:$0x1C080] =	vst v63  }
0x7a: {  	s17 =	simm.s32 $0x13800;
	s19 =	sshll.u32 s16, $0xB;
	s20 =	sshll.u32 s16, $0x8  }
0x7b: {  	[tilespmem:s13], [sflag:$0x4] =	stream.indirect_vreg.gather [hbm4b:s5+s6], $0x80, v3, vm0, $0xb8;
	[tilespmem:$0x1C080] =	vst v63  }
0x7c: {  	s21 =	simm.s32 $0x1;
	s22 =	sand.u32 $0x3, s6;
	s7 =	sand.u32 $0x2000, s19  }
0x7d: {  	[tilespmem:s14], [sflag:$0x4] =	stream.indirect_vreg.gather [hbm4b:s8+s6], $0x80, v3, vm0, $0xb8;
	[tilespmem:$0x1C080] =	vst v63  }
0x7e: {  	s24 =	sor.u32 s6, s6;
	s3 =	sand.u32 $0x300, s20;
	s9 =	sor.u32 $0x14000, s7  }
0x7f: {  	[tilespmem:s17], [sflag:$0x4] =	stream.indirect_vreg.gather [hbm4b:s10+s6], $0x80, v3, vm0, $0xb8;
	[tilespmem:$0x1C080] =	vst v63  }
0x80: {  	s4 =	sor.u32 $0x380, s24;
	s0 =	sor.u32 s3, s9;
	_ =	swait.ge [sflag:s21], $0x4000  }
0x81: {  	[dreg:$0x3] =	wrdreg s0;
	s0 =	sshll.u32 s22, $0x5;
	[sflag:s21] =	ssyncset.done $0x0  }
0x82: {  	s5 =	sand.u32 $0x1C00, s6;
	s8 =	sadd.s32 $0x0, s0;
	[sflag:s21] =	ssyncadd.s32 $0xFFFFC000  }
0x83: {  	s19 =	sor.u32 $0x6300, s5;
	s0 =	sand.u32 $0x60, s6;
	s25 =	sor.u32 $0x300, s8;
	v4 =	vld [tilespmem:s4+$0x4000]  }
0x84: {  	s2 =	sor.u32 $0x6000, s5;
	s6 =	sor.u32 s0, s19;
	v5 =	vld [tilespmem:s25+$0x4000]  }
0x85: {  	s10 =	sor.u32 $0x6100, s5;
	s23 =	rddreg [dreg:$0x3];
	s28 =	sor.u32 s0, s2;
	v6 =	vld [tilespmem:s6+$0x0]  }
0x86: {  	s17 =	sadd.s32 s5, s23;
	s11 =	sor.u32 s0, s10;
	v7 =	vld [tilespmem:s28+$0x0]  }
0x87: {  	s20 =	sor.u32 $0x4000, s5;
	s26 =	sadd.s32 s0, s17;
	v20 =	vld [tilespmem:s11+$0x0]  }
0x88: {  	s21 =	sor.u32 $0x6380, s5;
	s6 =	sor.u32 s0, s20;
	v3 =	vld [tilespmem:s26+$0x0]  }
0x89: {  	s29 =	sadd.s32 $0x10, s8;
	s22 =	sor.u32 s0, s21;
	v8 =	vld [tilespmem:s6+$0x180]  }
0x8a: {  	s31 =	sor.u32 $0x300, s29;
	v9 =	vld [tilespmem:s22+$0x0]  }
0x8b: {  	v21 =	vld [tilespmem:s31+$0x4000]  }
0x8c: {  	v10 =	vld [tilespmem:s6+$0x280]  }
0x8d: {  	s24 =	sor.u32 $0x6080, s5;
	v15 =	vld [tilespmem:s6+$0x0]  }
0x8e: {  	s25 =	sor.u32 s0, s24;
	v16 =	vld [tilespmem:s6+$0x200]  }
0x8f: {  	s4 =	sor.u32 $0x10, s0;
	v32 =	vld [tilespmem:s25+$0x0]  }
0x90: {  	s20 =	sor.u32 s4, s20;
	v34 =	vld [tilespmem:s6+$0x100];
	v4 =	vsub.f32 v3, v4;
	v22 =	vsub.f32 v3, v6  }
0x91: {  	v11 =	vld [tilespmem:s20+$0x200];
	v23 =	vsub.f32 v3, v8;
	v6 =	vsub.f32 v3, v9  }
0x92: {  	v14 =	vld [tilespmem:s20+$0x0];
	v5 =	vsub.f32 v3, v5;
	v7 =	vsub.f32 v3, v7  }
0x93: {  	v12 =	vimm.f32 $0.0e+00;
	s8 =	sor.u32 s4, s21;
	v8 =	vld [tilespmem:s6+$0x80];
	v10 =	vsub.f32 v3, v10;
	v15 =	vsub.f32 v3, v15  }
0x94: {  	s17 =	sadd.s32 s4, s17;
	v9 =	vld [tilespmem:s8+$0x0];
	v38 =	vsub.f32 v3, v32;
	v17 =	vand.u32 $0x7FFFFFFF, v6;
	v4 =	vand.u32 $0x7FFFFFFF, v4  }
0x95: {  	s30 =	sor.u32 s4, s19;
	v6 =	vld [tilespmem:s17+$0x0];
	v7 =	vand.u32 $0x7FFFFFFF, v7;
	v5 =	vand.u32 $0x7FFFFFFF, v5;
	v4 =	vadd.f32 v4, v12  }
0x96: {  	s12 =	sor.u32 $0x6280, s5;
	v13 =	vld [tilespmem:s30+$0x0];
	v19 =	vadd.f32 v7, v12;
	v27 =	vadd.f32 v17, v12;
	v7 =	vand.u32 $0x7FFFFFFF, v15  }
0x97: {  	s13 =	sor.u32 $0x6180, s5;
	s14 =	sor.u32 s4, s12;
	v24 =	vld [tilespmem:s20+$0x180];
	v25 =	vand.u32 $0x7FFFFFFF, v10;
	v10 =	vadd.f32 v7, v12;
	v7 =	vadd.f32 v5, v12  }
0x98: {  	s23 =	sor.u32 s0, s13;
	v18 =	vld [tilespmem:s14+$0x0];
	v39 =	vand.u32 $0x7FFFFFFF, v23;
	v15 =	vsub.f32 v3, v8;
	v8 =	vsub.f32 v3, v16  }
0x99: {  	v23 =	vimm.f32 $0.0e+00;
	v17 =	vld [tilespmem:s23+$0x0];
	v16 =	vadd.f32 v25, v12;
	v25 =	vsub.f32 v3, v20  }
0x9a: {  	v5 =	vld [tilespmem:s20+$0x280];
	v8 =	vand.u32 $0x7FFFFFFF, v8;
	v9 =	vsub.f32 v6, v9;
	v14 =	vsub.f32 v6, v14  }
0x9b: {  	s5 =	sor.u32 $0x6200, s5;
	s26 =	sor.u32 $0x380, s29;
	v31 =	vld [tilespmem:s20+$0x80];
	v26 =	vsub.f32 v6, v13;
	v29 =	vand.u32 $0x7FFFFFFF, v15;
	v13 =	vand.u32 $0x7FFFFFFF, v25  }
0x9c: {  	s28 =	sor.u32 s4, s5;
	v30 =	vld [tilespmem:s26+$0x4000];
	v33 =	vsub.f32 v6, v24;
	v11 =	vsub.f32 v6, v11;
	v24 =	vand.u32 $0x7FFFFFFF, v22  }
0x9d: {  	s29 =	sor.u32 s0, s12;
	v28 =	vld [tilespmem:s28+$0x0];
	v22 =	vsub.f32 v6, v21;
	v21 =	vimm.f32 $0.0e+00;
	v8 =	vadd.f32 v8, v12  }
0x9e: {  	v35 =	vld [tilespmem:s29+$0x0];
	s30 =	sor.u32 s4, s2;
	v25 =	vsub.f32 v3, v17;
	v15 =	vadd.f32 v13, v12;
	v13 =	vimm.f32 $0.0e+00  }
0x9f: {  	s31 =	sor.u32 s4, s24;
	s21 =	sor.u32 s4, s10;
	v36 =	vld [tilespmem:s30+$0x0];
	v9 =	vand.u32 $0x7FFFFFFF, v9;
	v17 =	vand.u32 $0x7FFFFFFF, v14;
	v37 =	vsub.f32 v6, v5  }
0xa0: {  	s19 =	simm.s32 $0x20;
	s2 =	sor.u32 s4, s13;
	s6 =	simm.s32 $0x0;
	v32 =	vld [tilespmem:s31+$0x0];
	v14 =	vand.u32 $0x7FFFFFFF, v11;
	v11 =	vadd.f32 v24, v12;
	v24 =	vimm.f32 $0.0e+00  }
0xa1: {  	s8 =	simm.s32 $0x100;
	s17 =	simm.s32 $0x1;
	v20 =	vld [tilespmem:s20+$0x100];
	s20 =	sor.u32 s0, s5;
	v5 =	vadd.f32 v9, v27;
	v27 =	vimm.f32 $0.0e+00;
	v9 =	vimm.f32 $0.0e+00  }
.LBB2_4:
0xa2: {  	v12 =	vadd.f32 v39, v12;
	v25 =	vand.u32 $0x7FFFFFFF, v25  }
0xa3: {  	v10 =	vadd.f32 v17, v10;
	v8 =	vadd.f32 v14, v8;
	v37 =	vand.u32 $0x7FFFFFFF, v37  }
0xa4: {  	v62 =	vld [tilespmem:s20+$0x0];
	v38 =	vand.u32 $0x7FFFFFFF, v38;
	v33 =	vand.u32 $0x7FFFFFFF, v33;
	v27 =	vadd.f32 v29, v27  }
0xa5: {  	s4 =	rddreg [dreg:$0x3];
	s5 =	sor.u32 s8, s19;
	v40 =	vld [tilespmem:s2+$0x0];
	s22 =	sand.u32 $0x1C00, s8;
	v26 =	vand.u32 $0x7FFFFFFF, v26;
	v9 =	vadd.f32 v25, v9;
	v21 =	vadd.f32 v38, v21  }
0xa6: {  	v41 =	vld [tilespmem:s21+$0x0];
	s10 =	sor.u32 $0x380, s5;
	s5 =	sand.u32 $0x60, s19;
	s2 =	sadd.s32 s22, s4;
	v22 =	vand.u32 $0x7FFFFFFF, v22;
	v12 =	vadd.f32 v33, v12;
	v16 =	vadd.f32 v37, v16  }
0xa7: {  	s0 =	sand.u32 $0x3, s17;
	s23 =	sor.u32 $0x6300, s22;
	v42 =	vld [tilespmem:s10+$0x4000];
	s12 =	sadd.s32 s5, s2;
	v7 =	vadd.f32 v22, v7;
	v11 =	vadd.f32 v26, v11  }
0xa8: {  	s0 =	sshll.u32 s0, $0x5;
	s21 =	sor.u32 $0x6080, s22;
	s13 =	sor.u32 s5, s23;
	v45 =	vld [tilespmem:s12+$0x0];
	v31 =	vsub.f32 v6, v31;
	v34 =	vsub.f32 v3, v34  }
0xa9: {  	s0 =	sadd.s32 s0, s8;
	s4 =	sor.u32 s5, s21;
	v46 =	vld [tilespmem:s13+$0x0];
	v35 =	vsub.f32 v3, v35;
	v30 =	vsub.f32 v6, v30  }
0xaa: {  	s25 =	sor.u32 $0x4000, s22;
	s11 =	sor.u32 $0x300, s0;
	v60 =	vld [tilespmem:s4+$0x0];
	v36 =	vsub.f32 v6, v36;
	v28 =	vsub.f32 v6, v28  }
0xab: {  	s31 =	sadd.s32 $0x10, s0;
	s0 =	sor.u32 s5, s25;
	v63 =	vld [tilespmem:s11+$0x4000];
	v18 =	vsub.f32 v6, v18;
	v20 =	vsub.f32 v6, v20  }
0xac: {  	v32 =	vsub.f32 v6, v32;
	v48 =	vld [tilespmem:s0+$0x180];
	v47 =	vsub.f32 v6, v40  }
0xad: {  	v59 =	vld [tilespmem:s0+$0x0];
	v39 =	vsub.f32 v3, v62;
	v6 =	vsub.f32 v6, v41  }
0xae: {  	s13 =	sor.u32 $0x10, s5;
	v22 =	vld [tilespmem:s0+$0x200];
	v34 =	vand.u32 $0x7FFFFFFF, v34;
	v29 =	vand.u32 $0x7FFFFFFF, v35;
	v32 =	vand.u32 $0x7FFFFFFF, v32  }
0xaf: {  	s25 =	sor.u32 s13, s25;
	v25 =	vld [tilespmem:s0+$0x80];
	v30 =	vand.u32 $0x7FFFFFFF, v30;
	v31 =	vand.u32 $0x7FFFFFFF, v31;
	v23 =	vadd.f32 v34, v23  }
0xb0: {  	s23 =	sor.u32 s13, s23;
	v51 =	vld [tilespmem:s25+$0x200];
	v24 =	vadd.f32 v29, v24;
	v29 =	vand.u32 $0x7FFFFFFF, v36;
	v21 =	vadd.f32 v32, v21  }
0xb1: {  	s26 =	sor.u32 $0x6000, s22;
	s29 =	sor.u32 $0x6280, s22;
	s30 =	sor.u32 $0x6200, s22;
	v53 =	vld [tilespmem:s23+$0x0];
	v52 =	vand.u32 $0x7FFFFFFF, v39;
	v4 =	vadd.f32 v30, v4;
	v27 =	vadd.f32 v31, v27  }
0xb2: {  	s10 =	sor.u32 $0x6100, s22;
	s11 =	sor.u32 $0x6180, s22;
	s22 =	sor.u32 $0x6380, s22;
	v56 =	vld [tilespmem:s25+$0x0];
	v6 =	vand.u32 $0x7FFFFFFF, v6;
	v19 =	vadd.f32 v29, v19;
	v49 =	vsub.f32 v45, v42  }
0xb3: {  	s12 =	sor.u32 s5, s22;
	v57 =	vld [tilespmem:s25+$0x180];
	v33 =	vand.u32 $0x7FFFFFFF, v47;
	v3 =	vmovc v45;
	v13 =	vadd.f32 v52, v13;
	v15 =	vadd.f32 v6, v15  }
0xb4: {  	s14 =	sor.u32 s5, s26;
	v20 =	vand.u32 $0x7FFFFFFF, v20;
	v50 =	vld [tilespmem:s12+$0x0];
	v9 =	vadd.f32 v33, v9;
	v54 =	vsub.f32 v3, v46  }
0xb5: {  	s20 =	sor.u32 s5, s30;
	v18 =	vand.u32 $0x7FFFFFFF, v18;
	v29 =	vld [tilespmem:s14+$0x0];
	v43 =	vsub.f32 v3, v48;
	v23 =	vadd.f32 v20, v23  }
0xb6: {  	s28 =	sor.u32 s5, s10;
	s24 =	sor.u32 s5, s11;
	s5 =	sor.u32 s5, s29;
	v6 =	vld [tilespmem:s0+$0x280];
	v20 =	vsub.f32 v3, v63;
	v24 =	vadd.f32 v18, v24  }
0xb7: {  	s12 =	sor.u32 s13, s29;
	v28 =	vand.u32 $0x7FFFFFFF, v28;
	s29 =	sor.u32 $0x300, s31;
	v35 =	vld [tilespmem:s5+$0x0];
	v26 =	vsub.f32 v3, v59;
	v25 =	vsub.f32 v3, v25  }
0xb8: {  	v55 =	vld [tilespmem:s29+$0x4000];
	v22 =	vsub.f32 v3, v22;
	v38 =	vsub.f32 v3, v60;
	v18 =	vand.u32 $0x7FFFFFFF, v49  }
0xb9: {  	v31 =	vld [tilespmem:s25+$0x80];
	s14 =	sor.u32 s13, s22;
	v13 =	vadd.f32 v28, v13;
	v17 =	vsub.f32 v3, v50;
	v28 =	vand.u32 $0x7FFFFFFF, v20  }
0xba: {  	s22 =	sor.u32 s13, s26;
	s26 =	sor.u32 s13, s30;
	s30 =	sadd.s32 s13, s2;
	v58 =	vld [tilespmem:s14+$0x0];
	v4 =	vadd.f32 v18, v4;
	v32 =	vand.u32 $0x7FFFFFFF, v54;
	v29 =	vsub.f32 v3, v29  }
0xbb: {  	v7 =	vadd.f32 v28, v7;
	v17 =	vand.u32 $0x7FFFFFFF, v17;
	v14 =	vsub.f32 v3, v6;
	v6 =	vld [tilespmem:s30+$0x0]  }
0xbc: {  	v5 =	vadd.f32 v17, v5;
	v17 =	vand.u32 $0x7FFFFFFF, v26;
	v20 =	vand.u32 $0x7FFFFFFF, v29;
	v29 =	vld [tilespmem:s28+$0x0]  }
0xbd: {  	v14 =	vand.u32 $0x7FFFFFFF, v14;
	v10 =	vadd.f32 v17, v10;
	v17 =	vand.u32 $0x7FFFFFFF, v22;
	v22 =	vld [tilespmem:s25+$0x280]  }
0xbe: {  	s23 =	sor.u32 $0x380, s31;
	v11 =	vadd.f32 v32, v11;
	v16 =	vadd.f32 v14, v16;
	v14 =	vld [tilespmem:s24+$0x0]  }
0xbf: {  	s6 =	sadd.s32 $0x2, s6;
	v30 =	vld [tilespmem:s23+$0x4000];
	v19 =	vadd.f32 v20, v19;
	v8 =	vadd.f32 v17, v8  }
0xc0: {  	p0 =	slt.u32 s6, $0x3E;
	v34 =	vld [tilespmem:s0+$0x100];
	v28 =	vsub.f32 v6, v58;
	v61 =	vsub.f32 v6, v56  }
.Ltmp0:
0xc1: {  	v36 =	vld [tilespmem:s22+$0x0];
	v39 =	vand.u32 $0x7FFFFFFF, v43;
	v26 =	vsub.f32 v6, v53;
	v33 =	vsub.f32 v6, v57;
	(pc) =	sbr.rel @p0 .LBB2_4-.Ltmp0, $4  }
0xc2: {  	s31 =	sor.u32 s13, s21;
	v18 =	vld [tilespmem:s12+$0x0];
	v17 =	vsub.f32 v3, v29;
	v62 =	vand.u32 $0x7FFFFFFF, v28;
	v37 =	vsub.f32 v6, v22  }
0xc3: {  	v32 =	vld [tilespmem:s31+$0x0];
	v29 =	vand.u32 $0x7FFFFFFF, v25;
	v25 =	vsub.f32 v3, v14;
	v14 =	vsub.f32 v6, v51  }
0xc4: {  	s17 =	sadd.s32 $0x1, s17;
	s19 =	sadd.s32 $0x20, s19;
	v20 =	vld [tilespmem:s25+$0x100];
	v22 =	vsub.f32 v6, v55;
	v5 =	vadd.f32 v62, v5;
	v63 =	vand.u32 $0x7FFFFFFF, v17  }
0xc5: {  	s8 =	sadd.s32 $0x100, s8;
	s21 =	sor.u32 s13, s10;
	s2 =	sor.u32 s13, s11;
	v28 =	vld [tilespmem:s26+$0x0];
	v17 =	vand.u32 $0x7FFFFFFF, v61;
	v15 =	vadd.f32 v63, v15;
	v14 =	vand.u32 $0x7FFFFFFF, v14  }
0xc6: {  	v12 =	vadd.f32 v39, v12  }
0xc7: {  	v31 =	vsub.f32 v6, v31;
	v34 =	vsub.f32 v3, v34  }
0xc8: {  	v37 =	vand.u32 $0x7FFFFFFF, v37;
	v35 =	vsub.f32 v3, v35;
	v30 =	vsub.f32 v6, v30  }
0xc9: {  	v38 =	vand.u32 $0x7FFFFFFF, v38;
	v36 =	vsub.f32 v6, v36;
	v27 =	vadd.f32 v29, v27  }
0xca: {  	v40 =	vld [tilespmem:s20+$0x0];
	v33 =	vand.u32 $0x7FFFFFFF, v33;
	v26 =	vand.u32 $0x7FFFFFFF, v26;
	v10 =	vadd.f32 v17, v10  }
0xcb: {  	v25 =	vand.u32 $0x7FFFFFFF, v25;
	v8 =	vadd.f32 v14, v8;
	v21 =	vadd.f32 v38, v21  }
0xcc: {  	v18 =	vsub.f32 v6, v18;
	v16 =	vadd.f32 v37, v16;
	v38 =	vand.u32 $0x7FFFFFFF, v22  }
0xcd: {  	v9 =	vadd.f32 v25, v9;
	v34 =	vand.u32 $0x7FFFFFFF, v34;
	v62 =	vsub.f32 v6, v32  }
0xce: {  	v59 =	vld [tilespmem:s2+$0x0];
	v60 =	vand.u32 $0x7FFFFFFF, v35;
	v12 =	vadd.f32 v33, v12;
	v23 =	vadd.f32 v34, v23  }
0xcf: {  	v61 =	vand.u32 $0x7FFFFFFF, v36;
	v36 =	vld [tilespmem:s21+$0x0];
	v24 =	vadd.f32 v60, v24;
	v3 =	vsub.f32 v3, v40  }
0xd0: {  	v39 =	vand.u32 $0x7FFFFFFF, v30;
	v19 =	vadd.f32 v61, v19;
	v20 =	vsub.f32 v6, v20  }
0xd1: {  	v4 =	vadd.f32 v39, v4;
	v37 =	vand.u32 $0x7FFFFFFF, v3;
	v3 =	vand.u32 $0x7FFFFFFF, v31  }
0xd2: {  	v28 =	vsub.f32 v6, v28;
	v20 =	vand.u32 $0x7FFFFFFF, v20;
	v17 =	vadd.f32 v3, v27  }
0xd3: {  	v29 =	vand.u32 $0x7FFFFFFF, v62;
	v63 =	vsub.f32 v6, v59;
	v20 =	vadd.f32 v20, v23  }
0xd4: {  	v6 =	vsub.f32 v6, v36;
	v3 =	vmul.f32 $-1.250000000e-01, v10;
	v22 =	vmul.f32 $-1.250000000e-01, v17  }
0xd5: {  	v29 =	vadd.f32 v29, v21;
	v19 =	vmul.f32 $-1.250000000e-01, v19;
	v21 =	vmul.f32 $-1.250000000e-01, v20  }
0xd6: {  	v14 =	vand.u32 $0x7FFFFFFF, v6;
	v6 =	vmul.f32 $-1.250000000e-01, v12;
	v10 =	vmax.f32 v3, v22  }
0xd7: {  	v12 =	vadd.f32 v38, v7;
	v7 =	vmul.f32 $-1.250000000e-01, v8;
	v10 =	vmax.f32 v10, v21  }
0xd8: {  	v28 =	vand.u32 $0x7FFFFFFF, v28;
	v8 =	vmul.f32 $-1.250000000e-01, v16;
	v10 =	vmax.f32 v10, v6  }
0xd9: {  	v32 =	vand.u32 $0x7FFFFFFF, v63;
	v20 =	vmul.f32 $-1.250000000e-01, v12;
	v12 =	vmax.f32 v10, v7  }
0xda: {  	v13 =	vadd.f32 v37, v13;
	v10 =	vmul.f32 $-1.250000000e-01, v4;
	v4 =	vmax.f32 v12, v8  }
0xdb: {  	v9 =	vadd.f32 v32, v9;
	v14 =	vadd.f32 v14, v15;
	v4 =	vmax.f32 v4, v20  }
0xdc: {  	v16 =	vand.u32 $0x7FFFFFFF, v18;
	v12 =	vmul.f32 $-1.250000000e-01, v29;
	v4 =	vmax.f32 v4, v10  }
0xdd: {  	v15 =	vadd.f32 v28, v13;
	v13 =	vmul.f32 $-1.250000000e-01, v14;
	v4 =	vmax.f32 v4, v19  }
0xde: {  	v16 =	vadd.f32 v16, v24;
	v14 =	vmul.f32 $-1.250000000e-01, v9;
	v4 =	vmax.f32 v4, v12  }
0xdf: {  	v9 =	vadd.f32 v26, v11;
	v15 =	vmul.f32 $-1.250000000e-01, v15;
	v4 =	vmax.f32 v4, v13  }
0xe0: {  	v16 =	vmul.f32 $-1.250000000e-01, v16;
	v4 =	vmax.f32 v4, v14  }
0xe1: {  	v17 =	vmul.f32 $-1.250000000e-01, v9;
	v4 =	vmax.f32 v4, v15  }
0xe2: {  	v18 =	vmul.f32 $-1.250000000e-01, v5;
	v4 =	vmax.f32 v4, v16  }
0xe3: {  	v4 =	vmax.f32 v4, v17  }
0xe4: {  	v4 =	vmax.f32 v4, v18  }
0xe5: {  	v5 =	vsub.f32 v3, v4  }
0xe6: {  	v9 =	vsub.f32 v22, v4  }
0xe7: {  	s5 =	simm.s32 $0x3;
	v5 =	vmul.f32 $1.442695020e+00, v5  }
0xe8: {  	_ =	swait.ge [sflag:s5], $0x4000;
	v11 =	vsub.f32 v21, v4;
	v9 =	vmul.f32 $1.442695020e+00, v9  }
0xe9: {  	(erf) = vpow2.f32 v5  }
0xea: {  	v5 =	vmul.f32 $1.442695020e+00, v11;
	(erf) = vpow2.f32 v9;
	v9 =	vsub.f32 v6, v4;
	_ =	sdelay $0x1  }
0xeb: {  	(erf) = vpow2.f32 v5;
	v5 =	vmul.f32 $1.442695020e+00, v9;
	v9 =	vsub.f32 v7, v4;
	_ =	sdelay $0x1  }
0xec: {  	(erf) = vpow2.f32 v5;
	v5 =	vmul.f32 $1.442695020e+00, v9;
	v9 =	vsub.f32 v8, v4;
	_ =	sdelay $0x1  }
0xed: {  	(erf) = vpow2.f32 v5;
	v5 =	vmul.f32 $1.442695020e+00, v9;
	v9 =	vsub.f32 v20, v4;
	_ =	sdelay $0x1  }
0xee: {  	v11 =	vsub.f32 v10, v4  }
0xef: {  	v23 =	vpop (erf);
	(erf) = vpow2.f32 v5;
	v5 =	vmul.f32 $1.442695020e+00, v9  }
0xf0: {  	v11 =	vmul.f32 $1.442695020e+00, v11;
	v9 =	vpop (erf)  }
0xf1: {  	(erf) = vpow2.f32 v5;
	v5 =	vsub.f32 v19, v4;
	v40 =	vadd.f32 v9, v23  }
0xf2: {  	v41 =	vpop (erf);
	(erf) = vpow2.f32 v11  }
0xf3: {  	v11 =	vsub.f32 v12, v4;
	v5 =	vmul.f32 $1.442695020e+00, v5;
	v24 =	vadd.f32 v40, v41  }
0xf4: {  	v43 =	vsub.f32 v13, v4;
	v42 =	vpop (erf)  }
0xf5: {  	(erf) = vpow2.f32 v5;
	v5 =	vmul.f32 $1.442695020e+00, v11;
	v11 =	vadd.f32 v24, v42  }
0xf6: {  	v27 =	vmul.f32 $1.442695020e+00, v43;
	v44 =	vpop (erf)  }
0xf7: {  	(erf) = vpow2.f32 v5;
	v5 =	vsub.f32 v14, v4;
	v11 =	vadd.f32 v11, v44  }
0xf8: {  	v46 =	vsub.f32 v15, v4;
	v45 =	vpop (erf)  }
0xf9: {  	(erf) = vpow2.f32 v27;
	v5 =	vmul.f32 $1.442695020e+00, v5;
	v11 =	vadd.f32 v11, v45  }
0xfa: {  	v48 =	vsub.f32 v16, v4;
	v47 =	vpop (erf)  }
0xfb: {  	(erf) = vpow2.f32 v5;
	v5 =	vmul.f32 $1.442695020e+00, v46;
	v11 =	vadd.f32 v11, v47  }
0xfc: {  	v30 =	vmul.f32 $1.442695020e+00, v48;
	v49 =	vpop (erf)  }
0xfd: {  	(erf) = vpow2.f32 v5;
	v5 =	vsub.f32 v17, v4;
	v11 =	vadd.f32 v11, v49  }
0xfe: {  	v4 =	vsub.f32 v18, v4;
	v50 =	vpop (erf)  }
0xff: {  	(erf) = vpow2.f32 v30;
	v5 =	vmul.f32 $1.442695020e+00, v5;
	v11 =	vadd.f32 v11, v50  }
0x100: {  	v51 =	vpop (erf)  }
0x101: {  	v4 =	vmul.f32 $1.442695020e+00, v4;
	(erf) = vpow2.f32 v5;
	v5 =	vadd.f32 v11, v51  }
0x102: {  	v52 =	vpop (erf)  }
0x103: {  	(erf) = vpow2.f32 v4;
	v4 =	vadd.f32 v5, v52  }
0x104: {  	v53 =	vpop (erf)  }
0x105: {  	v4 =	vadd.f32 v4, v53  }
0x106: {  	v54 =	vpop (erf)  }
0x107: {  	v4 =	vadd.f32 v4, v54  }
0x108: {  	v55 =	vpop (erf)  }
0x109: {  	v4 =	vadd.f32 v4, v55  }
0x10a: {  	v56 =	vpop (erf)  }
0x10b: {  	v4 =	vadd.f32 v4, v56  }
0x10c: {  	v57 =	vpop (erf)  }
0x10d: {  	v4 =	vadd.f32 v4, v57;
	_ =	sdelay $0x1  }
0x10e: {  	(erf) = vrcp.f32 v4;
	_ =	sdelay $0x2  }
0x10f: {  	s6 =	simm.s32 $0x0  }
0x110: {  	s4 =	sand.u32 $0x1C00, s6  }
0x111: {  	s11 =	sand.u32 $0x60, s6;
	s0 =	sor.u32 $0xC000, s4;
	[sflag:s5] =	ssyncset.done $0x0  }
0x112: {  	s12 =	sor.u32 s11, s0;
	[sflag:s5] =	ssyncadd.s32 $0xFFFFC000  }
0x113: {  	v11 =	vld [tilespmem:s12+$0x80]  }
0x114: {  	v5 =	vld [tilespmem:s12+$0x0]  }
0x115: {  	v58 =	vpop (erf)  }
0x116: {  	v4 =	vmul.f32 v58, v23;
	v9 =	vmul.f32 v58, v9;
	v23 =	vld [tilespmem:s12+$0x100];
	_ =	sdelay $0x1  }
0x117: {  	v3 =	vsel vm1, v3, v4;
	v4 =	vsel vm1, v22, v9;
	v9 =	vmul.f32 v58, v41;
	v22 =	vld [tilespmem:s12+$0x180]  }
0x118: {  	v59 =	vmul.f32 v5, v3;
	v11 =	vmul.f32 v11, v4  }
0x119: {  	s8 =	sand.u32 $0x3, s6;
	v5 =	vsel vm1, v21, v9;
	v9 =	vmul.f32 v58, v42;
	v21 =	vld [tilespmem:s12+$0x200]  }
0x11a: {  	s8 =	sshll.u32 s8, $0x5;
	v11 =	vadd.f32 v11, v59;
	v23 =	vmul.f32 v23, v5  }
0x11b: {  	s13 =	sadd.s32 $0x0, s8;
	v60 =	vld [tilespmem:s12+$0x280];
	v6 =	vsel vm1, v6, v9;
	v9 =	vmul.f32 v58, v44  }
0x11c: {  	s8 =	sor.u32 $0x300, s13;
	v11 =	vadd.f32 v23, v11;
	v22 =	vmul.f32 v22, v6  }
0x11d: {  	s6 =	sor.u32 s6, s6;
	v23 =	vld [tilespmem:s8+$0xC000];
	v7 =	vsel vm1, v7, v9;
	v9 =	vmul.f32 v58, v45  }
0x11e: {  	s6 =	sor.u32 $0x380, s6;
	v11 =	vadd.f32 v22, v11;
	v21 =	vmul.f32 v21, v7  }
0x11f: {  	s14 =	sor.u32 $0xE000, s4;
	v22 =	vld [tilespmem:s6+$0xC000];
	v8 =	vsel vm1, v8, v9;
	v9 =	vmul.f32 v58, v47  }
0x120: {  	s23 =	sor.u32 s11, s14;
	v11 =	vadd.f32 v21, v11;
	v21 =	vmul.f32 v60, v8  }
0x121: {  	s17 =	sor.u32 $0xE080, s4;
	v61 =	vld [tilespmem:s23+$0x0];
	v9 =	vsel vm1, v20, v9;
	v20 =	vmul.f32 v58, v49  }
0x122: {  	s24 =	sor.u32 s11, s17;
	v11 =	vadd.f32 v21, v11;
	v21 =	vmul.f32 v23, v9  }
0x123: {  	s19 =	sor.u32 $0xE100, s4;
	v23 =	vld [tilespmem:s24+$0x0];
	v10 =	vsel vm1, v10, v20;
	v20 =	vmul.f32 v58, v50  }
0x124: {  	s25 =	sor.u32 s11, s19;
	v21 =	vadd.f32 v21, v11;
	v22 =	vmul.f32 v22, v10  }
0x125: {  	s20 =	sor.u32 $0xE180, s4;
	v11 =	vsel vm1, v19, v20;
	v19 =	vmul.f32 v58, v51;
	v20 =	vld [tilespmem:s25+$0x0]  }
0x126: {  	s26 =	sor.u32 s11, s20;
	v21 =	vadd.f32 v22, v21;
	v22 =	vmul.f32 v61, v11  }
0x127: {  	s21 =	sor.u32 $0xE200, s4;
	v62 =	vld [tilespmem:s26+$0x0];
	v12 =	vsel vm1, v12, v19;
	v19 =	vmul.f32 v58, v52  }
0x128: {  	s28 =	sor.u32 s11, s21;
	v21 =	vadd.f32 v22, v21;
	v22 =	vmul.f32 v23, v12  }
0x129: {  	s22 =	sor.u32 $0xE280, s4;
	v23 =	vld [tilespmem:s28+$0x0];
	v13 =	vsel vm1, v13, v19;
	v19 =	vmul.f32 v58, v53  }
0x12a: {  	s29 =	sor.u32 s11, s22;
	v21 =	vadd.f32 v22, v21;
	v20 =	vmul.f32 v20, v13  }
0x12b: {  	s23 =	sor.u32 $0xE300, s4;
	v22 =	vld [tilespmem:s29+$0x0];
	v14 =	vsel vm1, v14, v19;
	v19 =	vmul.f32 v58, v54  }
0x12c: {  	s30 =	sor.u32 s11, s23;
	v20 =	vadd.f32 v20, v21;
	v21 =	vmul.f32 v62, v14  }
0x12d: {  	v63 =	vld [tilespmem:s30+$0x0];
	s25 =	sor.u32 $0xE380, s4;
	v15 =	vsel vm1, v15, v19;
	v19 =	vmul.f32 v58, v55  }
0x12e: {  	s31 =	sor.u32 s11, s25;
	v20 =	vadd.f32 v21, v20;
	v21 =	vmul.f32 v23, v15  }
0x12f: {  	v23 =	vld [tilespmem:s31+$0x0];
	v16 =	vsel vm1, v16, v19;
	v19 =	vmul.f32 v58, v56  }
0x130: {  	v20 =	vadd.f32 v21, v20;
	v21 =	vmul.f32 v22, v16  }
0x131: {  	v17 =	vsel vm1, v17, v19;
	v19 =	vmul.f32 v58, v57  }
0x132: {  	s10 =	sor.u32 $0x18000, s7;
	v20 =	vadd.f32 v21, v20;
	v21 =	vmul.f32 v63, v17  }
0x133: {  	s6 =	sadd.s32 s3, s10;
	v18 =	vsel vm1, v18, v19  }
0x134: {  	[dreg:$0x4] =	wrdreg s6;
	v19 =	vadd.f32 v21, v20;
	v20 =	vmul.f32 v23, v18  }
0x135: {  	s6 =	rddreg [dreg:$0x4]  }
0x136: {  	s6 =	sadd.s32 s4, s6;
	v19 =	vadd.f32 v20, v19  }
0x137: {  	s24 =	sor.u32 $0x10, s11;
	s4 =	sadd.s32 s11, s6  }
0x138: {  	s0 =	sor.u32 s24, s0;
	[tilespmem:s4+$0x0] =	vst v19  }
0x139: {  	v19 =	vld [tilespmem:s0+$0x0]  }
0x13a: {  	v20 =	vld [tilespmem:s0+$0x80];
	_ =	sdelay $0x1  }
0x13b: {  	v21 =	vld [tilespmem:s0+$0x100];
	_ =	sdelay $0x1  }
0x13c: {  	v22 =	vld [tilespmem:s0+$0x180]  }
0x13d: {  	v19 =	vmul.f32 v19, v3;
	v20 =	vmul.f32 v20, v4  }
0x13e: {  	v23 =	vld [tilespmem:s0+$0x200]  }
0x13f: {  	v21 =	vmul.f32 v21, v5;
	v19 =	vadd.f32 v20, v19  }
0x140: {  	s11 =	sadd.s32 $0x10, s13;
	v20 =	vld [tilespmem:s0+$0x280]  }
0x141: {  	s12 =	sor.u32 $0x300, s11;
	v22 =	vmul.f32 v22, v6;
	v19 =	vadd.f32 v21, v19  }
0x142: {  	v21 =	vld [tilespmem:s12+$0xC000]  }
0x143: {  	s13 =	sor.u32 $0x380, s11;
	v23 =	vmul.f32 v23, v7;
	v19 =	vadd.f32 v22, v19  }
0x144: {  	v22 =	vld [tilespmem:s13+$0xC000]  }
0x145: {  	s14 =	sor.u32 s24, s14;
	v20 =	vmul.f32 v20, v8;
	v19 =	vadd.f32 v23, v19  }
0x146: {  	v23 =	vld [tilespmem:s14+$0x0]  }
0x147: {  	s17 =	sor.u32 s24, s17;
	v21 =	vmul.f32 v21, v9;
	v19 =	vadd.f32 v20, v19  }
0x148: {  	v20 =	vld [tilespmem:s17+$0x0]  }
0x149: {  	s19 =	sor.u32 s24, s19;
	v22 =	vmul.f32 v22, v10;
	v19 =	vadd.f32 v21, v19  }
0x14a: {  	v21 =	vld [tilespmem:s19+$0x0]  }
0x14b: {  	s26 =	sor.u32 s24, s20;
	v23 =	vmul.f32 v23, v11;
	v19 =	vadd.f32 v22, v19  }
0x14c: {  	v22 =	vld [tilespmem:s26+$0x0]  }
0x14d: {  	s28 =	sor.u32 s24, s21;
	v20 =	vmul.f32 v20, v12;
	v19 =	vadd.f32 v23, v19  }
0x14e: {  	v23 =	vld [tilespmem:s28+$0x0]  }
0x14f: {  	s29 =	sor.u32 s24, s22;
	v21 =	vmul.f32 v21, v13;
	v19 =	vadd.f32 v20, v19  }
0x150: {  	v20 =	vld [tilespmem:s29+$0x0]  }
0x151: {  	s30 =	sor.u32 s24, s23;
	v22 =	vmul.f32 v22, v14;
	v19 =	vadd.f32 v21, v19  }
0x152: {  	v21 =	vld [tilespmem:s30+$0x0]  }
0x153: {  	s31 =	sor.u32 s24, s25;
	v23 =	vmul.f32 v23, v15;
	v19 =	vadd.f32 v22, v19  }
0x154: {  	v22 =	vld [tilespmem:s31+$0x0]  }
0x155: {  	v20 =	vmul.f32 v20, v16;
	v19 =	vadd.f32 v23, v19;
	_ =	sdelay $0x1  }
0x156: {  	[dreg:$0x18] =	wrdreg s10;
	v21 =	vmul.f32 v21, v17;
	v20 =	vadd.f32 v20, v19  }
0x157: {  	s8 =	simm.s32 $0x100;
	s5 =	rddreg [dreg:$0x4]  }
0x158: {  	s20 =	simm.s32 $0x2;
	s17 =	simm.s32 $0x20;
	s19 =	simm.s32 $0x1;
	v19 =	vmul.f32 v22, v18;
	v20 =	vadd.f32 v21, v20  }
.LBB2_6:
0x159: {  	_ = 	snop  }
0x15a: {  	s10 =	sand.u32 $0x1C00, s8;
	v19 =	vadd.f32 v19, v20  }
0x15b: {  	s0 =	sand.u32 $0x60, s17;
	s6 =	sadd.s32 s24, s6;
	s4 =	sor.u32 $0xC000, s10  }
0x15c: {  	s11 =	sor.u32 s0, s4;
	[tilespmem:s6+$0x0] =	vst v19  }
0x15d: {  	v19 =	vld [tilespmem:s11+$0x0]  }
0x15e: {  	v20 =	vld [tilespmem:s11+$0x80];
	_ =	sdelay $0x1  }
0x15f: {  	v21 =	vld [tilespmem:s11+$0x100];
	_ =	sdelay $0x1  }
0x160: {  	v22 =	vld [tilespmem:s11+$0x180]  }
0x161: {  	v19 =	vmul.f32 v19, v3;
	v20 =	vmul.f32 v20, v4  }
0x162: {  	s24 =	sand.u32 $0x3, s19;
	v23 =	vld [tilespmem:s11+$0x200]  }
0x163: {  	s6 =	sadd.s32 s10, s5;
	s5 =	sshll.u32 s24, $0x5;
	v19 =	vadd.f32 v20, v19;
	v20 =	vmul.f32 v21, v5  }
0x164: {  	s30 =	sor.u32 s8, s17;
	s31 =	sor.u32 $0xE000, s10;
	s5 =	sadd.s32 s5, s8;
	v21 =	vld [tilespmem:s11+$0x280]  }
0x165: {  	s2 =	sor.u32 $0xE080, s10;
	s28 =	sor.u32 $0xE100, s10;
	s29 =	sor.u32 $0x300, s5;
	v19 =	vadd.f32 v20, v19;
	v20 =	vmul.f32 v22, v6  }
0x166: {  	s26 =	sor.u32 $0xE180, s10;
	s25 =	sor.u32 $0xE200, s10;
	s23 =	sor.u32 $0xE280, s10;
	v22 =	vld [tilespmem:s29+$0xC000]  }
0x167: {  	s22 =	sor.u32 $0xE300, s10;
	s21 =	sor.u32 $0xE380, s10;
	s10 =	sor.u32 $0x380, s30;
	v19 =	vadd.f32 v20, v19;
	v20 =	vmul.f32 v23, v7  }
0x168: {  	v23 =	vld [tilespmem:s10+$0xC000]  }
0x169: {  	s7 =	sor.u32 s0, s31;
	v19 =	vadd.f32 v20, v19;
	v20 =	vmul.f32 v21, v8  }
0x16a: {  	v21 =	vld [tilespmem:s7+$0x0]  }
0x16b: {  	s11 =	sor.u32 s0, s2;
	v19 =	vadd.f32 v20, v19;
	v20 =	vmul.f32 v22, v9  }
0x16c: {  	v22 =	vld [tilespmem:s11+$0x0]  }
0x16d: {  	s12 =	sor.u32 s0, s28;
	v19 =	vadd.f32 v20, v19;
	v20 =	vmul.f32 v23, v10  }
0x16e: {  	v23 =	vld [tilespmem:s12+$0x0]  }
0x16f: {  	s13 =	sor.u32 s0, s26;
	v19 =	vadd.f32 v20, v19;
	v20 =	vmul.f32 v21, v11  }
0x170: {  	v21 =	vld [tilespmem:s13+$0x0]  }
0x171: {  	s14 =	sor.u32 s0, s25;
	v19 =	vadd.f32 v20, v19;
	v20 =	vmul.f32 v22, v12  }
0x172: {  	v22 =	vld [tilespmem:s14+$0x0]  }
0x173: {  	s24 =	sor.u32 s0, s23;
	v19 =	vadd.f32 v20, v19;
	v20 =	vmul.f32 v23, v13  }
0x174: {  	v23 =	vld [tilespmem:s24+$0x0]  }
0x175: {  	s29 =	sor.u32 s0, s22;
	v19 =	vadd.f32 v20, v19;
	v20 =	vmul.f32 v21, v14  }
0x176: {  	v21 =	vld [tilespmem:s29+$0x0]  }
0x177: {  	s30 =	sor.u32 s0, s21;
	v19 =	vadd.f32 v20, v19;
	v20 =	vmul.f32 v22, v15  }
0x178: {  	v22 =	vld [tilespmem:s30+$0x0]  }
0x179: {  	v19 =	vadd.f32 v20, v19;
	v20 =	vmul.f32 v23, v16;
	_ =	sdelay $0x1  }
0x17a: {  	v19 =	vadd.f32 v20, v19;
	v20 =	vmul.f32 v21, v17;
	_ =	sdelay $0x1  }
0x17b: {  	v19 =	vadd.f32 v20, v19;
	v20 =	vmul.f32 v22, v18;
	_ =	sdelay $0x1  }
0x17c: {  	v19 =	vadd.f32 v20, v19  }
0x17d: {  	s7 =	sadd.s32 s0, s6;
	s24 =	sor.u32 $0x10, s0  }
0x17e: {  	s0 =	sor.u32 s24, s4;
	[tilespmem:s7+$0x0] =	vst v19  }
0x17f: {  	v19 =	vld [tilespmem:s0+$0x0]  }
0x180: {  	v20 =	vld [tilespmem:s0+$0x80];
	_ =	sdelay $0x1  }
0x181: {  	v21 =	vld [tilespmem:s0+$0x100];
	_ =	sdelay $0x1  }
0x182: {  	v22 =	vld [tilespmem:s0+$0x180]  }
0x183: {  	v19 =	vmul.f32 v19, v3;
	v20 =	vmul.f32 v20, v4  }
0x184: {  	v23 =	vld [tilespmem:s0+$0x200]  }
0x185: {  	v21 =	vmul.f32 v21, v5;
	v19 =	vadd.f32 v20, v19  }
0x186: {  	s5 =	sadd.s32 $0x10, s5;
	v20 =	vld [tilespmem:s0+$0x280]  }
0x187: {  	s10 =	sor.u32 $0x300, s5;
	v22 =	vmul.f32 v22, v6;
	v19 =	vadd.f32 v21, v19  }
0x188: {  	v21 =	vld [tilespmem:s10+$0xC000]  }
0x189: {  	s11 =	sor.u32 $0x380, s5;
	v23 =	vmul.f32 v23, v7;
	v19 =	vadd.f32 v22, v19  }
0x18a: {  	v22 =	vld [tilespmem:s11+$0xC000]  }
0x18b: {  	s12 =	sor.u32 s24, s31;
	v20 =	vmul.f32 v20, v8;
	v19 =	vadd.f32 v23, v19  }
0x18c: {  	v23 =	vld [tilespmem:s12+$0x0]  }
0x18d: {  	s13 =	sor.u32 s24, s2;
	v21 =	vmul.f32 v21, v9;
	v19 =	vadd.f32 v20, v19  }
0x18e: {  	v20 =	vld [tilespmem:s13+$0x0]  }
0x18f: {  	s14 =	sor.u32 s24, s28;
	v22 =	vmul.f32 v22, v10;
	v19 =	vadd.f32 v21, v19  }
0x190: {  	v21 =	vld [tilespmem:s14+$0x0]  }
0x191: {  	s26 =	sor.u32 s24, s26;
	v23 =	vmul.f32 v23, v11;
	v19 =	vadd.f32 v22, v19  }
0x192: {  	v22 =	vld [tilespmem:s26+$0x0]  }
0x193: {  	s28 =	sor.u32 s24, s25;
	v20 =	vmul.f32 v20, v12;
	v19 =	vadd.f32 v23, v19  }
0x194: {  	v23 =	vld [tilespmem:s28+$0x0]  }
0x195: {  	s29 =	sor.u32 s24, s23;
	v21 =	vmul.f32 v21, v13;
	v19 =	vadd.f32 v20, v19  }
0x196: {  	v20 =	vld [tilespmem:s29+$0x0]  }
0x197: {  	s30 =	sor.u32 s24, s22;
	v22 =	vmul.f32 v22, v14;
	v19 =	vadd.f32 v21, v19  }
0x198: {  	v21 =	vld [tilespmem:s30+$0x0]  }
0x199: {  	s20 =	sadd.s32 $0x2, s20;
	s31 =	sor.u32 s24, s21;
	v23 =	vmul.f32 v23, v15;
	v19 =	vadd.f32 v22, v19  }
0x19a: {  	p0 =	slt.u32 s20, $0x3E;
	v22 =	vld [tilespmem:s31+$0x0]  }
.Ltmp1:
0x19b: {  	v20 =	vmul.f32 v20, v16;
	v19 =	vadd.f32 v23, v19;
	(pc) =	sbr.rel @p0 .LBB2_6-.Ltmp1, $4  }
0x19c: {  	_ = 	snop  }
0x19d: {  	v21 =	vmul.f32 v21, v17;
	v20 =	vadd.f32 v20, v19  }
0x19e: {  	s19 =	sadd.s32 $0x1, s19  }
0x19f: {  	s17 =	sadd.s32 $0x20, s17;
	s8 =	sadd.s32 $0x100, s8;
	s5 =	rddreg [dreg:$0x4];
	v19 =	vmul.f32 v22, v18;
	v20 =	vadd.f32 v21, v20  }
0x1a0: {  	_ = 	snop  }
0x1a1: {  	s4 =	sand.u32 $0x1C00, s8;
	v19 =	vadd.f32 v19, v20  }
0x1a2: {  	s0 =	sand.u32 $0x60, s17;
	s6 =	sadd.s32 s24, s6;
	s2 =	sor.u32 $0xC000, s4  }
0x1a3: {  	s10 =	sor.u32 s0, s2;
	[tilespmem:s6+$0x0] =	vst v19  }
0x1a4: {  	v19 =	vld [tilespmem:s10+$0x0]  }
0x1a5: {  	v20 =	vld [tilespmem:s10+$0x80];
	_ =	sdelay $0x1  }
0x1a6: {  	v21 =	vld [tilespmem:s10+$0x100];
	_ =	sdelay $0x1  }
0x1a7: {  	v22 =	vld [tilespmem:s10+$0x180]  }
0x1a8: {  	v19 =	vmul.f32 v19, v3;
	v20 =	vmul.f32 v20, v4  }
0x1a9: {  	s7 =	sand.u32 $0x3, s19;
	v23 =	vld [tilespmem:s10+$0x200]  }
0x1aa: {  	s6 =	sshll.u32 s7, $0x5;
	v19 =	vadd.f32 v20, v19;
	v20 =	vmul.f32 v21, v5  }
0x1ab: {  	s11 =	sadd.s32 s6, s8;
	v21 =	vld [tilespmem:s10+$0x280]  }
0x1ac: {  	s6 =	sor.u32 $0x300, s11;
	v19 =	vadd.f32 v20, v19;
	v20 =	vmul.f32 v22, v6  }
0x1ad: {  	s12 =	sor.u32 s8, s17;
	v22 =	vld [tilespmem:s6+$0xC000]  }
0x1ae: {  	s8 =	sor.u32 $0x380, s12;
	v19 =	vadd.f32 v20, v19;
	v20 =	vmul.f32 v23, v7  }
0x1af: {  	s13 =	sor.u32 $0xE000, s4;
	v23 =	vld [tilespmem:s8+$0xC000]  }
0x1b0: {  	s14 =	sor.u32 s0, s13;
	v19 =	vadd.f32 v20, v19;
	v20 =	vmul.f32 v21, v8  }
0x1b1: {  	s17 =	sor.u32 $0xE080, s4;
	v21 =	vld [tilespmem:s14+$0x0]  }
0x1b2: {  	s23 =	sor.u32 s0, s17;
	v19 =	vadd.f32 v20, v19;
	v20 =	vmul.f32 v22, v9  }
0x1b3: {  	s24 =	sor.u32 $0xE100, s4;
	v22 =	vld [tilespmem:s23+$0x0]  }
0x1b4: {  	s25 =	sor.u32 s0, s24;
	v19 =	vadd.f32 v20, v19;
	v20 =	vmul.f32 v23, v10  }
0x1b5: {  	s20 =	sor.u32 $0xE180, s4;
	v23 =	vld [tilespmem:s25+$0x0]  }
0x1b6: {  	s26 =	sor.u32 s0, s20;
	v19 =	vadd.f32 v20, v19;
	v20 =	vmul.f32 v21, v11  }
0x1b7: {  	s21 =	sor.u32 $0xE200, s4;
	v21 =	vld [tilespmem:s26+$0x0]  }
0x1b8: {  	s28 =	sor.u32 s0, s21;
	v19 =	vadd.f32 v20, v19;
	v20 =	vmul.f32 v22, v12  }
0x1b9: {  	s22 =	sor.u32 $0xE280, s4;
	v22 =	vld [tilespmem:s28+$0x0]  }
0x1ba: {  	s29 =	sor.u32 s0, s22;
	v19 =	vadd.f32 v20, v19;
	v20 =	vmul.f32 v23, v13  }
0x1bb: {  	s23 =	sor.u32 $0xE300, s4;
	v23 =	vld [tilespmem:s29+$0x0]  }
0x1bc: {  	s30 =	sor.u32 s0, s23;
	v19 =	vadd.f32 v20, v19;
	v20 =	vmul.f32 v21, v14  }
0x1bd: {  	s31 =	sor.u32 $0xE380, s4;
	v21 =	vld [tilespmem:s30+$0x0]  }
0x1be: {  	s7 =	sor.u32 s0, s31;
	v19 =	vadd.f32 v20, v19;
	v20 =	vmul.f32 v22, v15  }
0x1bf: {  	v22 =	vld [tilespmem:s7+$0x0]  }
0x1c0: {  	v19 =	vadd.f32 v20, v19;
	v20 =	vmul.f32 v23, v16;
	_ =	sdelay $0x1  }
0x1c1: {  	v19 =	vadd.f32 v20, v19;
	v20 =	vmul.f32 v21, v17;
	_ =	sdelay $0x1  }
0x1c2: {  	v19 =	vadd.f32 v20, v19;
	v20 =	vmul.f32 v22, v18;
	_ =	sdelay $0x1  }
0x1c3: {  	s4 =	sadd.s32 s4, s5;
	v19 =	vadd.f32 v20, v19  }
0x1c4: {  	s5 =	sadd.s32 s0, s4;
	s0 =	sor.u32 $0x10, s0  }
0x1c5: {  	s2 =	sor.u32 s0, s2;
	[tilespmem:s5+$0x0] =	vst v19  }
0x1c6: {  	v19 =	vld [tilespmem:s2+$0x0]  }
0x1c7: {  	v20 =	vld [tilespmem:s2+$0x80];
	_ =	sdelay $0x1  }
0x1c8: {  	v21 =	vld [tilespmem:s2+$0x100];
	_ =	sdelay $0x1  }
0x1c9: {  	v22 =	vld [tilespmem:s2+$0x180]  }
0x1ca: {  	v3 =	vmul.f32 v19, v3;
	v4 =	vmul.f32 v20, v4  }
0x1cb: {  	v19 =	vld [tilespmem:s2+$0x200]  }
0x1cc: {  	v5 =	vmul.f32 v21, v5;
	v3 =	vadd.f32 v4, v3  }
0x1cd: {  	s10 =	sadd.s32 $0x10, s11;
	v4 =	vld [tilespmem:s2+$0x280]  }
0x1ce: {  	s11 =	sor.u32 $0x300, s10;
	v6 =	vmul.f32 v22, v6;
	v3 =	vadd.f32 v5, v3  }
0x1cf: {  	v5 =	vld [tilespmem:s11+$0xC000]  }
0x1d0: {  	s12 =	sor.u32 $0x380, s10;
	v7 =	vmul.f32 v19, v7;
	v3 =	vadd.f32 v6, v3  }
0x1d1: {  	v6 =	vld [tilespmem:s12+$0xC000]  }
0x1d2: {  	s13 =	sor.u32 s0, s13;
	v4 =	vmul.f32 v4, v8;
	v3 =	vadd.f32 v7, v3  }
0x1d3: {  	v7 =	vld [tilespmem:s13+$0x0]  }
0x1d4: {  	s14 =	sor.u32 s0, s17;
	v5 =	vmul.f32 v5, v9;
	v3 =	vadd.f32 v4, v3  }
0x1d5: {  	v4 =	vld [tilespmem:s14+$0x0]  }
0x1d6: {  	s17 =	sor.u32 s0, s24;
	v6 =	vmul.f32 v6, v10;
	v3 =	vadd.f32 v5, v3  }
0x1d7: {  	v5 =	vld [tilespmem:s17+$0x0]  }
0x1d8: {  	s19 =	sor.u32 s0, s20;
	v7 =	vmul.f32 v7, v11;
	v3 =	vadd.f32 v6, v3  }
0x1d9: {  	v6 =	vld [tilespmem:s19+$0x0]  }
0x1da: {  	s20 =	sor.u32 s0, s21;
	v4 =	vmul.f32 v4, v12;
	v3 =	vadd.f32 v7, v3  }
0x1db: {  	v7 =	vld [tilespmem:s20+$0x0]  }
0x1dc: {  	s21 =	sor.u32 s0, s22;
	v5 =	vmul.f32 v5, v13;
	v3 =	vadd.f32 v4, v3  }
0x1dd: {  	v4 =	vld [tilespmem:s21+$0x0]  }
0x1de: {  	s22 =	sor.u32 s0, s23;
	v6 =	vmul.f32 v6, v14;
	v3 =	vadd.f32 v5, v3  }
0x1df: {  	v5 =	vld [tilespmem:s22+$0x0]  }
0x1e0: {  	s23 =	sor.u32 s0, s31;
	v7 =	vmul.f32 v7, v15;
	v3 =	vadd.f32 v6, v3  }
0x1e1: {  	v6 =	vld [tilespmem:s23+$0x0]  }
0x1e2: {  	v4 =	vmul.f32 v4, v16;
	v3 =	vadd.f32 v7, v3;
	_ =	sdelay $0x1  }
0x1e3: {  	v5 =	vmul.f32 v5, v17;
	v3 =	vadd.f32 v4, v3;
	_ =	sdelay $0x1  }
0x1e4: {  	v4 =	vmul.f32 v6, v18;
	v3 =	vadd.f32 v5, v3;
	_ =	sdelay $0x1  }
0x1e5: {  	v3 =	vadd.f32 v4, v3  }
0x1e6: {  	s1 =	smin.u32 s1, $0x7D;
	s0 =	sadd.s32 s0, s4  }
0x1e7: {  	s24 =	sshll.u32 s1, $0x7;
	[tilespmem:s0+$0x0] =	vst v3  }
0x1e8: {  	v3 =	vld [tilespmem:s24+$0x100];
	_ =	sdelay $0x4  }
0x1e9: {  	v4 =	vshll.u32 v3, $0x3  }
0x1ea: {  	v3 =	vand.u32 $0x7, v3;
	v4 =	vand.u32 $0xFFFFFFC0, v4  }
0x1eb: {  	v3 =	vor.u32 v3, v4  }
0x1ec: {  	v4 =	vperm.xlane v3, v0;
	_ =	sdelay $0x1  }
0x1ed: {  	v4 =	vadd.s32 v1, v4;
	_ =	sdelay $0x3  }
0x1ee: {  	s25 =	simm.s32 $0x4000;
	s2 =	simm.s32 $0x0  }
0x1ef: {  	[tilespmem:s25], [sflag:$0x1] =	stream.indirect_vreg.gather [hbm4b:s15+s2], $0x80, v4, vm0, $0xb8;
	[tilespmem:$0x1C080] =	vst v63  }
0x1f0: {  	s26 =	rddreg [dreg:$0xd];
	s28 =	simm.s32 $0x4800;
	v3 =	vperm.xlane v3, v2  }
0x1f1: {  	[tilespmem:s28], [sflag:$0x1] =	stream.indirect_vreg.gather [hbm4b:s26+s2], $0x80, v4, vm0, $0xb8;
	[tilespmem:$0x1C080] =	vst v63  }
0x1f2: {  	s29 =	rddreg [dreg:$0xe];
	s30 =	simm.s32 $0x5000;
	v3 =	vadd.s32 v1, v3  }
0x1f3: {  	[tilespmem:s30], [sflag:$0x1] =	stream.indirect_vreg.gather [hbm4b:s29+s2], $0x80, v4, vm0, $0xb8;
	[tilespmem:$0x1C080] =	vst v63  }
0x1f4: {  	s31 =	rddreg [dreg:$0xf];
	s7 =	simm.s32 $0x5800  }
0x1f5: {  	[tilespmem:s7], [sflag:$0x1] =	stream.indirect_vreg.gather [hbm4b:s31+s2], $0x80, v4, vm0, $0xb8;
	[tilespmem:$0x1C080] =	vst v63  }
0x1f6: {  	s8 =	simm.s32 $0x6000  }
0x1f7: {  	[tilespmem:s8], [sflag:$0x1] =	stream.indirect_vreg.gather [hbm4b:s15+s2], $0x80, v3, vm0, $0xb8;
	[tilespmem:$0x1C080] =	vst v63  }
0x1f8: {  	s10 =	simm.s32 $0x6800  }
0x1f9: {  	[tilespmem:s10], [sflag:$0x1] =	stream.indirect_vreg.gather [hbm4b:s26+s2], $0x80, v3, vm0, $0xb8;
	[tilespmem:$0x1C080] =	vst v63  }
0x1fa: {  	s11 =	simm.s32 $0x7000  }
0x1fb: {  	[tilespmem:s11], [sflag:$0x1] =	stream.indirect_vreg.gather [hbm4b:s29+s2], $0x80, v3, vm0, $0xb8;
	[tilespmem:$0x1C080] =	vst v63  }
0x1fc: {  	s12 =	simm.s32 $0x7800  }
0x1fd: {  	[tilespmem:s12], [sflag:$0x1] =	stream.indirect_vreg.gather [hbm4b:s31+s2], $0x80, v3, vm0, $0xb8;
	[tilespmem:$0x1C080] =	vst v63  }
0x1fe: {  	v3 =	vld [tilespmem:s24+$0x100];
	_ =	sdelay $0x4  }
0x1ff: {  	v4 =	vshll.u32 v3, $0x3  }
0x200: {  	v3 =	vand.u32 $0x7, v3;
	v4 =	vand.u32 $0xFFFFFFC0, v4  }
0x201: {  	v3 =	vor.u32 v3, v4  }
0x202: {  	v4 =	vperm.xlane v3, v0;
	_ =	sdelay $0x1  }
0x203: {  	v4 =	vadd.s32 v1, v4;
	_ =	sdelay $0x3  }
0x204: {  	s13 =	simm.s32 $0xC000  }
0x205: {  	[tilespmem:s13], [sflag:$0x3] =	stream.indirect_vreg.gather [hbm4b:s18+s2], $0x80, v4, vm0, $0xb8;
	[tilespmem:$0x1C080] =	vst v63  }
0x206: {  	s14 =	rddreg [dreg:$0x10];
	s15 =	simm.s32 $0xC800;
	v3 =	vperm.xlane v3, v2  }
0x207: {  	[tilespmem:s15], [sflag:$0x3] =	stream.indirect_vreg.gather [hbm4b:s14+s2], $0x80, v4, vm0, $0xb8;
	[tilespmem:$0x1C080] =	vst v63  }
0x208: {  	s17 =	rddreg [dreg:$0x11];
	s19 =	simm.s32 $0xD000;
	v3 =	vadd.s32 v1, v3  }
0x209: {  	[tilespmem:s19], [sflag:$0x3] =	stream.indirect_vreg.gather [hbm4b:s17+s2], $0x80, v4, vm0, $0xb8;
	[tilespmem:$0x1C080] =	vst v63  }
0x20a: {  	s20 =	rddreg [dreg:$0x12];
	s21 =	simm.s32 $0xD800  }
0x20b: {  	[tilespmem:s21], [sflag:$0x3] =	stream.indirect_vreg.gather [hbm4b:s20+s2], $0x80, v4, vm0, $0xb8;
	[tilespmem:$0x1C080] =	vst v63  }
0x20c: {  	s22 =	simm.s32 $0xE000  }
0x20d: {  	[tilespmem:s22], [sflag:$0x3] =	stream.indirect_vreg.gather [hbm4b:s18+s2], $0x80, v3, vm0, $0xb8;
	[tilespmem:$0x1C080] =	vst v63  }
0x20e: {  	s23 =	simm.s32 $0xE800  }
0x20f: {  	[tilespmem:s23], [sflag:$0x3] =	stream.indirect_vreg.gather [hbm4b:s14+s2], $0x80, v3, vm0, $0xb8;
	[tilespmem:$0x1C080] =	vst v63  }
0x210: {  	s24 =	simm.s32 $0xF000  }
0x211: {  	[tilespmem:s24], [sflag:$0x3] =	stream.indirect_vreg.gather [hbm4b:s17+s2], $0x80, v3, vm0, $0xb8;
	[tilespmem:$0x1C080] =	vst v63  }
0x212: {  	s25 =	simm.s32 $0xF800;
	s26 =	simm.s32 $0x2  }
0x213: {  	[tilespmem:s25], [sflag:$0x3] =	stream.indirect_vreg.gather [hbm4b:s20+s2], $0x80, v3, vm0, $0xb8;
	[tilespmem:$0x1C080] =	vst v63  }
0x214: {  	s1 =	sor.u32 $0x80, s3;
	s4 =	sand.u32 $0x1C00, s2;
	_ =	swait.ge [sflag:s26], $0x4000  }
0x215: {  	s0 =	sand.u32 $0x60, s2;
	s8 =	sor.u32 $0xA280, s4;
	[sflag:s26] =	ssyncset.done $0x0  }
0x216: {  	s30 =	sor.u32 s0, s8;
	s2 =	sor.u32 $0xA200, s4;
	[sflag:s26] =	ssyncadd.s32 $0xFFFFC000  }
0x217: {  	s28 =	sadd.s32 s1, s9;
	s9 =	sor.u32 $0x8280, s4;
	s7 =	sor.u32 s0, s2;
	v5 =	vld [tilespmem:s30+$0x0]  }
0x218: {  	s19 =	sor.u32 $0x8100, s4;
	s20 =	sor.u32 s0, s9;
	v6 =	vld [tilespmem:s7+$0x0]  }
0x219: {  	s21 =	sor.u32 s0, s19;
	s22 =	sor.u32 $0x8180, s4;
	v7 =	vld [tilespmem:s20+$0x0]  }
0x21a: {  	s11 =	sor.u32 $0xA000, s4;
	s24 =	sor.u32 s0, s22;
	v8 =	vld [tilespmem:s21+$0x0]  }
0x21b: {  	s3 =	sor.u32 $0x10, s0;
	s25 =	sor.u32 s0, s11;
	v10 =	vld [tilespmem:s24+$0x0]  }
0x21c: {  	s5 =	sor.u32 $0xA080, s4;
	s26 =	sor.u32 s3, s11;
	v11 =	vld [tilespmem:s25+$0x0]  }
0x21d: {  	s12 =	sor.u32 s0, s5;
	[dreg:$0x5] =	wrdreg s28;
	s28 =	sor.u32 $0x8300, s4;
	v13 =	vld [tilespmem:s26+$0x0]  }
0x21e: {  	s13 =	sor.u32 $0x8200, s4;
	s29 =	rddreg [dreg:$0x5];
	s14 =	sor.u32 s0, s28;
	v12 =	vld [tilespmem:s12+$0x0]  }
0x21f: {  	s31 =	sadd.s32 s4, s29;
	s29 =	sor.u32 s0, s13;
	v14 =	vld [tilespmem:s14+$0x0]  }
0x220: {  	s10 =	sor.u32 s3, s22;
	v15 =	vld [tilespmem:s29+$0x0]  }
0x221: {  	s18 =	sadd.s32 s0, s31;
	v17 =	vld [tilespmem:s10+$0x0]  }
0x222: {  	s13 =	sor.u32 s3, s13;
	v4 =	vld [tilespmem:s18+$0x0]  }
0x223: {  	s15 =	sor.u32 $0xA180, s4;
	s23 =	sadd.s32 s3, s31;
	v19 =	vld [tilespmem:s13+$0x0]  }
0x224: {  	s20 =	sor.u32 s0, s15;
	v3 =	vld [tilespmem:s23+$0x0]  }
0x225: {  	s31 =	sor.u32 $0x8380, s4;
	s24 =	sor.u32 s3, s9;
	v22 =	vld [tilespmem:s20+$0x0]  }
0x226: {  	s7 =	sor.u32 $0xA300, s4;
	s14 =	sor.u32 s3, s31;
	v33 =	vld [tilespmem:s24+$0x0]  }
0x227: {  	s18 =	sor.u32 s3, s7;
	v20 =	vld [tilespmem:s14+$0x0];
	v5 =	vsub.f32 v4, v5;
	v7 =	vsub.f32 v4, v7  }
0x228: {  	s22 =	sor.u32 $0x8000, s4;
	s21 =	sor.u32 s0, s31;
	v21 =	vld [tilespmem:s18+$0x0];
	v18 =	vsub.f32 v4, v6;
	v6 =	vsub.f32 v4, v8  }
0x229: {  	s23 =	sor.u32 s3, s22;
	v25 =	vld [tilespmem:s21+$0x0];
	v8 =	vsub.f32 v4, v11;
	v11 =	vsub.f32 v4, v12  }
0x22a: {  	v27 =	vld [tilespmem:s23+$0x0];
	v12 =	vsub.f32 v4, v14;
	v10 =	vsub.f32 v4, v10  }
0x22b: {  	v15 =	vsub.f32 v4, v15;
	v17 =	vsub.f32 v3, v17  }
0x22c: {  	v19 =	vsub.f32 v3, v19;
	v22 =	vsub.f32 v4, v22  }
0x22d: {  	v37 =	vsub.f32 v3, v33;
	v13 =	vsub.f32 v3, v13  }
0x22e: {  	s6 =	sor.u32 $0xA100, s4;
	v9 =	vimm.f32 $0.0e+00;
	v31 =	vsub.f32 v3, v20;
	v26 =	vsub.f32 v3, v21  }
0x22f: {  	s30 =	sor.u32 s0, s6;
	v32 =	vsub.f32 v3, v27;
	v21 =	vsub.f32 v4, v25;
	v7 =	vand.u32 $0x7FFFFFFF, v7  }
0x230: {  	s11 =	sor.u32 s3, s28;
	v16 =	vld [tilespmem:s30+$0x0];
	v5 =	vand.u32 $0x7FFFFFFF, v5;
	v6 =	vand.u32 $0x7FFFFFFF, v6;
	v8 =	vand.u32 $0x7FFFFFFF, v8  }
0x231: {  	v12 =	vand.u32 $0x7FFFFFFF, v12;
	v23 =	vadd.f32 v8, v9;
	v8 =	vand.u32 $0x7FFFFFFF, v11;
	v11 =	vld [tilespmem:s11+$0x0]  }
0x232: {  	s8 =	sor.u32 s3, s8;
	v18 =	vand.u32 $0x7FFFFFFF, v18;
	v10 =	vand.u32 $0x7FFFFFFF, v10;
	v29 =	vand.u32 $0x7FFFFFFF, v17  }
0x233: {  	v35 =	vld [tilespmem:s8+$0x0];
	s25 =	sor.u32 s3, s19;
	v20 =	vand.u32 $0x7FFFFFFF, v19;
	v38 =	vand.u32 $0x7FFFFFFF, v13;
	v6 =	vadd.f32 v6, v9  }
0x234: {  	s26 =	sor.u32 s0, s22;
	v30 =	vld [tilespmem:s25+$0x0];
	v19 =	vimm.f32 $0.0e+00;
	v5 =	vadd.f32 v5, v9;
	v7 =	vadd.f32 v7, v9  }
0x235: {  	s28 =	sor.u32 $0xA380, s4;
	s6 =	sor.u32 s3, s6;
	v24 =	vld [tilespmem:s26+$0x0];
	v14 =	vadd.f32 v12, v9;
	v12 =	vand.u32 $0x7FFFFFFF, v15;
	v15 =	vsub.f32 v4, v16  }
0x236: {  	s4 =	sor.u32 $0x8080, s4;
	s30 =	sor.u32 s0, s28;
	v36 =	vld [tilespmem:s6+$0x0];
	v13 =	vimm.f32 $0.0e+00;
	v8 =	vadd.f32 v8, v9;
	v11 =	vsub.f32 v3, v11  }
0x237: {  	s31 =	sor.u32 s0, s4;
	v34 =	vld [tilespmem:s30+$0x0];
	v16 =	vadd.f32 v12, v9;
	v12 =	vadd.f32 v18, v9;
	v28 =	vand.u32 $0x7FFFFFFF, v15  }
0x238: {  	s2 =	sor.u32 s3, s2;
	s29 =	sor.u32 s3, s15;
	s8 =	sor.u32 s3, s28;
	v33 =	vld [tilespmem:s31+$0x0];
	v15 =	vand.u32 $0x7FFFFFFF, v22;
	v22 =	vand.u32 $0x7FFFFFFF, v11;
	v11 =	vsub.f32 v3, v35  }
0x239: {  	s19 =	sor.u32 s3, s5;
	s20 =	sor.u32 s0, s7;
	s0 =	sor.u32 s3, s4;
	v27 =	vld [tilespmem:s29+$0x0];
	v18 =	vadd.f32 v10, v9;
	v10 =	vimm.f32 $0.0e+00;
	v25 =	vadd.f32 v15, v9  }
0x23a: {  	s3 =	simm.s32 $0x0;
	s6 =	simm.s32 $0x100;
	v15 =	vimm.f32 $0.0e+00;
	v35 =	vld [tilespmem:s8+$0x0];
	s8 =	simm.s32 $0x20;
	v17 =	vand.u32 $0x7FFFFFFF, v11;
	v11 =	vimm.f32 $0.0e+00  }
.LBB2_8:
0x23b: {  	v23 =	vadd.f32 v38, v23  }
0x23c: {  	v16 =	vadd.f32 v20, v16;
	v14 =	vadd.f32 v22, v14  }
0x23d: {  	v40 =	vld [tilespmem:s20+$0x0];
	v5 =	vadd.f32 v17, v5;
	v18 =	vadd.f32 v29, v18;
	v21 =	vand.u32 $0x7FFFFFFF, v21  }
0x23e: {  	s24 =	sand.u32 $0x1C00, s6;
	v62 =	vld [tilespmem:s0+$0x0];
	v9 =	vadd.f32 v28, v9;
	v13 =	vadd.f32 v21, v13  }
0x23f: {  	s9 =	sand.u32 $0x60, s8;
	v63 =	vld [tilespmem:s19+$0x0];
	s21 =	sor.u32 $0xA280, s24;
	v39 =	vsub.f32 v4, v24;
	v30 =	vsub.f32 v3, v30  }
0x240: {  	v45 =	vld [tilespmem:s2+$0x0];
	s5 =	sor.u32 $0xA200, s24;
	s10 =	sor.u32 s9, s21;
	v28 =	vsub.f32 v4, v34;
	v33 =	vsub.f32 v4, v33  }
0x241: {  	s22 =	sor.u32 $0x8280, s24;
	v29 =	vand.u32 $0x7FFFFFFF, v31;
	s13 =	sor.u32 s9, s5;
	v46 =	vld [tilespmem:s10+$0x0];
	v36 =	vsub.f32 v3, v36;
	v47 =	vsub.f32 v3, v35  }
0x242: {  	s28 =	sor.u32 $0x8100, s24;
	s11 =	sor.u32 s9, s22;
	v48 =	vld [tilespmem:s13+$0x0];
	v27 =	vsub.f32 v3, v27;
	v13 =	vadd.f32 v29, v13  }
0x243: {  	s0 =	sor.u32 $0x8180, s24;
	s25 =	sor.u32 s9, s28;
	v41 =	vld [tilespmem:s11+$0x0];
	v24 =	vand.u32 $0x7FFFFFFF, v37;
	v40 =	vsub.f32 v4, v40;
	v37 =	vsub.f32 v3, v62  }
0x244: {  	s4 =	rddreg [dreg:$0x5];
	v31 =	vand.u32 $0x7FFFFFFF, v32;
	s30 =	sor.u32 $0xA000, s24;
	s18 =	sor.u32 s9, s0;
	v42 =	vld [tilespmem:s25+$0x0];
	v32 =	vsub.f32 v3, v63;
	v7 =	vadd.f32 v24, v7  }
0x245: {  	s4 =	sadd.s32 s24, s4;
	v49 =	vld [tilespmem:s18+$0x0];
	s18 =	sor.u32 s9, s30;
	v44 =	vand.u32 $0x7FFFFFFF, v39;
	v28 =	vand.u32 $0x7FFFFFFF, v28;
	v36 =	vand.u32 $0x7FFFFFFF, v36  }
0x246: {  	s26 =	sor.u32 $0x10, s9;
	s12 =	sadd.s32 s9, s4;
	v20 =	vld [tilespmem:s18+$0x0];
	v30 =	vand.u32 $0x7FFFFFFF, v30;
	v27 =	vand.u32 $0x7FFFFFFF, v27;
	v15 =	vadd.f32 v44, v15  }
0x247: {  	s14 =	sor.u32 $0x8200, s24;
	s13 =	sor.u32 s26, s30;
	v4 =	vld [tilespmem:s12+$0x0];
	v25 =	vadd.f32 v27, v25;
	v27 =	vand.u32 $0x7FFFFFFF, v33;
	v9 =	vadd.f32 v36, v9  }
0x248: {  	s17 =	sor.u32 $0x8300, s24;
	s10 =	sor.u32 s26, s14;
	s14 =	sor.u32 s9, s14;
	v51 =	vld [tilespmem:s13+$0x0];
	v11 =	vadd.f32 v28, v11;
	v28 =	vand.u32 $0x7FFFFFFF, v32;
	v6 =	vadd.f32 v30, v6  }
0x249: {  	s7 =	sor.u32 $0xA180, s24;
	s15 =	sor.u32 $0x8380, s24;
	s23 =	sadd.s32 s26, s4;
	v17 =	vld [tilespmem:s14+$0x0];
	v50 =	vand.u32 $0x7FFFFFFF, v40;
	v19 =	vadd.f32 v27, v19;
	v8 =	vadd.f32 v28, v8  }
0x24a: {  	s4 =	sor.u32 s26, s7;
	s25 =	sor.u32 s9, s7;
	s7 =	sor.u32 s26, s15;
	v55 =	vld [tilespmem:s10+$0x0];
	v34 =	vand.u32 $0x7FFFFFFF, v47;
	v10 =	vadd.f32 v50, v10;
	v15 =	vadd.f32 v31, v15  }
0x24b: {  	s31 =	sor.u32 $0xA300, s24;
	s11 =	sor.u32 s9, s17;
	v56 =	vld [tilespmem:s7+$0x0];
	v31 =	vsub.f32 v3, v45;
	v11 =	vadd.f32 v34, v11  }
0x24c: {  	v26 =	vand.u32 $0x7FFFFFFF, v26;
	s13 =	sor.u32 s26, s31;
	v28 =	vld [tilespmem:s11+$0x0];
	v22 =	vsub.f32 v4, v46;
	v52 =	vsub.f32 v4, v48  }
0x24d: {  	v57 =	vld [tilespmem:s13+$0x0];
	v21 =	vand.u32 $0x7FFFFFFF, v37;
	v20 =	vsub.f32 v4, v20;
	v29 =	vsub.f32 v4, v42  }
0x24e: {  	s2 =	sor.u32 $0xA080, s24;
	s11 =	sor.u32 s9, s15;
	s15 =	sor.u32 s26, s0;
	v3 =	vld [tilespmem:s23+$0x0];
	v19 =	vadd.f32 v21, v19;
	v10 =	vadd.f32 v26, v10;
	v27 =	vand.u32 $0x7FFFFFFF, v31  }
0x24f: {  	s30 =	sor.u32 s9, s2;
	v54 =	vld [tilespmem:s15+$0x0];
	v17 =	vsub.f32 v4, v17;
	v12 =	vadd.f32 v27, v12  }
0x250: {  	s20 =	sor.u32 $0x8000, s24;
	s18 =	sor.u32 s26, s22;
	v31 =	vld [tilespmem:s30+$0x0];
	v27 =	vsub.f32 v4, v41;
	v22 =	vand.u32 $0x7FFFFFFF, v22;
	v24 =	vand.u32 $0x7FFFFFFF, v29  }
0x251: {  	s19 =	sor.u32 $0xA100, s24;
	s29 =	sor.u32 $0xA380, s24;
	s14 =	sor.u32 s26, s21;
	v59 =	vld [tilespmem:s18+$0x0];
	v20 =	vand.u32 $0x7FFFFFFF, v20;
	v28 =	vsub.f32 v4, v28;
	v6 =	vadd.f32 v24, v6  }
0x252: {  	s12 =	sor.u32 $0x8080, s24;
	s24 =	sor.u32 s26, s28;
	s28 =	sor.u32 s9, s19;
	v61 =	vld [tilespmem:s14+$0x0];
	v17 =	vand.u32 $0x7FFFFFFF, v17;
	v5 =	vadd.f32 v22, v5;
	v22 =	vsub.f32 v4, v49  }
0x253: {  	s22 =	sor.u32 s9, s12;
	v53 =	vld [tilespmem:s28+$0x0];
	v23 =	vadd.f32 v20, v23;
	v16 =	vadd.f32 v17, v16  }
0x254: {  	v33 =	vld [tilespmem:s22+$0x0];
	s23 =	sor.u32 s26, s17;
	v26 =	vsub.f32 v3, v54;
	v17 =	vsub.f32 v3, v55;
	v21 =	vand.u32 $0x7FFFFFFF, v28  }
0x255: {  	v30 =	vand.u32 $0x7FFFFFFF, v52;
	v31 =	vsub.f32 v4, v31;
	v14 =	vadd.f32 v21, v14;
	v21 =	vld [tilespmem:s23+$0x0]  }
0x256: {  	s30 =	sor.u32 s26, s20;
	v24 =	vld [tilespmem:s25+$0x0];
	v12 =	vadd.f32 v30, v12;
	v37 =	vsub.f32 v3, v59  }
0x257: {  	v35 =	vsub.f32 v3, v61;
	v60 =	vand.u32 $0x7FFFFFFF, v22;
	v22 =	vld [tilespmem:s30+$0x0];
	v20 =	vand.u32 $0x7FFFFFFF, v31  }
0x258: {  	s3 =	sadd.s32 $0x2, s3;
	s21 =	sor.u32 s26, s19;
	v58 =	vld [tilespmem:s11+$0x0];
	v27 =	vand.u32 $0x7FFFFFFF, v27;
	v8 =	vadd.f32 v20, v8;
	v20 =	vsub.f32 v4, v53  }
0x259: {  	p0 =	slt.u32 s3, $0x3E;
	s28 =	sor.u32 s9, s29;
	v36 =	vld [tilespmem:s21+$0x0];
	v7 =	vadd.f32 v27, v7;
	v29 =	vand.u32 $0x7FFFFFFF, v26;
	v26 =	vsub.f32 v3, v57  }
.Ltmp2:
0x25a: {  	v34 =	vld [tilespmem:s28+$0x0];
	v28 =	vand.u32 $0x7FFFFFFF, v20;
	v20 =	vand.u32 $0x7FFFFFFF, v17;
	v17 =	vsub.f32 v3, v21;
	(pc) =	sbr.rel @p0 .LBB2_8-.Ltmp2, $4  }
0x25b: {  	v30 =	vld [tilespmem:s24+$0x0];
	v18 =	vadd.f32 v60, v18;
	v62 =	vsub.f32 v4, v24  }
0x25c: {  	s17 =	sor.u32 s26, s29;
	s29 =	sor.u32 s9, s20;
	v27 =	vld [tilespmem:s4+$0x0];
	v32 =	vsub.f32 v3, v22;
	v22 =	vand.u32 $0x7FFFFFFF, v17;
	v17 =	vsub.f32 v3, v51  }
0x25d: {  	s6 =	sadd.s32 $0x100, s6;
	s8 =	sadd.s32 $0x20, s8;
	s19 =	sor.u32 s26, s2;
	v24 =	vld [tilespmem:s29+$0x0];
	v31 =	vsub.f32 v3, v56;
	v63 =	vand.u32 $0x7FFFFFFF, v62;
	v21 =	vsub.f32 v4, v58  }
0x25e: {  	s2 =	sor.u32 s26, s5;
	s0 =	sor.u32 s26, s12;
	s20 =	sor.u32 s9, s31;
	v25 =	vadd.f32 v63, v25;
	v38 =	vand.u32 $0x7FFFFFFF, v17;
	v17 =	vand.u32 $0x7FFFFFFF, v35;
	v35 =	vld [tilespmem:s17+$0x0]  }
0x25f: {  	v38 =	vadd.f32 v38, v23;
	v37 =	vand.u32 $0x7FFFFFFF, v37  }
0x260: {  	v18 =	vadd.f32 v29, v18;
	v59 =	vand.u32 $0x7FFFFFFF, v31;
	v9 =	vadd.f32 v28, v9  }
0x261: {  	v23 =	vld [tilespmem:s0+$0x0];
	v60 =	vsub.f32 v4, v34;
	v32 =	vand.u32 $0x7FFFFFFF, v32;
	v62 =	vsub.f32 v3, v36  }
0x262: {  	v39 =	vld [tilespmem:s20+$0x0];
	v33 =	vsub.f32 v4, v33;
	v26 =	vand.u32 $0x7FFFFFFF, v26;
	v16 =	vadd.f32 v20, v16  }
0x263: {  	v61 =	vld [tilespmem:s19+$0x0];
	v5 =	vadd.f32 v17, v5;
	v30 =	vsub.f32 v3, v30;
	v34 =	vand.u32 $0x7FFFFFFF, v62  }
0x264: {  	v27 =	vsub.f32 v3, v27;
	v33 =	vand.u32 $0x7FFFFFFF, v33;
	v24 =	vsub.f32 v4, v24  }
0x265: {  	v36 =	vld [tilespmem:s2+$0x0];
	v63 =	vand.u32 $0x7FFFFFFF, v60;
	v19 =	vadd.f32 v33, v19;
	v40 =	vadd.f32 v34, v9  }
0x266: {  	v35 =	vsub.f32 v3, v35;
	v24 =	vand.u32 $0x7FFFFFFF, v24;
	v23 =	vsub.f32 v3, v23  }
0x267: {  	v27 =	vand.u32 $0x7FFFFFFF, v27;
	v4 =	vsub.f32 v4, v39;
	v15 =	vadd.f32 v24, v15  }
0x268: {  	v31 =	vsub.f32 v3, v61;
	v25 =	vadd.f32 v27, v25;
	v9 =	vand.u32 $0x7FFFFFFF, v23  }
0x269: {  	v23 =	vand.u32 $0x7FFFFFFF, v30;
	v15 =	vadd.f32 v32, v15;
	v9 =	vadd.f32 v9, v19  }
0x26a: {  	v28 =	vsub.f32 v3, v36;
	v4 =	vand.u32 $0x7FFFFFFF, v4;
	v6 =	vadd.f32 v23, v6  }
0x26b: {  	v19 =	vand.u32 $0x7FFFFFFF, v21;
	v3 =	vmul.f32 $-1.250000000e-01, v15;
	v23 =	vmul.f32 $-1.250000000e-01, v9  }
0x26c: {  	v13 =	vadd.f32 v19, v13;
	v9 =	vadd.f32 v22, v14;
	v21 =	vmul.f32 $-1.250000000e-01, v6  }
0x26d: {  	v14 =	vadd.f32 v37, v7;
	v6 =	vmul.f32 $-1.250000000e-01, v18;
	v15 =	vmax.f32 v3, v23  }
0x26e: {  	v18 =	vand.u32 $0x7FFFFFFF, v28;
	v7 =	vmul.f32 $-1.250000000e-01, v16;
	v15 =	vmax.f32 v15, v21  }
0x26f: {  	v13 =	vadd.f32 v59, v13;
	v20 =	vmul.f32 $-1.250000000e-01, v14;
	v14 =	vmax.f32 v15, v6  }
0x270: {  	v9 =	vmul.f32 $-1.250000000e-01, v9;
	v15 =	vand.u32 $0x7FFFFFFF, v31;
	v14 =	vmax.f32 v14, v7  }
0x271: {  	v19 =	vmul.f32 $-1.250000000e-01, v13;
	v8 =	vadd.f32 v15, v8;
	v13 =	vmax.f32 v14, v20  }
0x272: {  	v16 =	vadd.f32 v63, v11;
	v11 =	vmul.f32 $-1.250000000e-01, v38;
	v13 =	vmax.f32 v13, v9  }
0x273: {  	v15 =	vadd.f32 v18, v12;
	v12 =	vmul.f32 $-1.250000000e-01, v8;
	v8 =	vmax.f32 v13, v19  }
0x274: {  	v4 =	vadd.f32 v4, v10;
	v13 =	vmul.f32 $-1.250000000e-01, v40;
	v8 =	vmax.f32 v8, v11  }
0x275: {  	v35 =	vand.u32 $0x7FFFFFFF, v35;
	v14 =	vmul.f32 $-1.250000000e-01, v25;
	v8 =	vmax.f32 v8, v12  }
0x276: {  	v4 =	vadd.f32 v26, v4;
	v15 =	vmul.f32 $-1.250000000e-01, v15;
	v8 =	vmax.f32 v8, v13  }
0x277: {  	v10 =	vadd.f32 v35, v16;
	v16 =	vmul.f32 $-1.250000000e-01, v5;
	v5 =	vmax.f32 v8, v14  }
0x278: {  	v17 =	vmul.f32 $-1.250000000e-01, v4;
	v4 =	vmax.f32 v5, v15  }
0x279: {  	v18 =	vmul.f32 $-1.250000000e-01, v10;
	v4 =	vmax.f32 v4, v16  }
0x27a: {  	v4 =	vmax.f32 v4, v17  }
0x27b: {  	v4 =	vmax.f32 v4, v18  }
0x27c: {  	v5 =	vsub.f32 v3, v4  }
0x27d: {  	v8 =	vsub.f32 v23, v4  }
0x27e: {  	s11 =	simm.s32 $0x4;
	v5 =	vmul.f32 $1.442695020e+00, v5  }
0x27f: {  	_ =	swait.ge [sflag:s11], $0x4000;
	v10 =	vsub.f32 v21, v4;
	v8 =	vmul.f32 $1.442695020e+00, v8  }
0x280: {  	(erf) = vpow2.f32 v5  }
0x281: {  	v5 =	vmul.f32 $1.442695020e+00, v10;
	(erf) = vpow2.f32 v8;
	v8 =	vsub.f32 v6, v4;
	_ =	sdelay $0x1  }
0x282: {  	(erf) = vpow2.f32 v5;
	v5 =	vmul.f32 $1.442695020e+00, v8;
	v8 =	vsub.f32 v7, v4;
	_ =	sdelay $0x1  }
0x283: {  	(erf) = vpow2.f32 v5;
	v5 =	vmul.f32 $1.442695020e+00, v8;
	v8 =	vsub.f32 v20, v4;
	_ =	sdelay $0x1  }
0x284: {  	(erf) = vpow2.f32 v5;
	v5 =	vmul.f32 $1.442695020e+00, v8;
	v8 =	vsub.f32 v9, v4;
	_ =	sdelay $0x1  }
0x285: {  	v10 =	vsub.f32 v19, v4  }
0x286: {  	v22 =	vpop (erf);
	(erf) = vpow2.f32 v5;
	v5 =	vmul.f32 $1.442695020e+00, v8  }
0x287: {  	v10 =	vmul.f32 $1.442695020e+00, v10;
	v8 =	vpop (erf)  }
0x288: {  	(erf) = vpow2.f32 v5;
	v5 =	vsub.f32 v11, v4;
	v41 =	vadd.f32 v8, v22  }
0x289: {  	v42 =	vpop (erf);
	(erf) = vpow2.f32 v10  }
0x28a: {  	v10 =	vsub.f32 v12, v4;
	v5 =	vmul.f32 $1.442695020e+00, v5;
	v24 =	vadd.f32 v41, v42  }
0x28b: {  	v27 =	vsub.f32 v13, v4;
	v43 =	vpop (erf)  }
0x28c: {  	(erf) = vpow2.f32 v5;
	v5 =	vmul.f32 $1.442695020e+00, v10;
	v10 =	vadd.f32 v24, v43  }
0x28d: {  	v27 =	vmul.f32 $1.442695020e+00, v27;
	v44 =	vpop (erf)  }
0x28e: {  	(erf) = vpow2.f32 v5;
	v5 =	vsub.f32 v14, v4;
	v10 =	vadd.f32 v10, v44  }
0x28f: {  	v46 =	vsub.f32 v15, v4;
	v45 =	vpop (erf)  }
0x290: {  	(erf) = vpow2.f32 v27;
	v5 =	vmul.f32 $1.442695020e+00, v5;
	v10 =	vadd.f32 v10, v45  }
0x291: {  	v48 =	vsub.f32 v16, v4;
	v47 =	vpop (erf)  }
0x292: {  	(erf) = vpow2.f32 v5;
	v5 =	vmul.f32 $1.442695020e+00, v46;
	v10 =	vadd.f32 v10, v47  }
0x293: {  	v30 =	vmul.f32 $1.442695020e+00, v48;
	v49 =	vpop (erf)  }
0x294: {  	(erf) = vpow2.f32 v5;
	v5 =	vsub.f32 v17, v4;
	v10 =	vadd.f32 v10, v49  }
0x295: {  	v4 =	vsub.f32 v18, v4;
	v50 =	vpop (erf)  }
0x296: {  	(erf) = vpow2.f32 v30;
	v5 =	vmul.f32 $1.442695020e+00, v5;
	v10 =	vadd.f32 v10, v50  }
0x297: {  	v51 =	vpop (erf)  }
0x298: {  	v4 =	vmul.f32 $1.442695020e+00, v4;
	(erf) = vpow2.f32 v5;
	v5 =	vadd.f32 v10, v51  }
0x299: {  	v52 =	vpop (erf)  }
0x29a: {  	(erf) = vpow2.f32 v4;
	v4 =	vadd.f32 v5, v52  }
0x29b: {  	v53 =	vpop (erf)  }
0x29c: {  	v4 =	vadd.f32 v4, v53  }
0x29d: {  	v54 =	vpop (erf)  }
0x29e: {  	v4 =	vadd.f32 v4, v54  }
0x29f: {  	v55 =	vpop (erf)  }
0x2a0: {  	v4 =	vadd.f32 v4, v55  }
0x2a1: {  	v56 =	vpop (erf)  }
0x2a2: {  	v4 =	vadd.f32 v4, v56  }
0x2a3: {  	v57 =	vpop (erf)  }
0x2a4: {  	v4 =	vadd.f32 v4, v57;
	_ =	sdelay $0x1  }
0x2a5: {  	(erf) = vrcp.f32 v4;
	_ =	sdelay $0x2  }
0x2a6: {  	s12 =	simm.s32 $0x0  }
0x2a7: {  	s4 =	sand.u32 $0x1C00, s12  }
0x2a8: {  	s3 =	sand.u32 $0x60, s12;
	[sflag:s11] =	ssyncset.done $0x0;
	s14 =	sor.u32 $0x10080, s4  }
0x2a9: {  	s13 =	sor.u32 $0x10000, s4;
	[sflag:s11] =	ssyncadd.s32 $0xFFFFC000;
	s6 =	sor.u32 s3, s14  }
0x2aa: {  	s5 =	sor.u32 s3, s13;
	v10 =	vld [tilespmem:s6+$0x0]  }
0x2ab: {  	s15 =	sor.u32 $0x10100, s4;
	v5 =	vld [tilespmem:s5+$0x0]  }
0x2ac: {  	s7 =	sor.u32 s3, s15;
	v58 =	vpop (erf)  }
0x2ad: {  	s18 =	sor.u32 $0x10180, s4;
	v4 =	vmul.f32 v58, v22;
	v8 =	vmul.f32 v58, v8;
	v22 =	vld [tilespmem:s7+$0x0]  }
0x2ae: {  	s19 =	sor.u32 s3, s18  }
0x2af: {  	s9 =	sor.u32 $0x10200, s4;
	v4 =	vsel vm1, v3, v4;
	v3 =	vsel vm1, v23, v8;
	v8 =	vmul.f32 v58, v42;
	v23 =	vld [tilespmem:s19+$0x0]  }
0x2b0: {  	s20 =	sor.u32 s3, s9;
	v59 =	vmul.f32 v5, v4;
	v10 =	vmul.f32 v10, v3  }
0x2b1: {  	s17 =	sor.u32 $0x10280, s4;
	v5 =	vsel vm1, v21, v8;
	v8 =	vmul.f32 v58, v43;
	v21 =	vld [tilespmem:s20+$0x0]  }
0x2b2: {  	s21 =	sor.u32 s3, s17;
	v10 =	vadd.f32 v10, v59;
	v22 =	vmul.f32 v22, v5  }
0x2b3: {  	v60 =	vld [tilespmem:s21+$0x0];
	s19 =	sor.u32 $0x10300, s4;
	v6 =	vsel vm1, v6, v8;
	v8 =	vmul.f32 v58, v44  }
0x2b4: {  	s22 =	sor.u32 s3, s19;
	v10 =	vadd.f32 v22, v10;
	v22 =	vmul.f32 v23, v6  }
0x2b5: {  	s20 =	sor.u32 $0x10380, s4;
	v23 =	vld [tilespmem:s22+$0x0];
	v7 =	vsel vm1, v7, v8;
	v8 =	vmul.f32 v58, v45  }
0x2b6: {  	s23 =	sor.u32 s3, s20;
	v10 =	vadd.f32 v22, v10;
	v21 =	vmul.f32 v21, v7  }
0x2b7: {  	s21 =	sor.u32 $0x12000, s4;
	v22 =	vld [tilespmem:s23+$0x0];
	v8 =	vsel vm1, v20, v8;
	v20 =	vmul.f32 v58, v47  }
0x2b8: {  	s24 =	sor.u32 s3, s21;
	v10 =	vadd.f32 v21, v10;
	v21 =	vmul.f32 v60, v8  }
0x2b9: {  	v61 =	vld [tilespmem:s24+$0x0];
	s22 =	sor.u32 $0x12080, s4;
	v9 =	vsel vm1, v9, v20;
	v20 =	vmul.f32 v58, v49  }
0x2ba: {  	s25 =	sor.u32 s3, s22;
	v21 =	vadd.f32 v21, v10;
	v23 =	vmul.f32 v23, v9  }
0x2bb: {  	s23 =	sor.u32 $0x12100, s4;
	v10 =	vsel vm1, v19, v20;
	v19 =	vmul.f32 v58, v50;
	v20 =	vld [tilespmem:s25+$0x0]  }
0x2bc: {  	s26 =	sor.u32 s3, s23;
	v21 =	vadd.f32 v23, v21;
	v22 =	vmul.f32 v22, v10  }
0x2bd: {  	s24 =	sor.u32 $0x12180, s4;
	v23 =	vld [tilespmem:s26+$0x0];
	v11 =	vsel vm1, v11, v19;
	v19 =	vmul.f32 v58, v51  }
0x2be: {  	s28 =	sor.u32 s3, s24;
	v21 =	vadd.f32 v22, v21;
	v22 =	vmul.f32 v61, v11  }
0x2bf: {  	v62 =	vld [tilespmem:s28+$0x0];
	s25 =	sor.u32 $0x12200, s4;
	v12 =	vsel vm1, v12, v19;
	v19 =	vmul.f32 v58, v52  }
0x2c0: {  	s29 =	sor.u32 s3, s25;
	v21 =	vadd.f32 v22, v21;
	v20 =	vmul.f32 v20, v12  }
0x2c1: {  	s26 =	sor.u32 $0x12280, s4;
	v22 =	vld [tilespmem:s29+$0x0];
	v13 =	vsel vm1, v13, v19;
	v19 =	vmul.f32 v58, v53  }
0x2c2: {  	s31 =	sor.u32 s3, s26;
	v20 =	vadd.f32 v20, v21;
	v21 =	vmul.f32 v23, v13  }
0x2c3: {  	s28 =	sor.u32 $0x12300, s4;
	v23 =	vld [tilespmem:s31+$0x0];
	v14 =	vsel vm1, v14, v19;
	v19 =	vmul.f32 v58, v54  }
0x2c4: {  	s8 =	sor.u32 s3, s28;
	v20 =	vadd.f32 v21, v20;
	v21 =	vmul.f32 v62, v14  }
0x2c5: {  	v63 =	vld [tilespmem:s8+$0x0];
	s29 =	sor.u32 $0x12380, s4;
	v15 =	vsel vm1, v15, v19;
	v19 =	vmul.f32 v58, v55  }
0x2c6: {  	s10 =	sor.u32 s3, s29;
	v20 =	vadd.f32 v21, v20;
	v21 =	vmul.f32 v22, v15  }
0x2c7: {  	v22 =	vld [tilespmem:s10+$0x0];
	v16 =	vsel vm1, v16, v19;
	v19 =	vmul.f32 v58, v56  }
0x2c8: {  	v20 =	vadd.f32 v21, v20;
	v21 =	vmul.f32 v23, v16  }
0x2c9: {  	v17 =	vsel vm1, v17, v19;
	v19 =	vmul.f32 v58, v57  }
0x2ca: {  	s11 =	rddreg [dreg:$0x18];
	v20 =	vadd.f32 v21, v20;
	v21 =	vmul.f32 v63, v17  }
0x2cb: {  	s1 =	sadd.s32 s1, s11;
	v18 =	vsel vm1, v18, v19  }
0x2cc: {  	[dreg:$0x6] =	wrdreg s1;
	v19 =	vadd.f32 v21, v20;
	v20 =	vmul.f32 v22, v18  }
0x2cd: {  	s1 =	rddreg [dreg:$0x6]  }
0x2ce: {  	s1 =	sadd.s32 s4, s1;
	v19 =	vadd.f32 v20, v19  }
0x2cf: {  	s8 =	sor.u32 $0x10, s3;
	s4 =	sadd.s32 s3, s1  }
0x2d0: {  	s0 =	sor.u32 s8, s13;
	[tilespmem:s4+$0x0] =	vst v19  }
0x2d1: {  	s12 =	sor.u32 s8, s14;
	v19 =	vld [tilespmem:s0+$0x0]  }
0x2d2: {  	v20 =	vld [tilespmem:s12+$0x0]  }
0x2d3: {  	s13 =	sor.u32 s8, s15  }
0x2d4: {  	v21 =	vld [tilespmem:s13+$0x0]  }
0x2d5: {  	s14 =	sor.u32 s8, s18  }
0x2d6: {  	v22 =	vld [tilespmem:s14+$0x0]  }
0x2d7: {  	s15 =	sor.u32 s8, s9;
	v19 =	vmul.f32 v19, v4;
	v20 =	vmul.f32 v20, v3  }
0x2d8: {  	v23 =	vld [tilespmem:s15+$0x0]  }
0x2d9: {  	s18 =	sor.u32 s8, s17;
	v21 =	vmul.f32 v21, v5;
	v19 =	vadd.f32 v20, v19  }
0x2da: {  	v20 =	vld [tilespmem:s18+$0x0]  }
0x2db: {  	s19 =	sor.u32 s8, s19;
	v22 =	vmul.f32 v22, v6;
	v19 =	vadd.f32 v21, v19  }
0x2dc: {  	v21 =	vld [tilespmem:s19+$0x0]  }
0x2dd: {  	s20 =	sor.u32 s8, s20;
	v23 =	vmul.f32 v23, v7;
	v19 =	vadd.f32 v22, v19  }
0x2de: {  	v22 =	vld [tilespmem:s20+$0x0]  }
0x2df: {  	s21 =	sor.u32 s8, s21;
	v20 =	vmul.f32 v20, v8;
	v19 =	vadd.f32 v23, v19  }
0x2e0: {  	v23 =	vld [tilespmem:s21+$0x0]  }
0x2e1: {  	s22 =	sor.u32 s8, s22;
	v21 =	vmul.f32 v21, v9;
	v19 =	vadd.f32 v20, v19  }
0x2e2: {  	v20 =	vld [tilespmem:s22+$0x0]  }
0x2e3: {  	s23 =	sor.u32 s8, s23;
	v22 =	vmul.f32 v22, v10;
	v19 =	vadd.f32 v21, v19  }
0x2e4: {  	v21 =	vld [tilespmem:s23+$0x0]  }
0x2e5: {  	s24 =	sor.u32 s8, s24;
	v23 =	vmul.f32 v23, v11;
	v19 =	vadd.f32 v22, v19  }
0x2e6: {  	v22 =	vld [tilespmem:s24+$0x0]  }
0x2e7: {  	s25 =	sor.u32 s8, s25;
	v20 =	vmul.f32 v20, v12;
	v19 =	vadd.f32 v23, v19  }
0x2e8: {  	v23 =	vld [tilespmem:s25+$0x0]  }
0x2e9: {  	s26 =	sor.u32 s8, s26;
	v21 =	vmul.f32 v21, v13;
	v19 =	vadd.f32 v20, v19  }
0x2ea: {  	v20 =	vld [tilespmem:s26+$0x0]  }
0x2eb: {  	s28 =	sor.u32 s8, s28;
	v22 =	vmul.f32 v22, v14;
	v19 =	vadd.f32 v21, v19  }
0x2ec: {  	v21 =	vld [tilespmem:s28+$0x0]  }
0x2ed: {  	s31 =	sor.u32 s8, s29;
	v23 =	vmul.f32 v23, v15;
	v19 =	vadd.f32 v22, v19  }
0x2ee: {  	v22 =	vld [tilespmem:s31+$0x0]  }
0x2ef: {  	v20 =	vmul.f32 v20, v16;
	v19 =	vadd.f32 v23, v19;
	_ =	sdelay $0x1  }
0x2f0: {  	v21 =	vmul.f32 v21, v17;
	v20 =	vadd.f32 v20, v19  }
0x2f1: {  	s30 =	rddreg [dreg:$0x6]  }
0x2f2: {  	s6 =	simm.s32 $0x20;
	s7 =	simm.s32 $0x100;
	s3 =	simm.s32 $0x2;
	v19 =	vmul.f32 v22, v18;
	v20 =	vadd.f32 v21, v20  }
.LBB2_10:
0x2f3: {  	_ = 	snop  }
0x2f4: {  	s10 =	sand.u32 $0x1C00, s7;
	v19 =	vadd.f32 v19, v20  }
0x2f5: {  	s4 =	sand.u32 $0x60, s6;
	s1 =	sadd.s32 s8, s1;
	s5 =	sor.u32 $0x10000, s10  }
0x2f6: {  	s0 =	sor.u32 $0x10080, s10;
	s2 =	sor.u32 s4, s5;
	[tilespmem:s1+$0x0] =	vst v19  }
0x2f7: {  	s21 =	sor.u32 s4, s0;
	v19 =	vld [tilespmem:s2+$0x0]  }
0x2f8: {  	s31 =	sor.u32 $0x10100, s10;
	v20 =	vld [tilespmem:s21+$0x0]  }
0x2f9: {  	s9 =	sor.u32 s4, s31  }
0x2fa: {  	s29 =	sor.u32 $0x10180, s10;
	v21 =	vld [tilespmem:s9+$0x0]  }
0x2fb: {  	s11 =	sor.u32 s4, s29  }
0x2fc: {  	s28 =	sor.u32 $0x10200, s10;
	v22 =	vld [tilespmem:s11+$0x0]  }
0x2fd: {  	s12 =	sor.u32 s4, s28;
	v19 =	vmul.f32 v19, v4;
	v20 =	vmul.f32 v20, v3  }
0x2fe: {  	s26 =	sor.u32 $0x10280, s10;
	v23 =	vld [tilespmem:s12+$0x0]  }
0x2ff: {  	s13 =	sor.u32 s4, s26;
	v19 =	vadd.f32 v20, v19;
	v20 =	vmul.f32 v21, v5  }
0x300: {  	s25 =	sor.u32 $0x10300, s10;
	v21 =	vld [tilespmem:s13+$0x0]  }
0x301: {  	s14 =	sor.u32 s4, s25;
	v19 =	vadd.f32 v20, v19;
	v20 =	vmul.f32 v22, v6  }
0x302: {  	s24 =	sor.u32 $0x10380, s10;
	v22 =	vld [tilespmem:s14+$0x0]  }
0x303: {  	s15 =	sor.u32 s4, s24;
	v19 =	vadd.f32 v20, v19;
	v20 =	vmul.f32 v23, v7  }
0x304: {  	s23 =	sor.u32 $0x12000, s10;
	s22 =	sor.u32 $0x12080, s10;
	v23 =	vld [tilespmem:s15+$0x0]  }
0x305: {  	s20 =	sor.u32 $0x12200, s10;
	s19 =	sor.u32 $0x12280, s10;
	s18 =	sor.u32 s4, s23;
	v19 =	vadd.f32 v20, v19;
	v20 =	vmul.f32 v21, v8  }
0x306: {  	s17 =	sor.u32 $0x12300, s10;
	s1 =	sadd.s32 s10, s30;
	s2 =	sor.u32 $0x12100, s10;
	v21 =	vld [tilespmem:s18+$0x0]  }
0x307: {  	s21 =	sor.u32 $0x12180, s10;
	s9 =	sor.u32 $0x12380, s10;
	s10 =	sor.u32 s4, s22;
	v19 =	vadd.f32 v20, v19;
	v20 =	vmul.f32 v22, v9  }
0x308: {  	v22 =	vld [tilespmem:s10+$0x0]  }
0x309: {  	s11 =	sor.u32 s4, s2;
	v19 =	vadd.f32 v20, v19;
	v20 =	vmul.f32 v23, v10  }
0x30a: {  	v23 =	vld [tilespmem:s11+$0x0]  }
0x30b: {  	s12 =	sor.u32 s4, s21;
	v19 =	vadd.f32 v20, v19;
	v20 =	vmul.f32 v21, v11  }
0x30c: {  	v21 =	vld [tilespmem:s12+$0x0]  }
0x30d: {  	s13 =	sor.u32 s4, s20;
	v19 =	vadd.f32 v20, v19;
	v20 =	vmul.f32 v22, v12  }
0x30e: {  	v22 =	vld [tilespmem:s13+$0x0]  }
0x30f: {  	s14 =	sor.u32 s4, s19;
	v19 =	vadd.f32 v20, v19;
	v20 =	vmul.f32 v23, v13  }
0x310: {  	v23 =	vld [tilespmem:s14+$0x0]  }
0x311: {  	s15 =	sor.u32 s4, s17;
	v19 =	vadd.f32 v20, v19;
	v20 =	vmul.f32 v21, v14  }
0x312: {  	v21 =	vld [tilespmem:s15+$0x0]  }
0x313: {  	s18 =	sor.u32 s4, s9;
	v19 =	vadd.f32 v20, v19;
	v20 =	vmul.f32 v22, v15  }
0x314: {  	v22 =	vld [tilespmem:s18+$0x0]  }
0x315: {  	v19 =	vadd.f32 v20, v19;
	v20 =	vmul.f32 v23, v16;
	_ =	sdelay $0x1  }
0x316: {  	v19 =	vadd.f32 v20, v19;
	v20 =	vmul.f32 v21, v17;
	_ =	sdelay $0x1  }
0x317: {  	v19 =	vadd.f32 v20, v19;
	v20 =	vmul.f32 v22, v18;
	_ =	sdelay $0x1  }
0x318: {  	v19 =	vadd.f32 v20, v19  }
0x319: {  	s8 =	sor.u32 $0x10, s4;
	s10 =	sadd.s32 s4, s1  }
0x31a: {  	s4 =	sor.u32 s8, s5;
	[tilespmem:s10+$0x0] =	vst v19  }
0x31b: {  	s0 =	sor.u32 s8, s0;
	v19 =	vld [tilespmem:s4+$0x0]  }
0x31c: {  	v20 =	vld [tilespmem:s0+$0x0]  }
0x31d: {  	s10 =	sor.u32 s8, s31  }
0x31e: {  	v21 =	vld [tilespmem:s10+$0x0]  }
0x31f: {  	s11 =	sor.u32 s8, s29  }
0x320: {  	v22 =	vld [tilespmem:s11+$0x0]  }
0x321: {  	s12 =	sor.u32 s8, s28;
	v19 =	vmul.f32 v19, v4;
	v20 =	vmul.f32 v20, v3  }
0x322: {  	v23 =	vld [tilespmem:s12+$0x0]  }
0x323: {  	s13 =	sor.u32 s8, s26;
	v21 =	vmul.f32 v21, v5;
	v19 =	vadd.f32 v20, v19  }
0x324: {  	v20 =	vld [tilespmem:s13+$0x0]  }
0x325: {  	s14 =	sor.u32 s8, s25;
	v22 =	vmul.f32 v22, v6;
	v19 =	vadd.f32 v21, v19  }
0x326: {  	v21 =	vld [tilespmem:s14+$0x0]  }
0x327: {  	s15 =	sor.u32 s8, s24;
	v23 =	vmul.f32 v23, v7;
	v19 =	vadd.f32 v22, v19  }
0x328: {  	v22 =	vld [tilespmem:s15+$0x0]  }
0x329: {  	s18 =	sor.u32 s8, s23;
	v20 =	vmul.f32 v20, v8;
	v19 =	vadd.f32 v23, v19  }
0x32a: {  	v23 =	vld [tilespmem:s18+$0x0]  }
0x32b: {  	s23 =	sor.u32 s8, s22;
	v21 =	vmul.f32 v21, v9;
	v19 =	vadd.f32 v20, v19  }
0x32c: {  	v20 =	vld [tilespmem:s23+$0x0]  }
0x32d: {  	s24 =	sor.u32 s8, s2;
	v22 =	vmul.f32 v22, v10;
	v19 =	vadd.f32 v21, v19  }
0x32e: {  	v21 =	vld [tilespmem:s24+$0x0]  }
0x32f: {  	s25 =	sor.u32 s8, s21;
	v23 =	vmul.f32 v23, v11;
	v19 =	vadd.f32 v22, v19  }
0x330: {  	v22 =	vld [tilespmem:s25+$0x0]  }
0x331: {  	s26 =	sor.u32 s8, s20;
	v20 =	vmul.f32 v20, v12;
	v19 =	vadd.f32 v23, v19  }
0x332: {  	v23 =	vld [tilespmem:s26+$0x0]  }
0x333: {  	s28 =	sor.u32 s8, s19;
	v21 =	vmul.f32 v21, v13;
	v19 =	vadd.f32 v20, v19  }
0x334: {  	v20 =	vld [tilespmem:s28+$0x0]  }
0x335: {  	s29 =	sor.u32 s8, s17;
	v22 =	vmul.f32 v22, v14;
	v19 =	vadd.f32 v21, v19  }
0x336: {  	v21 =	vld [tilespmem:s29+$0x0]  }
0x337: {  	s3 =	sadd.s32 $0x2, s3;
	s31 =	sor.u32 s8, s9;
	v23 =	vmul.f32 v23, v15;
	v19 =	vadd.f32 v22, v19  }
0x338: {  	p0 =	slt.u32 s3, $0x3E;
	v22 =	vld [tilespmem:s31+$0x0]  }
.Ltmp3:
0x339: {  	v20 =	vmul.f32 v20, v16;
	v19 =	vadd.f32 v23, v19;
	(pc) =	sbr.rel @p0 .LBB2_10-.Ltmp3, $3  }
0x33a: {  	_ = 	snop  }
0x33b: {  	v21 =	vmul.f32 v21, v17;
	v20 =	vadd.f32 v20, v19;
	_ =	sdelay $0x1  }
0x33c: {  	s7 =	sadd.s32 $0x100, s7;
	s6 =	sadd.s32 $0x20, s6;
	s30 =	rddreg [dreg:$0x6];
	v19 =	vmul.f32 v22, v18;
	v20 =	vadd.f32 v21, v20  }
0x33d: {  	_ = 	snop  }
0x33e: {  	s3 =	sand.u32 $0x1C00, s7;
	v19 =	vadd.f32 v19, v20  }
0x33f: {  	s2 =	sand.u32 $0x60, s6;
	s4 =	sadd.s32 s8, s1;
	s1 =	sor.u32 $0x10000, s3  }
0x340: {  	s0 =	sor.u32 $0x10080, s3;
	s5 =	sor.u32 s2, s1;
	[tilespmem:s4+$0x0] =	vst v19  }
0x341: {  	s6 =	sor.u32 s2, s0;
	v19 =	vld [tilespmem:s5+$0x0]  }
0x342: {  	s4 =	sor.u32 $0x10100, s3;
	v58 =	vld [tilespmem:s6+$0x0]  }
0x343: {  	s10 =	sor.u32 s2, s4  }
0x344: {  	s5 =	sor.u32 $0x10180, s3;
	v21 =	vld [tilespmem:s10+$0x0]  }
0x345: {  	s11 =	sor.u32 s2, s5  }
0x346: {  	s12 =	sor.u32 $0x10200, s3;
	v22 =	vld [tilespmem:s11+$0x0]  }
0x347: {  	s13 =	sor.u32 s2, s12;
	v19 =	vmul.f32 v19, v4;
	v20 =	vmul.f32 v58, v3  }
0x348: {  	s14 =	sor.u32 $0x10280, s3;
	v23 =	vld [tilespmem:s13+$0x0]  }
0x349: {  	s9 =	sor.u32 s2, s14;
	v59 =	vmul.f32 v21, v5;
	v19 =	vadd.f32 v20, v19  }
0x34a: {  	s15 =	sor.u32 $0x10300, s3;
	v60 =	vld [tilespmem:s9+$0x0]  }
0x34b: {  	s10 =	sor.u32 s2, s15;
	v61 =	vmul.f32 v22, v6;
	v19 =	vadd.f32 v59, v19  }
0x34c: {  	s18 =	sor.u32 $0x10380, s3;
	v62 =	vld [tilespmem:s10+$0x0]  }
0x34d: {  	s20 =	sor.u32 s2, s18;
	v63 =	vmul.f32 v23, v7;
	v19 =	vadd.f32 v61, v19  }
0x34e: {  	s17 =	sor.u32 $0x12000, s3;
	v24 =	vld [tilespmem:s20+$0x0]  }
0x34f: {  	s21 =	sor.u32 s2, s17;
	v25 =	vmul.f32 v60, v8;
	v19 =	vadd.f32 v63, v19  }
0x350: {  	s19 =	sor.u32 $0x12080, s3;
	v26 =	vld [tilespmem:s21+$0x0]  }
0x351: {  	s22 =	sor.u32 s2, s19;
	v27 =	vmul.f32 v62, v9;
	v19 =	vadd.f32 v25, v19  }
0x352: {  	s20 =	sor.u32 $0x12100, s3;
	v28 =	vld [tilespmem:s22+$0x0]  }
0x353: {  	s23 =	sor.u32 s2, s20;
	v29 =	vmul.f32 v24, v10;
	v19 =	vadd.f32 v27, v19  }
0x354: {  	s21 =	sor.u32 $0x12180, s3;
	v30 =	vld [tilespmem:s23+$0x0]  }
0x355: {  	s24 =	sor.u32 s2, s21;
	v31 =	vmul.f32 v26, v11;
	v19 =	vadd.f32 v29, v19  }
0x356: {  	s22 =	sor.u32 $0x12200, s3;
	v32 =	vld [tilespmem:s24+$0x0]  }
0x357: {  	s25 =	sor.u32 s2, s22;
	v33 =	vmul.f32 v28, v12;
	v19 =	vadd.f32 v31, v19  }
0x358: {  	s23 =	sor.u32 $0x12280, s3;
	v34 =	vld [tilespmem:s25+$0x0]  }
0x359: {  	s26 =	sor.u32 s2, s23;
	v35 =	vmul.f32 v30, v13;
	v19 =	vadd.f32 v33, v19  }
0x35a: {  	s24 =	sor.u32 $0x12300, s3;
	v36 =	vld [tilespmem:s26+$0x0]  }
0x35b: {  	s28 =	sor.u32 s2, s24;
	v37 =	vmul.f32 v32, v14;
	v19 =	vadd.f32 v35, v19  }
0x35c: {  	s25 =	sor.u32 $0x12380, s3;
	v38 =	vld [tilespmem:s28+$0x0]  }
0x35d: {  	s29 =	sor.u32 s2, s25;
	v39 =	vmul.f32 v34, v15;
	v19 =	vadd.f32 v37, v19  }
0x35e: {  	v40 =	vld [tilespmem:s29+$0x0]  }
0x35f: {  	v41 =	vmul.f32 v36, v16;
	v19 =	vadd.f32 v39, v19;
	_ =	sdelay $0x1  }
0x360: {  	v42 =	vmul.f32 v38, v17;
	v19 =	vadd.f32 v41, v19;
	_ =	sdelay $0x1  }
0x361: {  	v43 =	vmul.f32 v40, v18;
	v19 =	vadd.f32 v42, v19;
	_ =	sdelay $0x1  }
0x362: {  	s3 =	sadd.s32 s3, s30;
	v19 =	vadd.f32 v43, v19  }
0x363: {  	s31 =	sadd.s32 s2, s3;
	s2 =	sor.u32 $0x10, s2  }
0x364: {  	s1 =	sor.u32 s2, s1;
	[tilespmem:s31+$0x0] =	vst v19  }
0x365: {  	s0 =	sor.u32 s2, s0;
	v19 =	vld [tilespmem:s1+$0x0]  }
0x366: {  	v44 =	vld [tilespmem:s0+$0x0]  }
0x367: {  	s10 =	sor.u32 s2, s4  }
0x368: {  	v45 =	vld [tilespmem:s10+$0x0]  }
0x369: {  	s11 =	sor.u32 s2, s5  }
0x36a: {  	v46 =	vld [tilespmem:s11+$0x0]  }
0x36b: {  	s12 =	sor.u32 s2, s12;
	v47 =	vmul.f32 v19, v4;
	v3 =	vmul.f32 v44, v3  }
0x36c: {  	v48 =	vld [tilespmem:s12+$0x0]  }
0x36d: {  	s13 =	sor.u32 s2, s14;
	v49 =	vmul.f32 v45, v5;
	v3 =	vadd.f32 v3, v47  }
0x36e: {  	v50 =	vld [tilespmem:s13+$0x0]  }
0x36f: {  	s14 =	sor.u32 s2, s15;
	v51 =	vmul.f32 v46, v6;
	v3 =	vadd.f32 v49, v3  }
0x370: {  	v52 =	vld [tilespmem:s14+$0x0]  }
0x371: {  	s15 =	sor.u32 s2, s18;
	v53 =	vmul.f32 v48, v7;
	v3 =	vadd.f32 v51, v3  }
0x372: {  	v54 =	vld [tilespmem:s15+$0x0]  }
0x373: {  	s18 =	sor.u32 s2, s17;
	v4 =	vmul.f32 v50, v8;
	v3 =	vadd.f32 v53, v3  }
0x374: {  	v55 =	vld [tilespmem:s18+$0x0]  }
0x375: {  	s19 =	sor.u32 s2, s19;
	v5 =	vmul.f32 v52, v9;
	v3 =	vadd.f32 v4, v3  }
0x376: {  	v56 =	vld [tilespmem:s19+$0x0]  }
0x377: {  	s20 =	sor.u32 s2, s20;
	v6 =	vmul.f32 v54, v10;
	v3 =	vadd.f32 v5, v3  }
0x378: {  	v57 =	vld [tilespmem:s20+$0x0]  }
0x379: {  	s21 =	sor.u32 s2, s21;
	v7 =	vmul.f32 v55, v11;
	v3 =	vadd.f32 v6, v3  }
0x37a: {  	v58 =	vld [tilespmem:s21+$0x0]  }
0x37b: {  	s26 =	sor.u32 s2, s22;
	v4 =	vmul.f32 v56, v12;
	v3 =	vadd.f32 v7, v3  }
0x37c: {  	v59 =	vld [tilespmem:s26+$0x0]  }
0x37d: {  	s28 =	sor.u32 s2, s23;
	v5 =	vmul.f32 v57, v13;
	v3 =	vadd.f32 v4, v3  }
0x37e: {  	v60 =	vld [tilespmem:s28+$0x0]  }
0x37f: {  	s29 =	sor.u32 s2, s24;
	v6 =	vmul.f32 v58, v14;
	v3 =	vadd.f32 v5, v3  }
0x380: {  	v61 =	vld [tilespmem:s29+$0x0]  }
0x381: {  	s30 =	sor.u32 s2, s25;
	v7 =	vmul.f32 v59, v15;
	v3 =	vadd.f32 v6, v3  }
0x382: {  	v62 =	vld [tilespmem:s30+$0x0]  }
0x383: {  	v4 =	vmul.f32 v60, v16;
	v3 =	vadd.f32 v7, v3;
	_ =	sdelay $0x1  }
0x384: {  	s16 =	sadd.s32 $0x1, s16;
	v5 =	vmul.f32 v61, v17;
	v3 =	vadd.f32 v4, v3  }
0x385: {  	p0 =	sne.s32 s16, $0x8  }
.Ltmp4:
0x386: {  	v63 =	vmul.f32 v62, v18;
	v3 =	vadd.f32 v5, v3;
	(pc) =	sbr.rel @p0 .LBB2_3-.Ltmp4, $4  }
0x387: {  	_ = 	snop  }
0x388: {  	v3 =	vadd.f32 v63, v3  }
0x389: {  	s31 =	sadd.s32 s2, s3;
	s15 =	rddreg [dreg:$0x7]  }
0x38a: {  	s18 =	rddreg [dreg:$0x8];
	[tilespmem:s31+$0x0] =	vst v3  }
0x38b: {  	s0 =	rddreg [dreg:$0xb]  }
0x38c: {  	s1 =	rddreg [dreg:$0x17];
	s30 =	simm.s32 $0x0  }
0x38d: {  	s2 =	simm.s32 $0x18000;
	s4 =	simm.s32 $0x5;
	s0 =	sadd.s32 s0, s1  }
0x38e: {  	[hbm4b:s0+s30] =	stream.linear.scatter [tilespmem:s2], [sflag:$0x5], $0x4000, $0x38;
	[tilespmem:$0x1C080] =	vst v63  }
0x38f: {  	_ =	swait.ge [sflag:s4], $0x4000  }
0x390: {  	s31 =	rddreg [dreg:$0x15]  }
0x391: {  	s0 =	sadd.s32 $0x1, s31  }
0x392: {  	p0 =	sne.s32 s0, $0x8  }
.Ltmp5:
0x393: {  	_ = 	snop;
	(pc) =	sbr.rel @p0 .LBB2_2-.Ltmp5, $3  }
0x394: {  	_ =	sdelay $0x1  }
0x395: {  	[sflag:s4] =	ssyncset.done $0x0  }
0x396: {  	[sflag:s4] =	ssyncadd.s32 $0xFFFFC000  }
0x397: {  	s0 =	simm.s32 $0x1  }
0x398: {  	_ =	swait.ge [sflag:s0], $0x4000  }
0x399: {  	[sflag:s0] =	ssyncset.done $0x0  }
0x39a: {  	s1 =	simm.s32 $0x3;
	[sflag:s0] =	ssyncadd.s32 $0xFFFFC000  }
0x39b: {  	_ =	swait.ge [sflag:s1], $0x4000  }
0x39c: {  	s2 =	rddreg [dreg:$0x14]  }
0x39d: {  	s31 =	rddreg [dreg:$0x13];
	s2 =	sadd.s32 $0x1, s2  }
0x39e: {  	p0 =	sne.s32 s2, s31  }
.Ltmp6:
0x39f: {  	_ = 	snop;
	(pc) =	sbr.rel @p0 .LBB2_1-.Ltmp6, $3  }
0x3a0: {  	_ =	sdelay $0x1  }
0x3a1: {  	[sflag:s1] =	ssyncset.done $0x0  }
0x3a2: {  	[sflag:s1] =	ssyncadd.s32 $0xFFFFC000  }
0x3a3: {  	_ =	sfence.sel $0x180000  }
0x3a4: {  	[bflag:$0x0] =	sbarrier.arrive $0xFFFF  }
0x3a5: {  	_ =	strace $0x90000047  }
0x3a6: {  	s0 =	stileid.u32;
	[bflag:$0x2] =	sbarrier.arrive $0xFFFF  }
0x3a7: {  	p0 =	sne.s32 s0, $0x0;
	s0 =	rddreg [dreg:$0x2]  }
0x3a8: {  	s0 =	sadd.s32 @!p0 $0x100000, s0  }
0x3a9: {  	[sflag:s0] =	ssyncadd.tile.s32 @!p0 $0x1;
	_ =	shalt  }
.Lfunc_end2:
_tile_overlayer_lowered:
.L_overlay_start_2:
0x3aa: {  	(tag) =	ssettag $0x2  }
0x3ab: {  	s0 =	rddreg [dreg:$0x0];
	s2 =	stileid.u32  }
0x3ac: {  	s1 =	rddreg [dreg:$0x1];
	p0 =	sne.s32 s2, $0x0  }
0x3ad: {  	s3 =	rddreg [dreg:$0x2];
	[bflag:$0x3] =	sbarrier.arrive $0xFFFF;
	s2 =	simm.s32 @!p0 $0x1C05  }
0x3ae: {  	[timem:s3], [sflag:s2] =	dma.local @!p0 [hbm:s0], s1  }
0x3af: {  	s0 =	simm.s32 @!p0 $0x5  }
0x3b0: {  	_ =	swait.ge @!p0 [sflag:s0], s1  }
0x3b1: {  	s1 =	ssub.s32 @!p0 $0x0, s1;
	[sflag:s0] =	ssyncset.done @!p0 $0x0  }
0x3b2: {  	[sflag:s0] =	ssyncadd.s32 @!p0 s1  }
0x3b3: {  	[bflag:$0x3] =	sbarrier.arrive $0xFFFF  }
0x3b4: {  	_ =	shalt  }

</sc_bundles>
